<compile_context>
chip_gen: v7x
topology: tpu7x:2x2x1
jax: 0.10.2.dev20260603
libtpu: 0.0.44.dev20260713+nightly
codegen_flags: <defaults>
</compile_context>

<pallas_src>
import functools

import jax
import jax.numpy as jnp
import numpy as np
from jax import lax
from jax.experimental import pallas as pl
from jax.experimental.pallas import tpu as pltpu
from jax.experimental.pallas import tpu_sc as plsc

_S = 10000
_EX = 10000
_K = 128
_D = 32
_B = 16384

_INFO = plsc.get_sparse_core_info()
_NW = _INFO.num_cores * _INFO.num_subcores
_BPW = _B // _NW
_CH = 128
_NCH = _BPW // _CH
_L = 16


def _tc_tables(st_ref, ex_ref, kemb_ref, stat_ref, kd_ref):
    dn = (((1,), (1,)), ((), ()))
    kemb = kemb_ref[...]
    stat_ref[...] = jax.nn.sigmoid(
        lax.dot_general(st_ref[...], kemb, dn,
                        preferred_element_type=jnp.float32))
    kd_ref[...] = lax.dot_general(ex_ref[...], kemb, dn,
                                  preferred_element_type=jnp.float32)


def _sc_gather(stu_id_h, ex_id_h, stat_h, kd_h, ed_h, ikp_h,
               num_h, den_h, out_e_h,
               sidx, eidx, sb0, kb0, pb0, sb1, kb1, pb1, nb, db, edv,
               sem0, sem1, seme):
    wid = lax.axis_index("s") * _INFO.num_cores + lax.axis_index("c")
    base = wid * _BPW
    pltpu.sync_copy(stu_id_h.at[pl.ds(base, _BPW)], sidx)
    pltpu.sync_copy(ex_id_h.at[pl.ds(base, _BPW)], eidx)
    ce = pltpu.async_copy(ed_h.at[eidx], edv, seme)
    sbufs = (sb0, sb1)
    kbufs = (kb0, kb1)
    pbufs = (pb0, pb1)
    sems = (sem0, sem1)

    def issue(c):
        sl = pl.ds(c * _CH, _CH)
        return (pltpu.async_copy(stat_h.at[sidx.at[sl]], sbufs[c % 2],
                                 sems[c % 2]),
                pltpu.async_copy(kd_h.at[eidx.at[sl]], kbufs[c % 2],
                                 sems[c % 2]),
                pltpu.async_copy(ikp_h.at[pl.ds(base + c * _CH, _CH)],
                                 pbufs[c % 2], sems[c % 2]))

    cps = issue(0)
    for c in range(_NCH):
        nxt = issue(c + 1) if c + 1 < _NCH else None
        for cp in cps:
            cp.wait()
        sb, kb, pb = sbufs[c % 2], kbufs[c % 2], pbufs[c % 2]

        def row_red(r, _):
            s = sb[r, pl.ds(0, _L)]
            k = kb[r, pl.ds(0, _L)]
            p = pb[r, pl.ds(0, _L)]
            an = p * (s - k)
            ad = p
            for c8 in range(1, _K // _L):
                sl = pl.ds(c8 * _L, _L)
                s = sb[r, sl]
                k = kb[r, sl]
                p = pb[r, sl]
                an = an + p * (s - k)
                ad = ad + p
            nb[pl.ds(r * _L, _L)] = an
            db[pl.ds(r * _L, _L)] = ad
            return _

        lax.fori_loop(0, _CH, row_red, 0, unroll=4)
        osl = pl.ds((base + c * _CH) * _L, _CH * _L)
        pltpu.sync_copy(nb, num_h.at[osl])
        pltpu.sync_copy(db, den_h.at[osl])
        cps = nxt
    ce.wait()
    pltpu.sync_copy(edv, out_e_h.at[pl.ds(base, _BPW)])


_sc_gather_call = functools.partial(
    pl.kernel,
    mesh=plsc.VectorSubcoreMesh(core_axis_name="c", subcore_axis_name="s"),
    out_type=[
        jax.ShapeDtypeStruct((_B * _L,), jnp.float32),
        jax.ShapeDtypeStruct((_B * _L,), jnp.float32),
        jax.ShapeDtypeStruct((_B,), jnp.float32),
    ],
    scratch_types=[
        pltpu.VMEM((_BPW,), jnp.int32),
        pltpu.VMEM((_BPW,), jnp.int32),
        pltpu.VMEM((_CH, _K), jnp.float32),
        pltpu.VMEM((_CH, _K), jnp.float32),
        pltpu.VMEM((_CH, _K), jnp.float32),
        pltpu.VMEM((_CH, _K), jnp.float32),
        pltpu.VMEM((_CH, _K), jnp.float32),
        pltpu.VMEM((_CH, _K), jnp.float32),
        pltpu.VMEM((_CH * _L,), jnp.float32),
        pltpu.VMEM((_CH * _L,), jnp.float32),
        pltpu.VMEM((_BPW,), jnp.float32),
        pltpu.SemaphoreType.DMA,
        pltpu.SemaphoreType.DMA,
        pltpu.SemaphoreType.DMA,
    ],
)(_sc_gather)


def _tc_tail(n_ref, d_ref, ed_ref, g_ref, out_ref):
    dn = (((1,), (0,)), ((), ()))
    g = g_ref[...]
    num = lax.dot_general(n_ref[...], g, dn,
                          preferred_element_type=jnp.float32)
    den = lax.dot_general(d_ref[...], g, dn,
                          preferred_element_type=jnp.float32)
    ed = jax.nn.sigmoid(ed_ref[...])
    out_ref[...] = jax.nn.sigmoid(ed * num / den)


def kernel(stu_id, input_exercise, input_knowledge_point, student_emb,
           exercise_emb, knowledge_emb, e_disc, edge_index_1, edge_vals_1,
           edge_index_0, edge_vals_0, d_i_1, d_j_1, d_i_0, d_j_0):
    rb = 2000
    stat_tab, kd_tab = pl.pallas_call(
        _tc_tables,
        grid=(_S // rb,),
        in_specs=[
            pl.BlockSpec((rb, _D), lambda i: (i, 0)),
            pl.BlockSpec((rb, _D), lambda i: (i, 0)),
            pl.BlockSpec((_K, _D), lambda i: (0, 0)),
        ],
        out_specs=[
            pl.BlockSpec((rb, _K), lambda i: (i, 0)),
            pl.BlockSpec((rb, _K), lambda i: (i, 0)),
        ],
        out_shape=[
            jax.ShapeDtypeStruct((_S, _K), jnp.float32),
            jax.ShapeDtypeStruct((_EX, _K), jnp.float32),
        ],
    )(student_emb, exercise_emb, knowledge_emb)

    sid = stu_id.astype(jnp.int32)
    eid = input_exercise.astype(jnp.int32)
    num16, den16, ged = _sc_gather_call(sid, eid, stat_tab, kd_tab,
                                        e_disc.reshape(-1),
                                        input_knowledge_point)

    rows = _B * _L // _K
    gmat = np.zeros((_K, 8), np.float32)
    for g in range(8):
        gmat[g * _L:(g + 1) * _L, g] = 1.0
    out = pl.pallas_call(
        _tc_tail,
        in_specs=[
            pl.BlockSpec((rows, _K), lambda: (0, 0)),
            pl.BlockSpec((rows, _K), lambda: (0, 0)),
            pl.BlockSpec((rows, 8), lambda: (0, 0)),
            pl.BlockSpec((_K, 8), lambda: (0, 0)),
        ],
        out_specs=pl.BlockSpec((rows, 8), lambda: (0, 0)),
        out_shape=jax.ShapeDtypeStruct((rows, 8), jnp.float32),
    )(num16.reshape(rows, _K), den16.reshape(rows, _K),
      ged.reshape(rows, 8), gmat)
    return out.reshape(-1)

# --- scband reference (transcript-rebuilt; emitter-appended) ---
"""Pipeline reference for scband-ka-ncd-hyper-rgcn-91044716740749 (READ-ONLY COPY).

The authoritative reference and input builder live on the scoring server;
editing this copy changes nothing except your own understanding.
"""

import jax, jax.numpy as jnp
import numpy as np

S = 10000   # student_n
EX = 10000  # exer_n
K = 128     # knowledge_n
D = 32      # emb dim
B = 16384   # batch
E = 320000  # edges per relation graph


def setup_inputs(seed: int = 0) -> dict:
    key = jax.random.key(seed)
    ks = jax.random.split(key, 16)
    return {
        "stu_id": jax.random.randint(ks[0], (B,), 0, S),
        "input_exercise": jax.random.randint(ks[1], (B,), 0, EX),
        "input_knowledge_point": jax.random.uniform(ks[2], (B, K), dtype=jnp.float32),
        "student_emb": jax.random.normal(ks[3], (S, D), dtype=jnp.float32),
        "exercise_emb": jax.random.normal(ks[4], (EX, D), dtype=jnp.float32),
        "knowledge_emb": jax.random.normal(ks[5], (K, D), dtype=jnp.float32),
        "e_disc": jax.random.normal(ks[6], (EX, 1), dtype=jnp.float32),
        "edge_index_1": jax.random.randint(ks[7], (2, E), 0, S),
        "edge_vals_1": jax.random.uniform(ks[8], (E,), dtype=jnp.float32),
        "edge_index_0": jax.random.randint(ks[9], (2, E), 0, S),
        "edge_vals_0": jax.random.uniform(ks[10], (E,), dtype=jnp.float32),
        "d_i_1": jax.random.uniform(ks[11], (S,), dtype=jnp.float32) + 1.0,
        "d_j_1": jax.random.uniform(ks[12], (EX,), dtype=jnp.float32) + 1.0,
        "d_i_0": jax.random.uniform(ks[13], (S,), dtype=jnp.float32) + 1.0,
        "d_j_0": jax.random.uniform(ks[14], (EX,), dtype=jnp.float32) + 1.0,
    }


def _spmm(dst, src, vals, x, n_out):
    # sparse COO matmul: out[dst] += vals * x[src]  (gather + scatter-add)
    return jax.ops.segment_sum(vals[:, None] * jnp.take(x, src, axis=0), dst, num_segments=n_out)


def reference(stu_id, input_exercise, input_knowledge_point, student_emb, exercise_emb,
              knowledge_emb, e_disc, edge_index_1, edge_vals_1, edge_index_0, edge_vals_0,
              d_i_1, d_j_1, d_i_0, d_j_0):
    # mf_type == 'mf': (stu_emb * knowledge_emb).sum(-1) == stu_emb @ knowledge_emb.T
    stat_emb = jax.nn.sigmoid(jnp.einsum('sd,kd->sk', student_emb, knowledge_emb))   # [S, K]
    k_difficulty = jnp.einsum('ed,kd->ek', exercise_emb, knowledge_emb)               # [EX, K]
    e_discrimination = jax.nn.sigmoid(jnp.take(e_disc, input_exercise, axis=0))       # [B, 1]

    u1, i1 = edge_index_1[0], edge_index_1[1]
    u0, i0 = edge_index_0[0], edge_index_0[1]
    # hyper-RGCN propagation (computed as in the original forward; outputs unused downstream)
    g1u1 = _spmm(u1, i1, edge_vals_1, k_difficulty, S) + stat_emb * d_i_1[:, None]
    g1i1 = _spmm(i1, u1, edge_vals_1, stat_emb, EX) + k_difficulty * d_j_1[:, None]
    g2u1 = _spmm(u1, i1, edge_vals_1, g1i1, S) + g1u1 * d_i_1[:, None]
    g2i1 = _spmm(i1, u1, edge_vals_1, g1u1, EX) + g1i1 * d_j_1[:, None]
    g1u0 = _spmm(u0, i0, edge_vals_0, k_difficulty, S) + stat_emb * d_i_0[:, None]
    g1i0 = _spmm(i0, u0, edge_vals_0, stat_emb, EX) + k_difficulty * d_j_0[:, None]
    g2u0 = _spmm(u0, i0, edge_vals_0, g1i0, S) + g1u0 * d_i_0[:, None]
    g2i0 = _spmm(i0, u0, edge_vals_0, g1u0, EX) + g1i0 * d_j_0[:, None]

    se = jnp.take(stat_emb, stu_id, axis=0)            # [B, K]
    kd = jnp.take(k_difficulty, input_exercise, axis=0)  # [B, K]
    input_x = input_knowledge_point * (se - kd) * e_discrimination
    out = jax.nn.sigmoid(input_x.sum(-1) / input_knowledge_point.sum(-1))
    return out.reshape(-1)

if __name__ == "__main__":
    import jax
    _d = setup_inputs()
    print(jax.jit(kernel)(*tuple(_d.values())))

</pallas_src>

<mosaic_0001>
#map = affine_map<(d0, d1) -> (0)>
#map1 = affine_map<(d0, d1) -> (0, 0)>
module attributes {stable_mosaic.version = 14 : i64} {
  func.func @_sc_gather(%arg0: i32, %arg1: i32, %arg2: memref<16384xi32, #tpu.memory_space<hbm>>, %arg3: memref<16384xi32, #tpu.memory_space<hbm>>, %arg4: memref<10000x128xf32, #tpu.memory_space<hbm>>, %arg5: memref<10000x128xf32, #tpu.memory_space<hbm>>, %arg6: memref<10000xf32, #tpu.memory_space<hbm>>, %arg7: memref<16384x128xf32, #tpu.memory_space<hbm>>, %arg8: memref<262144xf32, #tpu.memory_space<hbm>>, %arg9: memref<262144xf32, #tpu.memory_space<hbm>>, %arg10: memref<16384xf32, #tpu.memory_space<hbm>>, %arg11: memref<512xi32, #tpu.memory_space<vmem>>, %arg12: memref<512xi32, #tpu.memory_space<vmem>>, %arg13: memref<128x128xf32, #tpu.memory_space<vmem>>, %arg14: memref<128x128xf32, #tpu.memory_space<vmem>>, %arg15: memref<128x128xf32, #tpu.memory_space<vmem>>, %arg16: memref<128x128xf32, #tpu.memory_space<vmem>>, %arg17: memref<128x128xf32, #tpu.memory_space<vmem>>, %arg18: memref<128x128xf32, #tpu.memory_space<vmem>>, %arg19: memref<2048xf32, #tpu.memory_space<vmem>>, %arg20: memref<2048xf32, #tpu.memory_space<vmem>>, %arg21: memref<512xf32, #tpu.memory_space<vmem>>, %arg22: memref<!tpu.dma_semaphore, #tpu.memory_space<semaphore_mem>>, %arg23: memref<!tpu.dma_semaphore, #tpu.memory_space<semaphore_mem>>, %arg24: memref<!tpu.dma_semaphore, #tpu.memory_space<semaphore_mem>>) attributes {dimension_semantics = [#tpu.dimension_semantics<core_parallel>, #tpu.dimension_semantics<subcore_parallel>], iteration_bounds = array<i64: 2, 16>, scalar_prefetch = 0 : i64, scratch_operands = 14 : i64, tpu.core_type = #tpu.core_type<sc_vector_subcore>, window_params = [{transform_indices = #map}, {transform_indices = #map}, {transform_indices = #map1}, {transform_indices = #map1}, {transform_indices = #map}, {transform_indices = #map1}, {transform_indices = #map}, {transform_indices = #map}, {transform_indices = #map}]} {
    %mul3A = arith.constant 2 : i32
    %mul3A_0 = arith.muli %arg1, %mul3A : i32
    %add3A = arith.addi %mul3A_0, %arg0 : i32
    %mul3A_1 = arith.constant 512 : i32
    %mul3A_2 = arith.muli %add3A, %mul3A_1 : i32
    "tpu.region"() ({
      %run_scoped3A = tpu.sem_alloc : memref<!tpu.dma_semaphore, #tpu.memory_space<semaphore_mem>>
      %dma_start3A_164 = tpu.memref_slice %arg2[%mul3A_2] : memref<16384xi32, #tpu.memory_space<hbm>> -> memref<512xi32, #tpu.memory_space<hbm>>
      %dma_start3A_165 = tpu.memref_slice %arg2[%mul3A_2] : memref<16384xi32, #tpu.memory_space<hbm>> -> memref<512xi32, #tpu.memory_space<hbm>>
      tpu.enqueue_dma source(%dma_start3A_165 : memref<512xi32, #tpu.memory_space<hbm>>) target(%arg11 : memref<512xi32, #tpu.memory_space<vmem>>) target_semaphore(%run_scoped3A : memref<!tpu.dma_semaphore, #tpu.memory_space<semaphore_mem>>)
      %dma_wait3A_166 = tpu.memref_slice %arg2[%mul3A_2] : memref<16384xi32, #tpu.memory_space<hbm>> -> memref<512xi32, #tpu.memory_space<hbm>>
      %dma_wait3A_167 = tpu.memref_slice %arg2[%mul3A_2] : memref<16384xi32, #tpu.memory_space<hbm>> -> memref<512xi32, #tpu.memory_space<hbm>>
      tpu.wait_dma2 semaphore(%run_scoped3A : memref<!tpu.dma_semaphore, #tpu.memory_space<semaphore_mem>>) src(%dma_wait3A_167 : memref<512xi32, #tpu.memory_space<hbm>>) dst(%arg11 : memref<512xi32, #tpu.memory_space<vmem>>)
      tpu.yield
    }) : () -> ()
    "tpu.region"() ({
      %run_scoped3A = tpu.sem_alloc : memref<!tpu.dma_semaphore, #tpu.memory_space<semaphore_mem>>
      %dma_start3A_164 = tpu.memref_slice %arg3[%mul3A_2] : memref<16384xi32, #tpu.memory_space<hbm>> -> memref<512xi32, #tpu.memory_space<hbm>>
      %dma_start3A_165 = tpu.memref_slice %arg3[%mul3A_2] : memref<16384xi32, #tpu.memory_space<hbm>> -> memref<512xi32, #tpu.memory_space<hbm>>
      tpu.enqueue_dma source(%dma_start3A_165 : memref<512xi32, #tpu.memory_space<hbm>>) target(%arg12 : memref<512xi32, #tpu.memory_space<vmem>>) target_semaphore(%run_scoped3A : memref<!tpu.dma_semaphore, #tpu.memory_space<semaphore_mem>>)
      %dma_wait3A_166 = tpu.memref_slice %arg3[%mul3A_2] : memref<16384xi32, #tpu.memory_space<hbm>> -> memref<512xi32, #tpu.memory_space<hbm>>
      %dma_wait3A_167 = tpu.memref_slice %arg3[%mul3A_2] : memref<16384xi32, #tpu.memory_space<hbm>> -> memref<512xi32, #tpu.memory_space<hbm>>
      tpu.wait_dma2 semaphore(%run_scoped3A : memref<!tpu.dma_semaphore, #tpu.memory_space<semaphore_mem>>) src(%dma_wait3A_167 : memref<512xi32, #tpu.memory_space<hbm>>) dst(%arg12 : memref<512xi32, #tpu.memory_space<vmem>>)
      tpu.yield
    }) : () -> ()
    %dma_start3A = arith.constant 0 : i32
    %dma_start3A_3 = tpu.memref_slice %arg6[%dma_start3A] : memref<10000xf32, #tpu.memory_space<hbm>> -> memref<10000xf32, #tpu.memory_space<hbm>>
    tpu.enqueue_indirect_dma source(%dma_start3A_3 : memref<10000xf32, #tpu.memory_space<hbm>>) target(%arg21 : memref<512xf32, #tpu.memory_space<vmem>>) offsets(%arg12 : memref<512xi32, #tpu.memory_space<vmem>>) semaphore(%arg24 : memref<!tpu.dma_semaphore, #tpu.memory_space<semaphore_mem>>)
    %dma_start3A_4 = arith.constant 0 : i32
    %dma_start3A_5 = tpu.memref_slice %arg11[%dma_start3A_4] : memref<512xi32, #tpu.memory_space<vmem>> -> memref<128xi32, #tpu.memory_space<vmem>>
    %dma_start3A_6 = arith.constant 0 : i32
    %dma_start3A_7 = arith.constant 0 : i32
    %dma_start3A_8 = tpu.memref_slice %arg4[%dma_start3A_6, %dma_start3A_7] : memref<10000x128xf32, #tpu.memory_space<hbm>> -> memref<10000x128xf32, #tpu.memory_space<hbm>>
    tpu.enqueue_indirect_dma source(%dma_start3A_8 : memref<10000x128xf32, #tpu.memory_space<hbm>>) target(%arg13 : memref<128x128xf32, #tpu.memory_space<vmem>>) offsets(%dma_start3A_5 : memref<128xi32, #tpu.memory_space<vmem>>) semaphore(%arg22 : memref<!tpu.dma_semaphore, #tpu.memory_space<semaphore_mem>>)
    %dma_start3A_9 = arith.constant 0 : i32
    %dma_start3A_10 = tpu.memref_slice %arg12[%dma_start3A_9] : memref<512xi32, #tpu.memory_space<vmem>> -> memref<128xi32, #tpu.memory_space<vmem>>
    %dma_start3A_11 = arith.constant 0 : i32
    %dma_start3A_12 = arith.constant 0 : i32
    %dma_start3A_13 = tpu.memref_slice %arg5[%dma_start3A_11, %dma_start3A_12] : memref<10000x128xf32, #tpu.memory_space<hbm>> -> memref<10000x128xf32, #tpu.memory_space<hbm>>
    tpu.enqueue_indirect_dma source(%dma_start3A_13 : memref<10000x128xf32, #tpu.memory_space<hbm>>) target(%arg14 : memref<128x128xf32, #tpu.memory_space<vmem>>) offsets(%dma_start3A_10 : memref<128xi32, #tpu.memory_space<vmem>>) semaphore(%arg22 : memref<!tpu.dma_semaphore, #tpu.memory_space<semaphore_mem>>)
    %add3A_14 = arith.constant 0 : i32
    %add3A_15 = arith.addi %mul3A_2, %add3A_14 : i32
    %dma_start3A_16 = arith.constant 0 : i32
    %dma_start3A_17 = tpu.memref_slice %arg7[%add3A_15, %dma_start3A_16] : memref<16384x128xf32, #tpu.memory_space<hbm>> -> memref<128x128xf32, #tpu.memory_space<hbm>>
    %dma_start3A_18 = arith.constant 0 : i32
    %dma_start3A_19 = tpu.memref_slice %arg7[%add3A_15, %dma_start3A_18] : memref<16384x128xf32, #tpu.memory_space<hbm>> -> memref<128x128xf32, #tpu.memory_space<hbm>>
    tpu.enqueue_dma source(%dma_start3A_19 : memref<128x128xf32, #tpu.memory_space<hbm>>) target(%arg15 : memref<128x128xf32, #tpu.memory_space<vmem>>) target_semaphore(%arg22 : memref<!tpu.dma_semaphore, #tpu.memory_space<semaphore_mem>>)
    %dma_start3A_20 = arith.constant 128 : i32
    %dma_start3A_21 = tpu.memref_slice %arg11[%dma_start3A_20] : memref<512xi32, #tpu.memory_space<vmem>> -> memref<128xi32, #tpu.memory_space<vmem>>
    %dma_start3A_22 = arith.constant 0 : i32
    %dma_start3A_23 = arith.constant 0 : i32
    %dma_start3A_24 = tpu.memref_slice %arg4[%dma_start3A_22, %dma_start3A_23] : memref<10000x128xf32, #tpu.memory_space<hbm>> -> memref<10000x128xf32, #tpu.memory_space<hbm>>
    tpu.enqueue_indirect_dma source(%dma_start3A_24 : memref<10000x128xf32, #tpu.memory_space<hbm>>) target(%arg16 : memref<128x128xf32, #tpu.memory_space<vmem>>) offsets(%dma_start3A_21 : memref<128xi32, #tpu.memory_space<vmem>>) semaphore(%arg23 : memref<!tpu.dma_semaphore, #tpu.memory_space<semaphore_mem>>)
    %dma_start3A_25 = arith.constant 128 : i32
    %dma_start3A_26 = tpu.memref_slice %arg12[%dma_start3A_25] : memref<512xi32, #tpu.memory_space<vmem>> -> memref<128xi32, #tpu.memory_space<vmem>>
    %dma_start3A_27 = arith.constant 0 : i32
    %dma_start3A_28 = arith.constant 0 : i32
    %dma_start3A_29 = tpu.memref_slice %arg5[%dma_start3A_27, %dma_start3A_28] : memref<10000x128xf32, #tpu.memory_space<hbm>> -> memref<10000x128xf32, #tpu.memory_space<hbm>>
    tpu.enqueue_indirect_dma source(%dma_start3A_29 : memref<10000x128xf32, #tpu.memory_space<hbm>>) target(%arg17 : memref<128x128xf32, #tpu.memory_space<vmem>>) offsets(%dma_start3A_26 : memref<128xi32, #tpu.memory_space<vmem>>) semaphore(%arg23 : memref<!tpu.dma_semaphore, #tpu.memory_space<semaphore_mem>>)
    %add3A_30 = arith.constant 128 : i32
    %add3A_31 = arith.addi %mul3A_2, %add3A_30 : i32
    %dma_start3A_32 = arith.constant 0 : i32
    %dma_start3A_33 = tpu.memref_slice %arg7[%add3A_31, %dma_start3A_32] : memref<16384x128xf32, #tpu.memory_space<hbm>> -> memref<128x128xf32, #tpu.memory_space<hbm>>
    %dma_start3A_34 = arith.constant 0 : i32
    %dma_start3A_35 = tpu.memref_slice %arg7[%add3A_31, %dma_start3A_34] : memref<16384x128xf32, #tpu.memory_space<hbm>> -> memref<128x128xf32, #tpu.memory_space<hbm>>
    tpu.enqueue_dma source(%dma_start3A_35 : memref<128x128xf32, #tpu.memory_space<hbm>>) target(%arg18 : memref<128x128xf32, #tpu.memory_space<vmem>>) target_semaphore(%arg23 : memref<!tpu.dma_semaphore, #tpu.memory_space<semaphore_mem>>)
    %dma_wait3A = arith.constant 0 : i32
    %dma_wait3A_36 = tpu.memref_slice %arg11[%dma_wait3A] : memref<512xi32, #tpu.memory_space<vmem>> -> memref<128xi32, #tpu.memory_space<vmem>>
    %dma_wait3A_37 = arith.constant 0 : i32
    %dma_wait3A_38 = arith.constant 0 : i32
    %dma_wait3A_39 = tpu.memref_slice %arg4[%dma_wait3A_37, %dma_wait3A_38] : memref<10000x128xf32, #tpu.memory_space<hbm>> -> memref<10000x128xf32, #tpu.memory_space<hbm>>
    tpu.wait_indirect_dma semaphore(%arg22 : memref<!tpu.dma_semaphore, #tpu.memory_space<semaphore_mem>>) src(%dma_wait3A_39 : memref<10000x128xf32, #tpu.memory_space<hbm>>) dst(%arg13 : memref<128x128xf32, #tpu.memory_space<vmem>>)
    %dma_wait3A_40 = arith.constant 0 : i32
    %dma_wait3A_41 = tpu.memref_slice %arg12[%dma_wait3A_40] : memref<512xi32, #tpu.memory_space<vmem>> -> memref<128xi32, #tpu.memory_space<vmem>>
    %dma_wait3A_42 = arith.constant 0 : i32
    %dma_wait3A_43 = arith.constant 0 : i32
    %dma_wait3A_44 = tpu.memref_slice %arg5[%dma_wait3A_42, %dma_wait3A_43] : memref<10000x128xf32, #tpu.memory_space<hbm>> -> memref<10000x128xf32, #tpu.memory_space<hbm>>
    tpu.wait_indirect_dma semaphore(%arg22 : memref<!tpu.dma_semaphore, #tpu.memory_space<semaphore_mem>>) src(%dma_wait3A_44 : memref<10000x128xf32, #tpu.memory_space<hbm>>) dst(%arg14 : memref<128x128xf32, #tpu.memory_space<vmem>>)
    %dma_wait3A_45 = arith.constant 0 : i32
    %dma_wait3A_46 = tpu.memref_slice %arg7[%add3A_15, %dma_wait3A_45] : memref<16384x128xf32, #tpu.memory_space<hbm>> -> memref<128x128xf32, #tpu.memory_space<hbm>>
    %dma_wait3A_47 = arith.constant 0 : i32
    %dma_wait3A_48 = tpu.memref_slice %arg7[%add3A_15, %dma_wait3A_47] : memref<16384x128xf32, #tpu.memory_space<hbm>> -> memref<128x128xf32, #tpu.memory_space<hbm>>
    tpu.wait_dma2 semaphore(%arg22 : memref<!tpu.dma_semaphore, #tpu.memory_space<semaphore_mem>>) src(%dma_wait3A_48 : memref<128x128xf32, #tpu.memory_space<hbm>>) dst(%arg15 : memref<128x128xf32, #tpu.memory_space<vmem>>)
    %scan3A = arith.constant 0 : i32
    %scan3A_49 = arith.constant 0 : i32
    %scan3A_50 = arith.constant 128 : i32
    %scan3A_51 = arith.addi %scan3A_49, %scan3A_50 : i32
    %scan3A_52 = arith.constant 4 : i32
    scf.for %scan3A_164 = %scan3A_49 to %scan3A_51 step %scan3A_52  : i32 {
      %get3A = arith.index_cast %scan3A_164 : i32 to index
      %get3A_165 = arith.constant 0 : index
      %get3A_166 = tpu.vector_load %arg13[%get3A, %get3A_165] {strides = array<i32>} : memref<128x128xf32, #tpu.memory_space<vmem>>, vector<1x16xf32>,
      %get3A_167 = vector.shape_cast %get3A_166 : vector<1x16xf32> to vector<16xf32>
      %get3A_168 = arith.index_cast %scan3A_164 : i32 to index
      %get3A_169 = arith.constant 0 : index
      %get3A_170 = tpu.vector_load %arg14[%get3A_168, %get3A_169] {strides = array<i32>} : memref<128x128xf32, #tpu.memory_space<vmem>>, vector<1x16xf32>,
      %get3A_171 = vector.shape_cast %get3A_170 : vector<1x16xf32> to vector<16xf32>
      %get3A_172 = arith.index_cast %scan3A_164 : i32 to index
      %get3A_173 = arith.constant 0 : index
      %get3A_174 = tpu.vector_load %arg15[%get3A_172, %get3A_173] {strides = array<i32>} : memref<128x128xf32, #tpu.memory_space<vmem>>, vector<1x16xf32>,
      %get3A_175 = vector.shape_cast %get3A_174 : vector<1x16xf32> to vector<16xf32>
      %sub3A = arith.subf %get3A_167, %get3A_171 : vector<16xf32>
      %mul3A_176 = arith.mulf %get3A_175, %sub3A : vector<16xf32>
      %get3A_177 = arith.index_cast %scan3A_164 : i32 to index
      %get3A_178 = arith.constant 16 : index
      %get3A_179 = tpu.vector_load %arg13[%get3A_177, %get3A_178] {strides = array<i32>} : memref<128x128xf32, #tpu.memory_space<vmem>>, vector<1x16xf32>,
      %get3A_180 = vector.shape_cast %get3A_179 : vector<1x16xf32> to vector<16xf32>
      %get3A_181 = arith.index_cast %scan3A_164 : i32 to index
      %get3A_182 = arith.constant 16 : index
      %get3A_183 = tpu.vector_load %arg14[%get3A_181, %get3A_182] {strides = array<i32>} : memref<128x128xf32, #tpu.memory_space<vmem>>, vector<1x16xf32>,
      %get3A_184 = vector.shape_cast %get3A_183 : vector<1x16xf32> to vector<16xf32>
      %get3A_185 = arith.index_cast %scan3A_164 : i32 to index
      %get3A_186 = arith.constant 16 : index
      %get3A_187 = tpu.vector_load %arg15[%get3A_185, %get3A_186] {strides = array<i32>} : memref<128x128xf32, #tpu.memory_space<vmem>>, vector<1x16xf32>,
      %get3A_188 = vector.shape_cast %get3A_187 : vector<1x16xf32> to vector<16xf32>
      %sub3A_189 = arith.subf %get3A_180, %get3A_184 : vector<16xf32>
      %mul3A_190 = arith.mulf %get3A_188, %sub3A_189 : vector<16xf32>
      %add3A_191 = arith.addf %mul3A_176, %mul3A_190 : vector<16xf32>
      %add3A_192 = arith.addf %get3A_175, %get3A_188 : vector<16xf32>
      %get3A_193 = arith.index_cast %scan3A_164 : i32 to index
      %get3A_194 = arith.constant 32 : index
      %get3A_195 = tpu.vector_load %arg13[%get3A_193, %get3A_194] {strides = array<i32>} : memref<128x128xf32, #tpu.memory_space<vmem>>, vector<1x16xf32>,
      %get3A_196 = vector.shape_cast %get3A_195 : vector<1x16xf32> to vector<16xf32>
      %get3A_197 = arith.index_cast %scan3A_164 : i32 to index
      %get3A_198 = arith.constant 32 : index
      %get3A_199 = tpu.vector_load %arg14[%get3A_197, %get3A_198] {strides = array<i32>} : memref<128x128xf32, #tpu.memory_space<vmem>>, vector<1x16xf32>,
      %get3A_200 = vector.shape_cast %get3A_199 : vector<1x16xf32> to vector<16xf32>
      %get3A_201 = arith.index_cast %scan3A_164 : i32 to index
      %get3A_202 = arith.constant 32 : index
      %get3A_203 = tpu.vector_load %arg15[%get3A_201, %get3A_202] {strides = array<i32>} : memref<128x128xf32, #tpu.memory_space<vmem>>, vector<1x16xf32>,
      %get3A_204 = vector.shape_cast %get3A_203 : vector<1x16xf32> to vector<16xf32>
      %sub3A_205 = arith.subf %get3A_196, %get3A_200 : vector<16xf32>
      %mul3A_206 = arith.mulf %get3A_204, %sub3A_205 : vector<16xf32>
      %add3A_207 = arith.addf %add3A_191, %mul3A_206 : vector<16xf32>
      %add3A_208 = arith.addf %add3A_192, %get3A_204 : vector<16xf32>
      %get3A_209 = arith.index_cast %scan3A_164 : i32 to index
      %get3A_210 = arith.constant 48 : index
      %get3A_211 = tpu.vector_load %arg13[%get3A_209, %get3A_210] {strides = array<i32>} : memref<128x128xf32, #tpu.memory_space<vmem>>, vector<1x16xf32>,
      %get3A_212 = vector.shape_cast %get3A_211 : vector<1x16xf32> to vector<16xf32>
      %get3A_213 = arith.index_cast %scan3A_164 : i32 to index
      %get3A_214 = arith.constant 48 : index
      %get3A_215 = tpu.vector_load %arg14[%get3A_213, %get3A_214] {strides = array<i32>} : memref<128x128xf32, #tpu.memory_space<vmem>>, vector<1x16xf32>,
      %get3A_216 = vector.shape_cast %get3A_215 : vector<1x16xf32> to vector<16xf32>
      %get3A_217 = arith.index_cast %scan3A_164 : i32 to index
      %get3A_218 = arith.constant 48 : index
      %get3A_219 = tpu.vector_load %arg15[%get3A_217, %get3A_218] {strides = array<i32>} : memref<128x128xf32, #tpu.memory_space<vmem>>, vector<1x16xf32>,
      %get3A_220 = vector.shape_cast %get3A_219 : vector<1x16xf32> to vector<16xf32>
      %sub3A_221 = arith.subf %get3A_212, %get3A_216 : vector<16xf32>
      %mul3A_222 = arith.mulf %get3A_220, %sub3A_221 : vector<16xf32>
      %add3A_223 = arith.addf %add3A_207, %mul3A_222 : vector<16xf32>
      %add3A_224 = arith.addf %add3A_208, %get3A_220 : vector<16xf32>
      %get3A_225 = arith.index_cast %scan3A_164 : i32 to index
      %get3A_226 = arith.constant 64 : index
      %get3A_227 = tpu.vector_load %arg13[%get3A_225, %get3A_226] {strides = array<i32>} : memref<128x128xf32, #tpu.memory_space<vmem>>, vector<1x16xf32>,
      %get3A_228 = vector.shape_cast %get3A_227 : vector<1x16xf32> to vector<16xf32>
      %get3A_229 = arith.index_cast %scan3A_164 : i32 to index
      %get3A_230 = arith.constant 64 : index
      %get3A_231 = tpu.vector_load %arg14[%get3A_229, %get3A_230] {strides = array<i32>} : memref<128x128xf32, #tpu.memory_space<vmem>>, vector<1x16xf32>,
      %get3A_232 = vector.shape_cast %get3A_231 : vector<1x16xf32> to vector<16xf32>
      %get3A_233 = arith.index_cast %scan3A_164 : i32 to index
      %get3A_234 = arith.constant 64 : index
      %get3A_235 = tpu.vector_load %arg15[%get3A_233, %get3A_234] {strides = array<i32>} : memref<128x128xf32, #tpu.memory_space<vmem>>, vector<1x16xf32>,
      %get3A_236 = vector.shape_cast %get3A_235 : vector<1x16xf32> to vector<16xf32>
      %sub3A_237 = arith.subf %get3A_228, %get3A_232 : vector<16xf32>
      %mul3A_238 = arith.mulf %get3A_236, %sub3A_237 : vector<16xf32>
      %add3A_239 = arith.addf %add3A_223, %mul3A_238 : vector<16xf32>
      %add3A_240 = arith.addf %add3A_224, %get3A_236 : vector<16xf32>
      %get3A_241 = arith.index_cast %scan3A_164 : i32 to index
      %get3A_242 = arith.constant 80 : index
      %get3A_243 = tpu.vector_load %arg13[%get3A_241, %get3A_242] {strides = array<i32>} : memref<128x128xf32, #tpu.memory_space<vmem>>, vector<1x16xf32>,
      %get3A_244 = vector.shape_cast %get3A_243 : vector<1x16xf32> to vector<16xf32>
      %get3A_245 = arith.index_cast %scan3A_164 : i32 to index
      %get3A_246 = arith.constant 80 : index
      %get3A_247 = tpu.vector_load %arg14[%get3A_245, %get3A_246] {strides = array<i32>} : memref<128x128xf32, #tpu.memory_space<vmem>>, vector<1x16xf32>,
      %get3A_248 = vector.shape_cast %get3A_247 : vector<1x16xf32> to vector<16xf32>
      %get3A_249 = arith.index_cast %scan3A_164 : i32 to index
      %get3A_250 = arith.constant 80 : index
      %get3A_251 = tpu.vector_load %arg15[%get3A_249, %get3A_250] {strides = array<i32>} : memref<128x128xf32, #tpu.memory_space<vmem>>, vector<1x16xf32>,
      %get3A_252 = vector.shape_cast %get3A_251 : vector<1x16xf32> to vector<16xf32>
      %sub3A_253 = arith.subf %get3A_244, %get3A_248 : vector<16xf32>
      %mul3A_254 = arith.mulf %get3A_252, %sub3A_253 : vector<16xf32>
      %add3A_255 = arith.addf %add3A_239, %mul3A_254 : vector<16xf32>
      %add3A_256 = arith.addf %add3A_240, %get3A_252 : vector<16xf32>
      %get3A_257 = arith.index_cast %scan3A_164 : i32 to index
      %get3A_258 = arith.constant 96 : index
      %get3A_259 = tpu.vector_load %arg13[%get3A_257, %get3A_258] {strides = array<i32>} : memref<128x128xf32, #tpu.memory_space<vmem>>, vector<1x16xf32>,
      %get3A_260 = vector.shape_cast %get3A_259 : vector<1x16xf32> to vector<16xf32>
      %get3A_261 = arith.index_cast %scan3A_164 : i32 to index
      %get3A_262 = arith.constant 96 : index
      %get3A_263 = tpu.vector_load %arg14[%get3A_261, %get3A_262] {strides = array<i32>} : memref<128x128xf32, #tpu.memory_space<vmem>>, vector<1x16xf32>,
      %get3A_264 = vector.shape_cast %get3A_263 : vector<1x16xf32> to vector<16xf32>
      %get3A_265 = arith.index_cast %scan3A_164 : i32 to index
      %get3A_266 = arith.constant 96 : index
      %get3A_267 = tpu.vector_load %arg15[%get3A_265, %get3A_266] {strides = array<i32>} : memref<128x128xf32, #tpu.memory_space<vmem>>, vector<1x16xf32>,
      %get3A_268 = vector.shape_cast %get3A_267 : vector<1x16xf32> to vector<16xf32>
      %sub3A_269 = arith.subf %get3A_260, %get3A_264 : vector<16xf32>
      %mul3A_270 = arith.mulf %get3A_268, %sub3A_269 : vector<16xf32>
      %add3A_271 = arith.addf %add3A_255, %mul3A_270 : vector<16xf32>
      %add3A_272 = arith.addf %add3A_256, %get3A_268 : vector<16xf32>
      %get3A_273 = arith.index_cast %scan3A_164 : i32 to index
      %get3A_274 = arith.constant 112 : index
      %get3A_275 = tpu.vector_load %arg13[%get3A_273, %get3A_274] {strides = array<i32>} : memref<128x128xf32, #tpu.memory_space<vmem>>, vector<1x16xf32>,
      %get3A_276 = vector.shape_cast %get3A_275 : vector<1x16xf32> to vector<16xf32>
      %get3A_277 = arith.index_cast %scan3A_164 : i32 to index
      %get3A_278 = arith.constant 112 : index
      %get3A_279 = tpu.vector_load %arg14[%get3A_277, %get3A_278] {strides = array<i32>} : memref<128x128xf32, #tpu.memory_space<vmem>>, vector<1x16xf32>,
      %get3A_280 = vector.shape_cast %get3A_279 : vector<1x16xf32> to vector<16xf32>
      %get3A_281 = arith.index_cast %scan3A_164 : i32 to index
      %get3A_282 = arith.constant 112 : index
      %get3A_283 = tpu.vector_load %arg15[%get3A_281, %get3A_282] {strides = array<i32>} : memref<128x128xf32, #tpu.memory_space<vmem>>, vector<1x16xf32>,
      %get3A_284 = vector.shape_cast %get3A_283 : vector<1x16xf32> to vector<16xf32>
      %sub3A_285 = arith.subf %get3A_276, %get3A_280 : vector<16xf32>
      %mul3A_286 = arith.mulf %get3A_284, %sub3A_285 : vector<16xf32>
      %add3A_287 = arith.addf %add3A_271, %mul3A_286 : vector<16xf32>
      %add3A_288 = arith.addf %add3A_272, %get3A_284 : vector<16xf32>
      %mul3A_289 = arith.constant 16 : i32
      %mul3A_290 = arith.muli %scan3A_164, %mul3A_289 : i32
      %swap3A = arith.index_cast %mul3A_290 : i32 to index
      %swap3A_291 = tpu.vector_load %arg19[%swap3A] {strides = array<i32>} : memref<2048xf32, #tpu.memory_space<vmem>>, vector<16xf32>,
      %swap3A_292 = vector.shape_cast %swap3A_291 : vector<16xf32> to vector<16xf32>
      %swap3A_293 = vector.shape_cast %add3A_287 : vector<16xf32> to vector<16xf32>
      tpu.vector_store %arg19[%swap3A], %swap3A_293 {strides = array<i32>} : memref<2048xf32, #tpu.memory_space<vmem>>, vector<16xf32>,
      %mul3A_294 = arith.constant 16 : i32
      %mul3A_295 = arith.muli %scan3A_164, %mul3A_294 : i32
      %swap3A_296 = arith.index_cast %mul3A_295 : i32 to index
      %swap3A_297 = tpu.vector_load %arg20[%swap3A_296] {strides = array<i32>} : memref<2048xf32, #tpu.memory_space<vmem>>, vector<16xf32>,
      %swap3A_298 = vector.shape_cast %swap3A_297 : vector<16xf32> to vector<16xf32>
      %swap3A_299 = vector.shape_cast %add3A_288 : vector<16xf32> to vector<16xf32>
      tpu.vector_store %arg20[%swap3A_296], %swap3A_299 {strides = array<i32>} : memref<2048xf32, #tpu.memory_space<vmem>>, vector<16xf32>,
      %scan3A_300 = arith.constant 1 : i32
      %scan3A_301 = arith.addi %scan3A_164, %scan3A_300 : i32
      %get3A_302 = arith.index_cast %scan3A_301 : i32 to index
      %get3A_303 = arith.constant 0 : index
      %get3A_304 = tpu.vector_load %arg13[%get3A_302, %get3A_303] {strides = array<i32>} : memref<128x128xf32, #tpu.memory_space<vmem>>, vector<1x16xf32>,
      %get3A_305 = vector.shape_cast %get3A_304 : vector<1x16xf32> to vector<16xf32>
      %get3A_306 = arith.index_cast %scan3A_301 : i32 to index
      %get3A_307 = arith.constant 0 : index
      %get3A_308 = tpu.vector_load %arg14[%get3A_306, %get3A_307] {strides = array<i32>} : memref<128x128xf32, #tpu.memory_space<vmem>>, vector<1x16xf32>,
      %get3A_309 = vector.shape_cast %get3A_308 : vector<1x16xf32> to vector<16xf32>
      %get3A_310 = arith.index_cast %scan3A_301 : i32 to index
      %get3A_311 = arith.constant 0 : index
      %get3A_312 = tpu.vector_load %arg15[%get3A_310, %get3A_311] {strides = array<i32>} : memref<128x128xf32, #tpu.memory_space<vmem>>, vector<1x16xf32>,
      %get3A_313 = vector.shape_cast %get3A_312 : vector<1x16xf32> to vector<16xf32>
      %sub3A_314 = arith.subf %get3A_305, %get3A_309 : vector<16xf32>
      %mul3A_315 = arith.mulf %get3A_313, %sub3A_314 : vector<16xf32>
      %get3A_316 = arith.index_cast %scan3A_301 : i32 to index
      %get3A_317 = arith.constant 16 : index
      %get3A_318 = tpu.vector_load %arg13[%get3A_316, %get3A_317] {strides = array<i32>} : memref<128x128xf32, #tpu.memory_space<vmem>>, vector<1x16xf32>,
      %get3A_319 = vector.shape_cast %get3A_318 : vector<1x16xf32> to vector<16xf32>
      %get3A_320 = arith.index_cast %scan3A_301 : i32 to index
      %get3A_321 = arith.constant 16 : index
      %get3A_322 = tpu.vector_load %arg14[%get3A_320, %get3A_321] {strides = array<i32>} : memref<128x128xf32, #tpu.memory_space<vmem>>, vector<1x16xf32>,
      %get3A_323 = vector.shape_cast %get3A_322 : vector<1x16xf32> to vector<16xf32>
      %get3A_324 = arith.index_cast %scan3A_301 : i32 to index
      %get3A_325 = arith.constant 16 : index
      %get3A_326 = tpu.vector_load %arg15[%get3A_324, %get3A_325] {strides = array<i32>} : memref<128x128xf32, #tpu.memory_space<vmem>>, vector<1x16xf32>,
      %get3A_327 = vector.shape_cast %get3A_326 : vector<1x16xf32> to vector<16xf32>
      %sub3A_328 = arith.subf %get3A_319, %get3A_323 : vector<16xf32>
      %mul3A_329 = arith.mulf %get3A_327, %sub3A_328 : vector<16xf32>
      %add3A_330 = arith.addf %mul3A_315, %mul3A_329 : vector<16xf32>
      %add3A_331 = arith.addf %get3A_313, %get3A_327 : vector<16xf32>
      %get3A_332 = arith.index_cast %scan3A_301 : i32 to index
      %get3A_333 = arith.constant 32 : index
      %get3A_334 = tpu.vector_load %arg13[%get3A_332, %get3A_333] {strides = array<i32>} : memref<128x128xf32, #tpu.memory_space<vmem>>, vector<1x16xf32>,
      %get3A_335 = vector.shape_cast %get3A_334 : vector<1x16xf32> to vector<16xf32>
      %get3A_336 = arith.index_cast %scan3A_301 : i32 to index
      %get3A_337 = arith.constant 32 : index
      %get3A_338 = tpu.vector_load %arg14[%get3A_336, %get3A_337] {strides = array<i32>} : memref<128x128xf32, #tpu.memory_space<vmem>>, vector<1x16xf32>,
      %get3A_339 = vector.shape_cast %get3A_338 : vector<1x16xf32> to vector<16xf32>
      %get3A_340 = arith.index_cast %scan3A_301 : i32 to index
      %get3A_341 = arith.constant 32 : index
      %get3A_342 = tpu.vector_load %arg15[%get3A_340, %get3A_341] {strides = array<i32>} : memref<128x128xf32, #tpu.memory_space<vmem>>, vector<1x16xf32>,
      %get3A_343 = vector.shape_cast %get3A_342 : vector<1x16xf32> to vector<16xf32>
      %sub3A_344 = arith.subf %get3A_335, %get3A_339 : vector<16xf32>
      %mul3A_345 = arith.mulf %get3A_343, %sub3A_344 : vector<16xf32>
      %add3A_346 = arith.addf %add3A_330, %mul3A_345 : vector<16xf32>
      %add3A_347 = arith.addf %add3A_331, %get3A_343 : vector<16xf32>
      %get3A_348 = arith.index_cast %scan3A_301 : i32 to index
      %get3A_349 = arith.constant 48 : index
      %get3A_350 = tpu.vector_load %arg13[%get3A_348, %get3A_349] {strides = array<i32>} : memref<128x128xf32, #tpu.memory_space<vmem>>, vector<1x16xf32>,
      %get3A_351 = vector.shape_cast %get3A_350 : vector<1x16xf32> to vector<16xf32>
      %get3A_352 = arith.index_cast %scan3A_301 : i32 to index
      %get3A_353 = arith.constant 48 : index
      %get3A_354 = tpu.vector_load %arg14[%get3A_352, %get3A_353] {strides = array<i32>} : memref<128x128xf32, #tpu.memory_space<vmem>>, vector<1x16xf32>,
      %get3A_355 = vector.shape_cast %get3A_354 : vector<1x16xf32> to vector<16xf32>
      %get3A_356 = arith.index_cast %scan3A_301 : i32 to index
      %get3A_357 = arith.constant 48 : index
      %get3A_358 = tpu.vector_load %arg15[%get3A_356, %get3A_357] {strides = array<i32>} : memref<128x128xf32, #tpu.memory_space<vmem>>, vector<1x16xf32>,
      %get3A_359 = vector.shape_cast %get3A_358 : vector<1x16xf32> to vector<16xf32>
      %sub3A_360 = arith.subf %get3A_351, %get3A_355 : vector<16xf32>
      %mul3A_361 = arith.mulf %get3A_359, %sub3A_360 : vector<16xf32>
      %add3A_362 = arith.addf %add3A_346, %mul3A_361 : vector<16xf32>
      %add3A_363 = arith.addf %add3A_347, %get3A_359 : vector<16xf32>
      %get3A_364 = arith.index_cast %scan3A_301 : i32 to index
      %get3A_365 = arith.constant 64 : index
      %get3A_366 = tpu.vector_load %arg13[%get3A_364, %get3A_365] {strides = array<i32>} : memref<128x128xf32, #tpu.memory_space<vmem>>, vector<1x16xf32>,
      %get3A_367 = vector.shape_cast %get3A_366 : vector<1x16xf32> to vector<16xf32>
      %get3A_368 = arith.index_cast %scan3A_301 : i32 to index
      %get3A_369 = arith.constant 64 : index
      %get3A_370 = tpu.vector_load %arg14[%get3A_368, %get3A_369] {strides = array<i32>} : memref<128x128xf32, #tpu.memory_space<vmem>>, vector<1x16xf32>,
      %get3A_371 = vector.shape_cast %get3A_370 : vector<1x16xf32> to vector<16xf32>
      %get3A_372 = arith.index_cast %scan3A_301 : i32 to index
      %get3A_373 = arith.constant 64 : index
      %get3A_374 = tpu.vector_load %arg15[%get3A_372, %get3A_373] {strides = array<i32>} : memref<128x128xf32, #tpu.memory_space<vmem>>, vector<1x16xf32>,
      %get3A_375 = vector.shape_cast %get3A_374 : vector<1x16xf32> to vector<16xf32>
      %sub3A_376 = arith.subf %get3A_367, %get3A_371 : vector<16xf32>
      %mul3A_377 = arith.mulf %get3A_375, %sub3A_376 : vector<16xf32>
      %add3A_378 = arith.addf %add3A_362, %mul3A_377 : vector<16xf32>
      %add3A_379 = arith.addf %add3A_363, %get3A_375 : vector<16xf32>
      %get3A_380 = arith.index_cast %scan3A_301 : i32 to index
      %get3A_381 = arith.constant 80 : index
      %get3A_382 = tpu.vector_load %arg13[%get3A_380, %get3A_381] {strides = array<i32>} : memref<128x128xf32, #tpu.memory_space<vmem>>, vector<1x16xf32>,
      %get3A_383 = vector.shape_cast %get3A_382 : vector<1x16xf32> to vector<16xf32>
      %get3A_384 = arith.index_cast %scan3A_301 : i32 to index
      %get3A_385 = arith.constant 80 : index
      %get3A_386 = tpu.vector_load %arg14[%get3A_384, %get3A_385] {strides = array<i32>} : memref<128x128xf32, #tpu.memory_space<vmem>>, vector<1x16xf32>,
      %get3A_387 = vector.shape_cast %get3A_386 : vector<1x16xf32> to vector<16xf32>
      %get3A_388 = arith.index_cast %scan3A_301 : i32 to index
      %get3A_389 = arith.constant 80 : index
      %get3A_390 = tpu.vector_load %arg15[%get3A_388, %get3A_389] {strides = array<i32>} : memref<128x128xf32, #tpu.memory_space<vmem>>, vector<1x16xf32>,
      %get3A_391 = vector.shape_cast %get3A_390 : vector<1x16xf32> to vector<16xf32>
      %sub3A_392 = arith.subf %get3A_383, %get3A_387 : vector<16xf32>
      %mul3A_393 = arith.mulf %get3A_391, %sub3A_392 : vector<16xf32>
      %add3A_394 = arith.addf %add3A_378, %mul3A_393 : vector<16xf32>
      %add3A_395 = arith.addf %add3A_379, %get3A_391 : vector<16xf32>
      %get3A_396 = arith.index_cast %scan3A_301 : i32 to index
      %get3A_397 = arith.constant 96 : index
      %get3A_398 = tpu.vector_load %arg13[%get3A_396, %get3A_397] {strides = array<i32>} : memref<128x128xf32, #tpu.memory_space<vmem>>, vector<1x16xf32>,
      %get3A_399 = vector.shape_cast %get3A_398 : vector<1x16xf32> to vector<16xf32>
      %get3A_400 = arith.index_cast %scan3A_301 : i32 to index
      %get3A_401 = arith.constant 96 : index
      %get3A_402 = tpu.vector_load %arg14[%get3A_400, %get3A_401] {strides = array<i32>} : memref<128x128xf32, #tpu.memory_space<vmem>>, vector<1x16xf32>,
      %get3A_403 = vector.shape_cast %get3A_402 : vector<1x16xf32> to vector<16xf32>
      %get3A_404 = arith.index_cast %scan3A_301 : i32 to index
      %get3A_405 = arith.constant 96 : index
      %get3A_406 = tpu.vector_load %arg15[%get3A_404, %get3A_405] {strides = array<i32>} : memref<128x128xf32, #tpu.memory_space<vmem>>, vector<1x16xf32>,
      %get3A_407 = vector.shape_cast %get3A_406 : vector<1x16xf32> to vector<16xf32>
      %sub3A_408 = arith.subf %get3A_399, %get3A_403 : vector<16xf32>
      %mul3A_409 = arith.mulf %get3A_407, %sub3A_408 : vector<16xf32>
      %add3A_410 = arith.addf %add3A_394, %mul3A_409 : vector<16xf32>
      %add3A_411 = arith.addf %add3A_395, %get3A_407 : vector<16xf32>
      %get3A_412 = arith.index_cast %scan3A_301 : i32 to index
      %get3A_413 = arith.constant 112 : index
      %get3A_414 = tpu.vector_load %arg13[%get3A_412, %get3A_413] {strides = array<i32>} : memref<128x128xf32, #tpu.memory_space<vmem>>, vector<1x16xf32>,
      %get3A_415 = vector.shape_cast %get3A_414 : vector<1x16xf32> to vector<16xf32>
      %get3A_416 = arith.index_cast %scan3A_301 : i32 to index
      %get3A_417 = arith.constant 112 : index
      %get3A_418 = tpu.vector_load %arg14[%get3A_416, %get3A_417] {strides = array<i32>} : memref<128x128xf32, #tpu.memory_space<vmem>>, vector<1x16xf32>,
      %get3A_419 = vector.shape_cast %get3A_418 : vector<1x16xf32> to vector<16xf32>
      %get3A_420 = arith.index_cast %scan3A_301 : i32 to index
      %get3A_421 = arith.constant 112 : index
      %get3A_422 = tpu.vector_load %arg15[%get3A_420, %get3A_421] {strides = array<i32>} : memref<128x128xf32, #tpu.memory_space<vmem>>, vector<1x16xf32>,
      %get3A_423 = vector.shape_cast %get3A_422 : vector<1x16xf32> to vector<16xf32>
      %sub3A_424 = arith.subf %get3A_415, %get3A_419 : vector<16xf32>
      %mul3A_425 = arith.mulf %get3A_423, %sub3A_424 : vector<16xf32>
      %add3A_426 = arith.addf %add3A_410, %mul3A_425 : vector<16xf32>
      %add3A_427 = arith.addf %add3A_411, %get3A_423 : vector<16xf32>
      %mul3A_428 = arith.constant 16 : i32
      %mul3A_429 = arith.muli %scan3A_301, %mul3A_428 : i32
      %swap3A_430 = arith.index_cast %mul3A_429 : i32 to index
      %swap3A_431 = tpu.vector_load %arg19[%swap3A_430] {strides = array<i32>} : memref<2048xf32, #tpu.memory_space<vmem>>, vector<16xf32>,
      %swap3A_432 = vector.shape_cast %swap3A_431 : vector<16xf32> to vector<16xf32>
      %swap3A_433 = vector.shape_cast %add3A_426 : vector<16xf32> to vector<16xf32>
      tpu.vector_store %arg19[%swap3A_430], %swap3A_433 {strides = array<i32>} : memref<2048xf32, #tpu.memory_space<vmem>>, vector<16xf32>,
      %mul3A_434 = arith.constant 16 : i32
      %mul3A_435 = arith.muli %scan3A_301, %mul3A_434 : i32
      %swap3A_436 = arith.index_cast %mul3A_435 : i32 to index
      %swap3A_437 = tpu.vector_load %arg20[%swap3A_436] {strides = array<i32>} : memref<2048xf32, #tpu.memory_space<vmem>>, vector<16xf32>,
      %swap3A_438 = vector.shape_cast %swap3A_437 : vector<16xf32> to vector<16xf32>
      %swap3A_439 = vector.shape_cast %add3A_427 : vector<16xf32> to vector<16xf32>
      tpu.vector_store %arg20[%swap3A_436], %swap3A_439 {strides = array<i32>} : memref<2048xf32, #tpu.memory_space<vmem>>, vector<16xf32>,
      %scan3A_440 = arith.constant 2 : i32
      %scan3A_441 = arith.addi %scan3A_164, %scan3A_440 : i32
      %get3A_442 = arith.index_cast %scan3A_441 : i32 to index
      %get3A_443 = arith.constant 0 : index
      %get3A_444 = tpu.vector_load %arg13[%get3A_442, %get3A_443] {strides = array<i32>} : memref<128x128xf32, #tpu.memory_space<vmem>>, vector<1x16xf32>,
      %get3A_445 = vector.shape_cast %get3A_444 : vector<1x16xf32> to vector<16xf32>
      %get3A_446 = arith.index_cast %scan3A_441 : i32 to index
      %get3A_447 = arith.constant 0 : index
      %get3A_448 = tpu.vector_load %arg14[%get3A_446, %get3A_447] {strides = array<i32>} : memref<128x128xf32, #tpu.memory_space<vmem>>, vector<1x16xf32>,
      %get3A_449 = vector.shape_cast %get3A_448 : vector<1x16xf32> to vector<16xf32>
      %get3A_450 = arith.index_cast %scan3A_441 : i32 to index
      %get3A_451 = arith.constant 0 : index
      %get3A_452 = tpu.vector_load %arg15[%get3A_450, %get3A_451] {strides = array<i32>} : memref<128x128xf32, #tpu.memory_space<vmem>>, vector<1x16xf32>,
      %get3A_453 = vector.shape_cast %get3A_452 : vector<1x16xf32> to vector<16xf32>
      %sub3A_454 = arith.subf %get3A_445, %get3A_449 : vector<16xf32>
      %mul3A_455 = arith.mulf %get3A_453, %sub3A_454 : vector<16xf32>
      %get3A_456 = arith.index_cast %scan3A_441 : i32 to index
      %get3A_457 = arith.constant 16 : index
      %get3A_458 = tpu.vector_load %arg13[%get3A_456, %get3A_457] {strides = array<i32>} : memref<128x128xf32, #tpu.memory_space<vmem>>, vector<1x16xf32>,
      %get3A_459 = vector.shape_cast %get3A_458 : vector<1x16xf32> to vector<16xf32>
      %get3A_460 = arith.index_cast %scan3A_441 : i32 to index
      %get3A_461 = arith.constant 16 : index
      %get3A_462 = tpu.vector_load %arg14[%get3A_460, %get3A_461] {strides = array<i32>} : memref<128x128xf32, #tpu.memory_space<vmem>>, vector<1x16xf32>,
      %get3A_463 = vector.shape_cast %get3A_462 : vector<1x16xf32> to vector<16xf32>
      %get3A_464 = arith.index_cast %scan3A_441 : i32 to index
      %get3A_465 = arith.constant 16 : index
      %get3A_466 = tpu.vector_load %arg15[%get3A_464, %get3A_465] {strides = array<i32>} : memref<128x128xf32, #tpu.memory_space<vmem>>, vector<1x16xf32>,
      %get3A_467 = vector.shape_cast %get3A_466 : vector<1x16xf32> to vector<16xf32>
      %sub3A_468 = arith.subf %get3A_459, %get3A_463 : vector<16xf32>
      %mul3A_469 = arith.mulf %get3A_467, %sub3A_468 : vector<16xf32>
      %add3A_470 = arith.addf %mul3A_455, %mul3A_469 : vector<16xf32>
      %add3A_471 = arith.addf %get3A_453, %get3A_467 : vector<16xf32>
      %get3A_472 = arith.index_cast %scan3A_441 : i32 to index
      %get3A_473 = arith.constant 32 : index
      %get3A_474 = tpu.vector_load %arg13[%get3A_472, %get3A_473] {strides = array<i32>} : memref<128x128xf32, #tpu.memory_space<vmem>>, vector<1x16xf32>,
      %get3A_475 = vector.shape_cast %get3A_474 : vector<1x16xf32> to vector<16xf32>
      %get3A_476 = arith.index_cast %scan3A_441 : i32 to index
      %get3A_477 = arith.constant 32 : index
      %get3A_478 = tpu.vector_load %arg14[%get3A_476, %get3A_477] {strides = array<i32>} : memref<128x128xf32, #tpu.memory_space<vmem>>, vector<1x16xf32>,
      %get3A_479 = vector.shape_cast %get3A_478 : vector<1x16xf32> to vector<16xf32>
      %get3A_480 = arith.index_cast %scan3A_441 : i32 to index
      %get3A_481 = arith.constant 32 : index
      %get3A_482 = tpu.vector_load %arg15[%get3A_480, %get3A_481] {strides = array<i32>} : memref<128x128xf32, #tpu.memory_space<vmem>>, vector<1x16xf32>,
      %get3A_483 = vector.shape_cast %get3A_482 : vector<1x16xf32> to vector<16xf32>
      %sub3A_484 = arith.subf %get3A_475, %get3A_479 : vector<16xf32>
      %mul3A_485 = arith.mulf %get3A_483, %sub3A_484 : vector<16xf32>
      %add3A_486 = arith.addf %add3A_470, %mul3A_485 : vector<16xf32>
      %add3A_487 = arith.addf %add3A_471, %get3A_483 : vector<16xf32>
      %get3A_488 = arith.index_cast %scan3A_441 : i32 to index
      %get3A_489 = arith.constant 48 : index
      %get3A_490 = tpu.vector_load %arg13[%get3A_488, %get3A_489] {strides = array<i32>} : memref<128x128xf32, #tpu.memory_space<vmem>>, vector<1x16xf32>,
      %get3A_491 = vector.shape_cast %get3A_490 : vector<1x16xf32> to vector<16xf32>
      %get3A_492 = arith.index_cast %scan3A_441 : i32 to index
      %get3A_493 = arith.constant 48 : index
      %get3A_494 = tpu.vector_load %arg14[%get3A_492, %get3A_493] {strides = array<i32>} : memref<128x128xf32, #tpu.memory_space<vmem>>, vector<1x16xf32>,
      %get3A_495 = vector.shape_cast %get3A_494 : vector<1x16xf32> to vector<16xf32>
      %get3A_496 = arith.index_cast %scan3A_441 : i32 to index
      %get3A_497 = arith.constant 48 : index
      %get3A_498 = tpu.vector_load %arg15[%get3A_496, %get3A_497] {strides = array<i32>} : memref<128x128xf32, #tpu.memory_space<vmem>>, vector<1x16xf32>,
      %get3A_499 = vector.shape_cast %get3A_498 : vector<1x16xf32> to vector<16xf32>
      %sub3A_500 = arith.subf %get3A_491, %get3A_495 : vector<16xf32>
      %mul3A_501 = arith.mulf %get3A_499, %sub3A_500 : vector<16xf32>
      %add3A_502 = arith.addf %add3A_486, %mul3A_501 : vector<16xf32>
      %add3A_503 = arith.addf %add3A_487, %get3A_499 : vector<16xf32>
      %get3A_504 = arith.index_cast %scan3A_441 : i32 to index
      %get3A_505 = arith.constant 64 : index
      %get3A_506 = tpu.vector_load %arg13[%get3A_504, %get3A_505] {strides = array<i32>} : memref<128x128xf32, #tpu.memory_space<vmem>>, vector<1x16xf32>,
      %get3A_507 = vector.shape_cast %get3A_506 : vector<1x16xf32> to vector<16xf32>
      %get3A_508 = arith.index_cast %scan3A_441 : i32 to index
      %get3A_509 = arith.constant 64 : index
      %get3A_510 = tpu.vector_load %arg14[%get3A_508, %get3A_509] {strides = array<i32>} : memref<128x128xf32, #tpu.memory_space<vmem>>, vector<1x16xf32>,
      %get3A_511 = vector.shape_cast %get3A_510 : vector<1x16xf32> to vector<16xf32>
      %get3A_512 = arith.index_cast %scan3A_441 : i32 to index
      %get3A_513 = arith.constant 64 : index
      %get3A_514 = tpu.vector_load %arg15[%get3A_512, %get3A_513] {strides = array<i32>} : memref<128x128xf32, #tpu.memory_space<vmem>>, vector<1x16xf32>,
      %get3A_515 = vector.shape_cast %get3A_514 : vector<1x16xf32> to vector<16xf32>
      %sub3A_516 = arith.subf %get3A_507, %get3A_511 : vector<16xf32>
      %mul3A_517 = arith.mulf %get3A_515, %sub3A_516 : vector<16xf32>
      %add3A_518 = arith.addf %add3A_502, %mul3A_517 : vector<16xf32>
      %add3A_519 = arith.addf %add3A_503, %get3A_515 : vector<16xf32>
      %get3A_520 = arith.index_cast %scan3A_441 : i32 to index
      %get3A_521 = arith.constant 80 : index
      %get3A_522 = tpu.vector_load %arg13[%get3A_520, %get3A_521] {strides = array<i32>} : memref<128x128xf32, #tpu.memory_space<vmem>>, vector<1x16xf32>,
      %get3A_523 = vector.shape_cast %get3A_522 : vector<1x16xf32> to vector<16xf32>
      %get3A_524 = arith.index_cast %scan3A_441 : i32 to index
      %get3A_525 = arith.constant 80 : index
      %get3A_526 = tpu.vector_load %arg14[%get3A_524, %get3A_525] {strides = array<i32>} : memref<128x128xf32, #tpu.memory_space<vmem>>, vector<1x16xf32>,
      %get3A_527 = vector.shape_cast %get3A_526 : vector<1x16xf32> to vector<16xf32>
      %get3A_528 = arith.index_cast %scan3A_441 : i32 to index
      %get3A_529 = arith.constant 80 : index
      %get3A_530 = tpu.vector_load %arg15[%get3A_528, %get3A_529] {strides = array<i32>} : memref<128x128xf32, #tpu.memory_space<vmem>>, vector<1x16xf32>,
      %get3A_531 = vector.shape_cast %get3A_530 : vector<1x16xf32> to vector<16xf32>
      %sub3A_532 = arith.subf %get3A_523, %get3A_527 : vector<16xf32>
      %mul3A_533 = arith.mulf %get3A_531, %sub3A_532 : vector<16xf32>
      %add3A_534 = arith.addf %add3A_518, %mul3A_533 : vector<16xf32>
      %add3A_535 = arith.addf %add3A_519, %get3A_531 : vector<16xf32>
      %get3A_536 = arith.index_cast %scan3A_441 : i32 to index
      %get3A_537 = arith.constant 96 : index
      %get3A_538 = tpu.vector_load %arg13[%get3A_536, %get3A_537] {strides = array<i32>} : memref<128x128xf32, #tpu.memory_space<vmem>>, vector<1x16xf32>,
      %get3A_539 = vector.shape_cast %get3A_538 : vector<1x16xf32> to vector<16xf32>
      %get3A_540 = arith.index_cast %scan3A_441 : i32 to index
      %get3A_541 = arith.constant 96 : index
      %get3A_542 = tpu.vector_load %arg14[%get3A_540, %get3A_541] {strides = array<i32>} : memref<128x128xf32, #tpu.memory_space<vmem>>, vector<1x16xf32>,
      %get3A_543 = vector.shape_cast %get3A_542 : vector<1x16xf32> to vector<16xf32>
      %get3A_544 = arith.index_cast %scan3A_441 : i32 to index
      %get3A_545 = arith.constant 96 : index
      %get3A_546 = tpu.vector_load %arg15[%get3A_544, %get3A_545] {strides = array<i32>} : memref<128x128xf32, #tpu.memory_space<vmem>>, vector<1x16xf32>,
      %get3A_547 = vector.shape_cast %get3A_546 : vector<1x16xf32> to vector<16xf32>
      %sub3A_548 = arith.subf %get3A_539, %get3A_543 : vector<16xf32>
      %mul3A_549 = arith.mulf %get3A_547, %sub3A_548 : vector<16xf32>
      %add3A_550 = arith.addf %add3A_534, %mul3A_549 : vector<16xf32>
      %add3A_551 = arith.addf %add3A_535, %get3A_547 : vector<16xf32>
      %get3A_552 = arith.index_cast %scan3A_441 : i32 to index
      %get3A_553 = arith.constant 112 : index
      %get3A_554 = tpu.vector_load %arg13[%get3A_552, %get3A_553] {strides = array<i32>} : memref<128x128xf32, #tpu.memory_space<vmem>>, vector<1x16xf32>,
      %get3A_555 = vector.shape_cast %get3A_554 : vector<1x16xf32> to vector<16xf32>
      %get3A_556 = arith.index_cast %scan3A_441 : i32 to index
      %get3A_557 = arith.constant 112 : index
      %get3A_558 = tpu.vector_load %arg14[%get3A_556, %get3A_557] {strides = array<i32>} : memref<128x128xf32, #tpu.memory_space<vmem>>, vector<1x16xf32>,
      %get3A_559 = vector.shape_cast %get3A_558 : vector<1x16xf32> to vector<16xf32>
      %get3A_560 = arith.index_cast %scan3A_441 : i32 to index
      %get3A_561 = arith.constant 112 : index
      %get3A_562 = tpu.vector_load %arg15[%get3A_560, %get3A_561] {strides = array<i32>} : memref<128x128xf32, #tpu.memory_space<vmem>>, vector<1x16xf32>,
      %get3A_563 = vector.shape_cast %get3A_562 : vector<1x16xf32> to vector<16xf32>
      %sub3A_564 = arith.subf %get3A_555, %get3A_559 : vector<16xf32>
      %mul3A_565 = arith.mulf %get3A_563, %sub3A_564 : vector<16xf32>
      %add3A_566 = arith.addf %add3A_550, %mul3A_565 : vector<16xf32>
      %add3A_567 = arith.addf %add3A_551, %get3A_563 : vector<16xf32>
      %mul3A_568 = arith.constant 16 : i32
      %mul3A_569 = arith.muli %scan3A_441, %mul3A_568 : i32
      %swap3A_570 = arith.index_cast %mul3A_569 : i32 to index
      %swap3A_571 = tpu.vector_load %arg19[%swap3A_570] {strides = array<i32>} : memref<2048xf32, #tpu.memory_space<vmem>>, vector<16xf32>,
      %swap3A_572 = vector.shape_cast %swap3A_571 : vector<16xf32> to vector<16xf32>
      %swap3A_573 = vector.shape_cast %add3A_566 : vector<16xf32> to vector<16xf32>
      tpu.vector_store %arg19[%swap3A_570], %swap3A_573 {strides = array<i32>} : memref<2048xf32, #tpu.memory_space<vmem>>, vector<16xf32>,
      %mul3A_574 = arith.constant 16 : i32
      %mul3A_575 = arith.muli %scan3A_441, %mul3A_574 : i32
      %swap3A_576 = arith.index_cast %mul3A_575 : i32 to index
      %swap3A_577 = tpu.vector_load %arg20[%swap3A_576] {strides = array<i32>} : memref<2048xf32, #tpu.memory_space<vmem>>, vector<16xf32>,
      %swap3A_578 = vector.shape_cast %swap3A_577 : vector<16xf32> to vector<16xf32>
      %swap3A_579 = vector.shape_cast %add3A_567 : vector<16xf32> to vector<16xf32>
      tpu.vector_store %arg20[%swap3A_576], %swap3A_579 {strides = array<i32>} : memref<2048xf32, #tpu.memory_space<vmem>>, vector<16xf32>,
      %scan3A_580 = arith.constant 3 : i32
      %scan3A_581 = arith.addi %scan3A_164, %scan3A_580 : i32
      %get3A_582 = arith.index_cast %scan3A_581 : i32 to index
      %get3A_583 = arith.constant 0 : index
      %get3A_584 = tpu.vector_load %arg13[%get3A_582, %get3A_583] {strides = array<i32>} : memref<128x128xf32, #tpu.memory_space<vmem>>, vector<1x16xf32>,
      %get3A_585 = vector.shape_cast %get3A_584 : vector<1x16xf32> to vector<16xf32>
      %get3A_586 = arith.index_cast %scan3A_581 : i32 to index
      %get3A_587 = arith.constant 0 : index
      %get3A_588 = tpu.vector_load %arg14[%get3A_586, %get3A_587] {strides = array<i32>} : memref<128x128xf32, #tpu.memory_space<vmem>>, vector<1x16xf32>,
      %get3A_589 = vector.shape_cast %get3A_588 : vector<1x16xf32> to vector<16xf32>
      %get3A_590 = arith.index_cast %scan3A_581 : i32 to index
      %get3A_591 = arith.constant 0 : index
      %get3A_592 = tpu.vector_load %arg15[%get3A_590, %get3A_591] {strides = array<i32>} : memref<128x128xf32, #tpu.memory_space<vmem>>, vector<1x16xf32>,
      %get3A_593 = vector.shape_cast %get3A_592 : vector<1x16xf32> to vector<16xf32>
      %sub3A_594 = arith.subf %get3A_585, %get3A_589 : vector<16xf32>
      %mul3A_595 = arith.mulf %get3A_593, %sub3A_594 : vector<16xf32>
      %get3A_596 = arith.index_cast %scan3A_581 : i32 to index
      %get3A_597 = arith.constant 16 : index
      %get3A_598 = tpu.vector_load %arg13[%get3A_596, %get3A_597] {strides = array<i32>} : memref<128x128xf32, #tpu.memory_space<vmem>>, vector<1x16xf32>,
      %get3A_599 = vector.shape_cast %get3A_598 : vector<1x16xf32> to vector<16xf32>
      %get3A_600 = arith.index_cast %scan3A_581 : i32 to index
      %get3A_601 = arith.constant 16 : index
      %get3A_602 = tpu.vector_load %arg14[%get3A_600, %get3A_601] {strides = array<i32>} : memref<128x128xf32, #tpu.memory_space<vmem>>, vector<1x16xf32>,
      %get3A_603 = vector.shape_cast %get3A_602 : vector<1x16xf32> to vector<16xf32>
      %get3A_604 = arith.index_cast %scan3A_581 : i32 to index
      %get3A_605 = arith.constant 16 : index
      %get3A_606 = tpu.vector_load %arg15[%get3A_604, %get3A_605] {strides = array<i32>} : memref<128x128xf32, #tpu.memory_space<vmem>>, vector<1x16xf32>,
      %get3A_607 = vector.shape_cast %get3A_606 : vector<1x16xf32> to vector<16xf32>
      %sub3A_608 = arith.subf %get3A_599, %get3A_603 : vector<16xf32>
      %mul3A_609 = arith.mulf %get3A_607, %sub3A_608 : vector<16xf32>
      %add3A_610 = arith.addf %mul3A_595, %mul3A_609 : vector<16xf32>
      %add3A_611 = arith.addf %get3A_593, %get3A_607 : vector<16xf32>
      %get3A_612 = arith.index_cast %scan3A_581 : i32 to index
      %get3A_613 = arith.constant 32 : index
      %get3A_614 = tpu.vector_load %arg13[%get3A_612, %get3A_613] {strides = array<i32>} : memref<128x128xf32, #tpu.memory_space<vmem>>, vector<1x16xf32>,
      %get3A_615 = vector.shape_cast %get3A_614 : vector<1x16xf32> to vector<16xf32>
      %get3A_616 = arith.index_cast %scan3A_581 : i32 to index
      %get3A_617 = arith.constant 32 : index
      %get3A_618 = tpu.vector_load %arg14[%get3A_616, %get3A_617] {strides = array<i32>} : memref<128x128xf32, #tpu.memory_space<vmem>>, vector<1x16xf32>,
      %get3A_619 = vector.shape_cast %get3A_618 : vector<1x16xf32> to vector<16xf32>
      %get3A_620 = arith.index_cast %scan3A_581 : i32 to index
      %get3A_621 = arith.constant 32 : index
      %get3A_622 = tpu.vector_load %arg15[%get3A_620, %get3A_621] {strides = array<i32>} : memref<128x128xf32, #tpu.memory_space<vmem>>, vector<1x16xf32>,
      %get3A_623 = vector.shape_cast %get3A_622 : vector<1x16xf32> to vector<16xf32>
      %sub3A_624 = arith.subf %get3A_615, %get3A_619 : vector<16xf32>
      %mul3A_625 = arith.mulf %get3A_623, %sub3A_624 : vector<16xf32>
      %add3A_626 = arith.addf %add3A_610, %mul3A_625 : vector<16xf32>
      %add3A_627 = arith.addf %add3A_611, %get3A_623 : vector<16xf32>
      %get3A_628 = arith.index_cast %scan3A_581 : i32 to index
      %get3A_629 = arith.constant 48 : index
      %get3A_630 = tpu.vector_load %arg13[%get3A_628, %get3A_629] {strides = array<i32>} : memref<128x128xf32, #tpu.memory_space<vmem>>, vector<1x16xf32>,
      %get3A_631 = vector.shape_cast %get3A_630 : vector<1x16xf32> to vector<16xf32>
      %get3A_632 = arith.index_cast %scan3A_581 : i32 to index
      %get3A_633 = arith.constant 48 : index
      %get3A_634 = tpu.vector_load %arg14[%get3A_632, %get3A_633] {strides = array<i32>} : memref<128x128xf32, #tpu.memory_space<vmem>>, vector<1x16xf32>,
      %get3A_635 = vector.shape_cast %get3A_634 : vector<1x16xf32> to vector<16xf32>
      %get3A_636 = arith.index_cast %scan3A_581 : i32 to index
      %get3A_637 = arith.constant 48 : index
      %get3A_638 = tpu.vector_load %arg15[%get3A_636, %get3A_637] {strides = array<i32>} : memref<128x128xf32, #tpu.memory_space<vmem>>, vector<1x16xf32>,
      %get3A_639 = vector.shape_cast %get3A_638 : vector<1x16xf32> to vector<16xf32>
      %sub3A_640 = arith.subf %get3A_631, %get3A_635 : vector<16xf32>
      %mul3A_641 = arith.mulf %get3A_639, %sub3A_640 : vector<16xf32>
      %add3A_642 = arith.addf %add3A_626, %mul3A_641 : vector<16xf32>
      %add3A_643 = arith.addf %add3A_627, %get3A_639 : vector<16xf32>
      %get3A_644 = arith.index_cast %scan3A_581 : i32 to index
      %get3A_645 = arith.constant 64 : index
      %get3A_646 = tpu.vector_load %arg13[%get3A_644, %get3A_645] {strides = array<i32>} : memref<128x128xf32, #tpu.memory_space<vmem>>, vector<1x16xf32>,
      %get3A_647 = vector.shape_cast %get3A_646 : vector<1x16xf32> to vector<16xf32>
      %get3A_648 = arith.index_cast %scan3A_581 : i32 to index
      %get3A_649 = arith.constant 64 : index
      %get3A_650 = tpu.vector_load %arg14[%get3A_648, %get3A_649] {strides = array<i32>} : memref<128x128xf32, #tpu.memory_space<vmem>>, vector<1x16xf32>,
      %get3A_651 = vector.shape_cast %get3A_650 : vector<1x16xf32> to vector<16xf32>
      %get3A_652 = arith.index_cast %scan3A_581 : i32 to index
      %get3A_653 = arith.constant 64 : index
      %get3A_654 = tpu.vector_load %arg15[%get3A_652, %get3A_653] {strides = array<i32>} : memref<128x128xf32, #tpu.memory_space<vmem>>, vector<1x16xf32>,
      %get3A_655 = vector.shape_cast %get3A_654 : vector<1x16xf32> to vector<16xf32>
      %sub3A_656 = arith.subf %get3A_647, %get3A_651 : vector<16xf32>
      %mul3A_657 = arith.mulf %get3A_655, %sub3A_656 : vector<16xf32>
      %add3A_658 = arith.addf %add3A_642, %mul3A_657 : vector<16xf32>
      %add3A_659 = arith.addf %add3A_643, %get3A_655 : vector<16xf32>
      %get3A_660 = arith.index_cast %scan3A_581 : i32 to index
      %get3A_661 = arith.constant 80 : index
      %get3A_662 = tpu.vector_load %arg13[%get3A_660, %get3A_661] {strides = array<i32>} : memref<128x128xf32, #tpu.memory_space<vmem>>, vector<1x16xf32>,
      %get3A_663 = vector.shape_cast %get3A_662 : vector<1x16xf32> to vector<16xf32>
      %get3A_664 = arith.index_cast %scan3A_581 : i32 to index
      %get3A_665 = arith.constant 80 : index
      %get3A_666 = tpu.vector_load %arg14[%get3A_664, %get3A_665] {strides = array<i32>} : memref<128x128xf32, #tpu.memory_space<vmem>>, vector<1x16xf32>,
      %get3A_667 = vector.shape_cast %get3A_666 : vector<1x16xf32> to vector<16xf32>
      %get3A_668 = arith.index_cast %scan3A_581 : i32 to index
      %get3A_669 = arith.constant 80 : index
      %get3A_670 = tpu.vector_load %arg15[%get3A_668, %get3A_669] {strides = array<i32>} : memref<128x128xf32, #tpu.memory_space<vmem>>, vector<1x16xf32>,
      %get3A_671 = vector.shape_cast %get3A_670 : vector<1x16xf32> to vector<16xf32>
      %sub3A_672 = arith.subf %get3A_663, %get3A_667 : vector<16xf32>
      %mul3A_673 = arith.mulf %get3A_671, %sub3A_672 : vector<16xf32>
      %add3A_674 = arith.addf %add3A_658, %mul3A_673 : vector<16xf32>
      %add3A_675 = arith.addf %add3A_659, %get3A_671 : vector<16xf32>
      %get3A_676 = arith.index_cast %scan3A_581 : i32 to index
      %get3A_677 = arith.constant 96 : index
      %get3A_678 = tpu.vector_load %arg13[%get3A_676, %get3A_677] {strides = array<i32>} : memref<128x128xf32, #tpu.memory_space<vmem>>, vector<1x16xf32>,
      %get3A_679 = vector.shape_cast %get3A_678 : vector<1x16xf32> to vector<16xf32>
      %get3A_680 = arith.index_cast %scan3A_581 : i32 to index
      %get3A_681 = arith.constant 96 : index
      %get3A_682 = tpu.vector_load %arg14[%get3A_680, %get3A_681] {strides = array<i32>} : memref<128x128xf32, #tpu.memory_space<vmem>>, vector<1x16xf32>,
      %get3A_683 = vector.shape_cast %get3A_682 : vector<1x16xf32> to vector<16xf32>
      %get3A_684 = arith.index_cast %scan3A_581 : i32 to index
      %get3A_685 = arith.constant 96 : index
      %get3A_686 = tpu.vector_load %arg15[%get3A_684, %get3A_685] {strides = array<i32>} : memref<128x128xf32, #tpu.memory_space<vmem>>, vector<1x16xf32>,
      %get3A_687 = vector.shape_cast %get3A_686 : vector<1x16xf32> to vector<16xf32>
      %sub3A_688 = arith.subf %get3A_679, %get3A_683 : vector<16xf32>
      %mul3A_689 = arith.mulf %get3A_687, %sub3A_688 : vector<16xf32>
      %add3A_690 = arith.addf %add3A_674, %mul3A_689 : vector<16xf32>
      %add3A_691 = arith.addf %add3A_675, %get3A_687 : vector<16xf32>
      %get3A_692 = arith.index_cast %scan3A_581 : i32 to index
      %get3A_693 = arith.constant 112 : index
      %get3A_694 = tpu.vector_load %arg13[%get3A_692, %get3A_693] {strides = array<i32>} : memref<128x128xf32, #tpu.memory_space<vmem>>, vector<1x16xf32>,
      %get3A_695 = vector.shape_cast %get3A_694 : vector<1x16xf32> to vector<16xf32>
      %get3A_696 = arith.index_cast %scan3A_581 : i32 to index
      %get3A_697 = arith.constant 112 : index
      %get3A_698 = tpu.vector_load %arg14[%get3A_696, %get3A_697] {strides = array<i32>} : memref<128x128xf32, #tpu.memory_space<vmem>>, vector<1x16xf32>,
      %get3A_699 = vector.shape_cast %get3A_698 : vector<1x16xf32> to vector<16xf32>
      %get3A_700 = arith.index_cast %scan3A_581 : i32 to index
      %get3A_701 = arith.constant 112 : index
      %get3A_702 = tpu.vector_load %arg15[%get3A_700, %get3A_701] {strides = array<i32>} : memref<128x128xf32, #tpu.memory_space<vmem>>, vector<1x16xf32>,
      %get3A_703 = vector.shape_cast %get3A_702 : vector<1x16xf32> to vector<16xf32>
      %sub3A_704 = arith.subf %get3A_695, %get3A_699 : vector<16xf32>
      %mul3A_705 = arith.mulf %get3A_703, %sub3A_704 : vector<16xf32>
      %add3A_706 = arith.addf %add3A_690, %mul3A_705 : vector<16xf32>
      %add3A_707 = arith.addf %add3A_691, %get3A_703 : vector<16xf32>
      %mul3A_708 = arith.constant 16 : i32
      %mul3A_709 = arith.muli %scan3A_581, %mul3A_708 : i32
      %swap3A_710 = arith.index_cast %mul3A_709 : i32 to index
      %swap3A_711 = tpu.vector_load %arg19[%swap3A_710] {strides = array<i32>} : memref<2048xf32, #tpu.memory_space<vmem>>, vector<16xf32>,
      %swap3A_712 = vector.shape_cast %swap3A_711 : vector<16xf32> to vector<16xf32>
      %swap3A_713 = vector.shape_cast %add3A_706 : vector<16xf32> to vector<16xf32>
      tpu.vector_store %arg19[%swap3A_710], %swap3A_713 {strides = array<i32>} : memref<2048xf32, #tpu.memory_space<vmem>>, vector<16xf32>,
      %mul3A_714 = arith.constant 16 : i32
      %mul3A_715 = arith.muli %scan3A_581, %mul3A_714 : i32
      %swap3A_716 = arith.index_cast %mul3A_715 : i32 to index
      %swap3A_717 = tpu.vector_load %arg20[%swap3A_716] {strides = array<i32>} : memref<2048xf32, #tpu.memory_space<vmem>>, vector<16xf32>,
      %swap3A_718 = vector.shape_cast %swap3A_717 : vector<16xf32> to vector<16xf32>
      %swap3A_719 = vector.shape_cast %add3A_707 : vector<16xf32> to vector<16xf32>
      tpu.vector_store %arg20[%swap3A_716], %swap3A_719 {strides = array<i32>} : memref<2048xf32, #tpu.memory_space<vmem>>, vector<16xf32>,
    }
    %scan3A_53 = arith.constant 128 : i32
    %add3A_54 = arith.constant 0 : i32
    %add3A_55 = arith.addi %mul3A_2, %add3A_54 : i32
    %mul3A_56 = arith.constant 16 : i32
    %mul3A_57 = arith.muli %add3A_55, %mul3A_56 : i32
    "tpu.region"() ({
      %run_scoped3A = tpu.sem_alloc : memref<!tpu.dma_semaphore, #tpu.memory_space<semaphore_mem>>
      %dma_start3A_164 = tpu.memref_slice %arg8[%mul3A_57] : memref<262144xf32, #tpu.memory_space<hbm>> -> memref<2048xf32, #tpu.memory_space<hbm>>
      %dma_start3A_165 = tpu.memref_slice %arg8[%mul3A_57] : memref<262144xf32, #tpu.memory_space<hbm>> -> memref<2048xf32, #tpu.memory_space<hbm>>
      tpu.enqueue_dma source(%arg19 : memref<2048xf32, #tpu.memory_space<vmem>>) target(%dma_start3A_165 : memref<2048xf32, #tpu.memory_space<hbm>>) target_semaphore(%run_scoped3A : memref<!tpu.dma_semaphore, #tpu.memory_space<semaphore_mem>>)
      %dma_wait3A_166 = tpu.memref_slice %arg8[%mul3A_57] : memref<262144xf32, #tpu.memory_space<hbm>> -> memref<2048xf32, #tpu.memory_space<hbm>>
      %dma_wait3A_167 = tpu.memref_slice %arg8[%mul3A_57] : memref<262144xf32, #tpu.memory_space<hbm>> -> memref<2048xf32, #tpu.memory_space<hbm>>
      tpu.wait_dma2 semaphore(%run_scoped3A : memref<!tpu.dma_semaphore, #tpu.memory_space<semaphore_mem>>) src(%arg19 : memref<2048xf32, #tpu.memory_space<vmem>>) dst(%dma_wait3A_167 : memref<2048xf32, #tpu.memory_space<hbm>>)
      tpu.yield
    }) : () -> ()
    "tpu.region"() ({
      %run_scoped3A = tpu.sem_alloc : memref<!tpu.dma_semaphore, #tpu.memory_space<semaphore_mem>>
      %dma_start3A_164 = tpu.memref_slice %arg9[%mul3A_57] : memref<262144xf32, #tpu.memory_space<hbm>> -> memref<2048xf32, #tpu.memory_space<hbm>>
      %dma_start3A_165 = tpu.memref_slice %arg9[%mul3A_57] : memref<262144xf32, #tpu.memory_space<hbm>> -> memref<2048xf32, #tpu.memory_space<hbm>>
      tpu.enqueue_dma source(%arg20 : memref<2048xf32, #tpu.memory_space<vmem>>) target(%dma_start3A_165 : memref<2048xf32, #tpu.memory_space<hbm>>) target_semaphore(%run_scoped3A : memref<!tpu.dma_semaphore, #tpu.memory_space<semaphore_mem>>)
      %dma_wait3A_166 = tpu.memref_slice %arg9[%mul3A_57] : memref<262144xf32, #tpu.memory_space<hbm>> -> memref<2048xf32, #tpu.memory_space<hbm>>
      %dma_wait3A_167 = tpu.memref_slice %arg9[%mul3A_57] : memref<262144xf32, #tpu.memory_space<hbm>> -> memref<2048xf32, #tpu.memory_space<hbm>>
      tpu.wait_dma2 semaphore(%run_scoped3A : memref<!tpu.dma_semaphore, #tpu.memory_space<semaphore_mem>>) src(%arg20 : memref<2048xf32, #tpu.memory_space<vmem>>) dst(%dma_wait3A_167 : memref<2048xf32, #tpu.memory_space<hbm>>)
      tpu.yield
    }) : () -> ()
    %dma_start3A_58 = arith.constant 256 : i32
    %dma_start3A_59 = tpu.memref_slice %arg11[%dma_start3A_58] : memref<512xi32, #tpu.memory_space<vmem>> -> memref<128xi32, #tpu.memory_space<vmem>>
    %dma_start3A_60 = arith.constant 0 : i32
    %dma_start3A_61 = arith.constant 0 : i32
    %dma_start3A_62 = tpu.memref_slice %arg4[%dma_start3A_60, %dma_start3A_61] : memref<10000x128xf32, #tpu.memory_space<hbm>> -> memref<10000x128xf32, #tpu.memory_space<hbm>>
    tpu.enqueue_indirect_dma source(%dma_start3A_62 : memref<10000x128xf32, #tpu.memory_space<hbm>>) target(%arg13 : memref<128x128xf32, #tpu.memory_space<vmem>>) offsets(%dma_start3A_59 : memref<128xi32, #tpu.memory_space<vmem>>) semaphore(%arg22 : memref<!tpu.dma_semaphore, #tpu.memory_space<semaphore_mem>>)
    %dma_start3A_63 = arith.constant 256 : i32
    %dma_start3A_64 = tpu.memref_slice %arg12[%dma_start3A_63] : memref<512xi32, #tpu.memory_space<vmem>> -> memref<128xi32, #tpu.memory_space<vmem>>
    %dma_start3A_65 = arith.constant 0 : i32
    %dma_start3A_66 = arith.constant 0 : i32
    %dma_start3A_67 = tpu.memref_slice %arg5[%dma_start3A_65, %dma_start3A_66] : memref<10000x128xf32, #tpu.memory_space<hbm>> -> memref<10000x128xf32, #tpu.memory_space<hbm>>
    tpu.enqueue_indirect_dma source(%dma_start3A_67 : memref<10000x128xf32, #tpu.memory_space<hbm>>) target(%arg14 : memref<128x128xf32, #tpu.memory_space<vmem>>) offsets(%dma_start3A_64 : memref<128xi32, #tpu.memory_space<vmem>>) semaphore(%arg22 : memref<!tpu.dma_semaphore, #tpu.memory_space<semaphore_mem>>)
    %add3A_68 = arith.constant 256 : i32
    %add3A_69 = arith.addi %mul3A_2, %add3A_68 : i32
    %dma_start3A_70 = arith.constant 0 : i32
    %dma_start3A_71 = tpu.memref_slice %arg7[%add3A_69, %dma_start3A_70] : memref<16384x128xf32, #tpu.memory_space<hbm>> -> memref<128x128xf32, #tpu.memory_space<hbm>>
    %dma_start3A_72 = arith.constant 0 : i32
    %dma_start3A_73 = tpu.memref_slice %arg7[%add3A_69, %dma_start3A_72] : memref<16384x128xf32, #tpu.memory_space<hbm>> -> memref<128x128xf32, #tpu.memory_space<hbm>>
    tpu.enqueue_dma source(%dma_start3A_73 : memref<128x128xf32, #tpu.memory_space<hbm>>) target(%arg15 : memref<128x128xf32, #tpu.memory_space<vmem>>) target_semaphore(%arg22 : memref<!tpu.dma_semaphore, #tpu.memory_space<semaphore_mem>>)
    %dma_wait3A_74 = arith.constant 128 : i32
    %dma_wait3A_75 = tpu.memref_slice %arg11[%dma_wait3A_74] : memref<512xi32, #tpu.memory_space<vmem>> -> memref<128xi32, #tpu.memory_space<vmem>>
    %dma_wait3A_76 = arith.constant 0 : i32
    %dma_wait3A_77 = arith.constant 0 : i32
    %dma_wait3A_78 = tpu.memref_slice %arg4[%dma_wait3A_76, %dma_wait3A_77] : memref<10000x128xf32, #tpu.memory_space<hbm>> -> memref<10000x128xf32, #tpu.memory_space<hbm>>
    tpu.wait_indirect_dma semaphore(%arg23 : memref<!tpu.dma_semaphore, #tpu.memory_space<semaphore_mem>>) src(%dma_wait3A_78 : memref<10000x128xf32, #tpu.memory_space<hbm>>) dst(%arg16 : memref<128x128xf32, #tpu.memory_space<vmem>>)
    %dma_wait3A_79 = arith.constant 128 : i32
    %dma_wait3A_80 = tpu.memref_slice %arg12[%dma_wait3A_79] : memref<512xi32, #tpu.memory_space<vmem>> -> memref<128xi32, #tpu.memory_space<vmem>>
    %dma_wait3A_81 = arith.constant 0 : i32
    %dma_wait3A_82 = arith.constant 0 : i32
    %dma_wait3A_83 = tpu.memref_slice %arg5[%dma_wait3A_81, %dma_wait3A_82] : memref<10000x128xf32, #tpu.memory_space<hbm>> -> memref<10000x128xf32, #tpu.memory_space<hbm>>
    tpu.wait_indirect_dma semaphore(%arg23 : memref<!tpu.dma_semaphore, #tpu.memory_space<semaphore_mem>>) src(%dma_wait3A_83 : memref<10000x128xf32, #tpu.memory_space<hbm>>) dst(%arg17 : memref<128x128xf32, #tpu.memory_space<vmem>>)
    %dma_wait3A_84 = arith.constant 0 : i32
    %dma_wait3A_85 = tpu.memref_slice %arg7[%add3A_31, %dma_wait3A_84] : memref<16384x128xf32, #tpu.memory_space<hbm>> -> memref<128x128xf32, #tpu.memory_space<hbm>>
    %dma_wait3A_86 = arith.constant 0 : i32
    %dma_wait3A_87 = tpu.memref_slice %arg7[%add3A_31, %dma_wait3A_86] : memref<16384x128xf32, #tpu.memory_space<hbm>> -> memref<128x128xf32, #tpu.memory_space<hbm>>
    tpu.wait_dma2 semaphore(%arg23 : memref<!tpu.dma_semaphore, #tpu.memory_space<semaphore_mem>>) src(%dma_wait3A_87 : memref<128x128xf32, #tpu.memory_space<hbm>>) dst(%arg18 : memref<128x128xf32, #tpu.memory_space<vmem>>)
    %scan3A_88 = arith.constant 0 : i32
    %scan3A_89 = arith.constant 0 : i32
    %scan3A_90 = arith.constant 128 : i32
    %scan3A_91 = arith.addi %scan3A_89, %scan3A_90 : i32
    %scan3A_92 = arith.constant 4 : i32
    scf.for %scan3A_164 = %scan3A_89 to %scan3A_91 step %scan3A_92  : i32 {
      %get3A = arith.index_cast %scan3A_164 : i32 to index
      %get3A_165 = arith.constant 0 : index
      %get3A_166 = tpu.vector_load %arg16[%get3A, %get3A_165] {strides = array<i32>} : memref<128x128xf32, #tpu.memory_space<vmem>>, vector<1x16xf32>,
      %get3A_167 = vector.shape_cast %get3A_166 : vector<1x16xf32> to vector<16xf32>
      %get3A_168 = arith.index_cast %scan3A_164 : i32 to index
      %get3A_169 = arith.constant 0 : index
      %get3A_170 = tpu.vector_load %arg17[%get3A_168, %get3A_169] {strides = array<i32>} : memref<128x128xf32, #tpu.memory_space<vmem>>, vector<1x16xf32>,
      %get3A_171 = vector.shape_cast %get3A_170 : vector<1x16xf32> to vector<16xf32>
      %get3A_172 = arith.index_cast %scan3A_164 : i32 to index
      %get3A_173 = arith.constant 0 : index
      %get3A_174 = tpu.vector_load %arg18[%get3A_172, %get3A_173] {strides = array<i32>} : memref<128x128xf32, #tpu.memory_space<vmem>>, vector<1x16xf32>,
      %get3A_175 = vector.shape_cast %get3A_174 : vector<1x16xf32> to vector<16xf32>
      %sub3A = arith.subf %get3A_167, %get3A_171 : vector<16xf32>
      %mul3A_176 = arith.mulf %get3A_175, %sub3A : vector<16xf32>
      %get3A_177 = arith.index_cast %scan3A_164 : i32 to index
      %get3A_178 = arith.constant 16 : index
      %get3A_179 = tpu.vector_load %arg16[%get3A_177, %get3A_178] {strides = array<i32>} : memref<128x128xf32, #tpu.memory_space<vmem>>, vector<1x16xf32>,
      %get3A_180 = vector.shape_cast %get3A_179 : vector<1x16xf32> to vector<16xf32>
      %get3A_181 = arith.index_cast %scan3A_164 : i32 to index
      %get3A_182 = arith.constant 16 : index
      %get3A_183 = tpu.vector_load %arg17[%get3A_181, %get3A_182] {strides = array<i32>} : memref<128x128xf32, #tpu.memory_space<vmem>>, vector<1x16xf32>,
      %get3A_184 = vector.shape_cast %get3A_183 : vector<1x16xf32> to vector<16xf32>
      %get3A_185 = arith.index_cast %scan3A_164 : i32 to index
      %get3A_186 = arith.constant 16 : index
      %get3A_187 = tpu.vector_load %arg18[%get3A_185, %get3A_186] {strides = array<i32>} : memref<128x128xf32, #tpu.memory_space<vmem>>, vector<1x16xf32>,
      %get3A_188 = vector.shape_cast %get3A_187 : vector<1x16xf32> to vector<16xf32>
      %sub3A_189 = arith.subf %get3A_180, %get3A_184 : vector<16xf32>
      %mul3A_190 = arith.mulf %get3A_188, %sub3A_189 : vector<16xf32>
      %add3A_191 = arith.addf %mul3A_176, %mul3A_190 : vector<16xf32>
      %add3A_192 = arith.addf %get3A_175, %get3A_188 : vector<16xf32>
      %get3A_193 = arith.index_cast %scan3A_164 : i32 to index
      %get3A_194 = arith.constant 32 : index
      %get3A_195 = tpu.vector_load %arg16[%get3A_193, %get3A_194] {strides = array<i32>} : memref<128x128xf32, #tpu.memory_space<vmem>>, vector<1x16xf32>,
      %get3A_196 = vector.shape_cast %get3A_195 : vector<1x16xf32> to vector<16xf32>
      %get3A_197 = arith.index_cast %scan3A_164 : i32 to index
      %get3A_198 = arith.constant 32 : index
      %get3A_199 = tpu.vector_load %arg17[%get3A_197, %get3A_198] {strides = array<i32>} : memref<128x128xf32, #tpu.memory_space<vmem>>, vector<1x16xf32>,
      %get3A_200 = vector.shape_cast %get3A_199 : vector<1x16xf32> to vector<16xf32>
      %get3A_201 = arith.index_cast %scan3A_164 : i32 to index
      %get3A_202 = arith.constant 32 : index
      %get3A_203 = tpu.vector_load %arg18[%get3A_201, %get3A_202] {strides = array<i32>} : memref<128x128xf32, #tpu.memory_space<vmem>>, vector<1x16xf32>,
      %get3A_204 = vector.shape_cast %get3A_203 : vector<1x16xf32> to vector<16xf32>
      %sub3A_205 = arith.subf %get3A_196, %get3A_200 : vector<16xf32>
      %mul3A_206 = arith.mulf %get3A_204, %sub3A_205 : vector<16xf32>
      %add3A_207 = arith.addf %add3A_191, %mul3A_206 : vector<16xf32>
      %add3A_208 = arith.addf %add3A_192, %get3A_204 : vector<16xf32>
      %get3A_209 = arith.index_cast %scan3A_164 : i32 to index
      %get3A_210 = arith.constant 48 : index
      %get3A_211 = tpu.vector_load %arg16[%get3A_209, %get3A_210] {strides = array<i32>} : memref<128x128xf32, #tpu.memory_space<vmem>>, vector<1x16xf32>,
      %get3A_212 = vector.shape_cast %get3A_211 : vector<1x16xf32> to vector<16xf32>
      %get3A_213 = arith.index_cast %scan3A_164 : i32 to index
      %get3A_214 = arith.constant 48 : index
      %get3A_215 = tpu.vector_load %arg17[%get3A_213, %get3A_214] {strides = array<i32>} : memref<128x128xf32, #tpu.memory_space<vmem>>, vector<1x16xf32>,
      %get3A_216 = vector.shape_cast %get3A_215 : vector<1x16xf32> to vector<16xf32>
      %get3A_217 = arith.index_cast %scan3A_164 : i32 to index
      %get3A_218 = arith.constant 48 : index
      %get3A_219 = tpu.vector_load %arg18[%get3A_217, %get3A_218] {strides = array<i32>} : memref<128x128xf32, #tpu.memory_space<vmem>>, vector<1x16xf32>,
      %get3A_220 = vector.shape_cast %get3A_219 : vector<1x16xf32> to vector<16xf32>
      %sub3A_221 = arith.subf %get3A_212, %get3A_216 : vector<16xf32>
      %mul3A_222 = arith.mulf %get3A_220, %sub3A_221 : vector<16xf32>
      %add3A_223 = arith.addf %add3A_207, %mul3A_222 : vector<16xf32>
      %add3A_224 = arith.addf %add3A_208, %get3A_220 : vector<16xf32>
      %get3A_225 = arith.index_cast %scan3A_164 : i32 to index
      %get3A_226 = arith.constant 64 : index
      %get3A_227 = tpu.vector_load %arg16[%get3A_225, %get3A_226] {strides = array<i32>} : memref<128x128xf32, #tpu.memory_space<vmem>>, vector<1x16xf32>,
      %get3A_228 = vector.shape_cast %get3A_227 : vector<1x16xf32> to vector<16xf32>
      %get3A_229 = arith.index_cast %scan3A_164 : i32 to index
      %get3A_230 = arith.constant 64 : index
      %get3A_231 = tpu.vector_load %arg17[%get3A_229, %get3A_230] {strides = array<i32>} : memref<128x128xf32, #tpu.memory_space<vmem>>, vector<1x16xf32>,
      %get3A_232 = vector.shape_cast %get3A_231 : vector<1x16xf32> to vector<16xf32>
      %get3A_233 = arith.index_cast %scan3A_164 : i32 to index
      %get3A_234 = arith.constant 64 : index
      %get3A_235 = tpu.vector_load %arg18[%get3A_233, %get3A_234] {strides = array<i32>} : memref<128x128xf32, #tpu.memory_space<vmem>>, vector<1x16xf32>,
      %get3A_236 = vector.shape_cast %get3A_235 : vector<1x16xf32> to vector<16xf32>
      %sub3A_237 = arith.subf %get3A_228, %get3A_232 : vector<16xf32>
      %mul3A_238 = arith.mulf %get3A_236, %sub3A_237 : vector<16xf32>
      %add3A_239 = arith.addf %add3A_223, %mul3A_238 : vector<16xf32>
      %add3A_240 = arith.addf %add3A_224, %get3A_236 : vector<16xf32>
      %get3A_241 = arith.index_cast %scan3A_164 : i32 to index
      %get3A_242 = arith.constant 80 : index
      %get3A_243 = tpu.vector_load %arg16[%get3A_241, %get3A_242] {strides = array<i32>} : memref<128x128xf32, #tpu.memory_space<vmem>>, vector<1x16xf32>,
      %get3A_244 = vector.shape_cast %get3A_243 : vector<1x16xf32> to vector<16xf32>
      %get3A_245 = arith.index_cast %scan3A_164 : i32 to index
      %get3A_246 = arith.constant 80 : index
      %get3A_247 = tpu.vector_load %arg17[%get3A_245, %get3A_246] {strides = array<i32>} : memref<128x128xf32, #tpu.memory_space<vmem>>, vector<1x16xf32>,
      %get3A_248 = vector.shape_cast %get3A_247 : vector<1x16xf32> to vector<16xf32>
      %get3A_249 = arith.index_cast %scan3A_164 : i32 to index
      %get3A_250 = arith.constant 80 : index
      %get3A_251 = tpu.vector_load %arg18[%get3A_249, %get3A_250] {strides = array<i32>} : memref<128x128xf32, #tpu.memory_space<vmem>>, vector<1x16xf32>,
      %get3A_252 = vector.shape_cast %get3A_251 : vector<1x16xf32> to vector<16xf32>
      %sub3A_253 = arith.subf %get3A_244, %get3A_248 : vector<16xf32>
      %mul3A_254 = arith.mulf %get3A_252, %sub3A_253 : vector<16xf32>
      %add3A_255 = arith.addf %add3A_239, %mul3A_254 : vector<16xf32>
      %add3A_256 = arith.addf %add3A_240, %get3A_252 : vector<16xf32>
      %get3A_257 = arith.index_cast %scan3A_164 : i32 to index
      %get3A_258 = arith.constant 96 : index
      %get3A_259 = tpu.vector_load %arg16[%get3A_257, %get3A_258] {strides = array<i32>} : memref<128x128xf32, #tpu.memory_space<vmem>>, vector<1x16xf32>,
      %get3A_260 = vector.shape_cast %get3A_259 : vector<1x16xf32> to vector<16xf32>
      %get3A_261 = arith.index_cast %scan3A_164 : i32 to index
      %get3A_262 = arith.constant 96 : index
      %get3A_263 = tpu.vector_load %arg17[%get3A_261, %get3A_262] {strides = array<i32>} : memref<128x128xf32, #tpu.memory_space<vmem>>, vector<1x16xf32>,
      %get3A_264 = vector.shape_cast %get3A_263 : vector<1x16xf32> to vector<16xf32>
      %get3A_265 = arith.index_cast %scan3A_164 : i32 to index
      %get3A_266 = arith.constant 96 : index
      %get3A_267 = tpu.vector_load %arg18[%get3A_265, %get3A_266] {strides = array<i32>} : memref<128x128xf32, #tpu.memory_space<vmem>>, vector<1x16xf32>,
      %get3A_268 = vector.shape_cast %get3A_267 : vector<1x16xf32> to vector<16xf32>
      %sub3A_269 = arith.subf %get3A_260, %get3A_264 : vector<16xf32>
      %mul3A_270 = arith.mulf %get3A_268, %sub3A_269 : vector<16xf32>
      %add3A_271 = arith.addf %add3A_255, %mul3A_270 : vector<16xf32>
      %add3A_272 = arith.addf %add3A_256, %get3A_268 : vector<16xf32>
      %get3A_273 = arith.index_cast %scan3A_164 : i32 to index
      %get3A_274 = arith.constant 112 : index
      %get3A_275 = tpu.vector_load %arg16[%get3A_273, %get3A_274] {strides = array<i32>} : memref<128x128xf32, #tpu.memory_space<vmem>>, vector<1x16xf32>,
      %get3A_276 = vector.shape_cast %get3A_275 : vector<1x16xf32> to vector<16xf32>
      %get3A_277 = arith.index_cast %scan3A_164 : i32 to index
      %get3A_278 = arith.constant 112 : index
      %get3A_279 = tpu.vector_load %arg17[%get3A_277, %get3A_278] {strides = array<i32>} : memref<128x128xf32, #tpu.memory_space<vmem>>, vector<1x16xf32>,
      %get3A_280 = vector.shape_cast %get3A_279 : vector<1x16xf32> to vector<16xf32>
      %get3A_281 = arith.index_cast %scan3A_164 : i32 to index
      %get3A_282 = arith.constant 112 : index
      %get3A_283 = tpu.vector_load %arg18[%get3A_281, %get3A_282] {strides = array<i32>} : memref<128x128xf32, #tpu.memory_space<vmem>>, vector<1x16xf32>,
      %get3A_284 = vector.shape_cast %get3A_283 : vector<1x16xf32> to vector<16xf32>
      %sub3A_285 = arith.subf %get3A_276, %get3A_280 : vector<16xf32>
      %mul3A_286 = arith.mulf %get3A_284, %sub3A_285 : vector<16xf32>
      %add3A_287 = arith.addf %add3A_271, %mul3A_286 : vector<16xf32>
      %add3A_288 = arith.addf %add3A_272, %get3A_284 : vector<16xf32>
      %mul3A_289 = arith.constant 16 : i32
      %mul3A_290 = arith.muli %scan3A_164, %mul3A_289 : i32
      %swap3A = arith.index_cast %mul3A_290 : i32 to index
      %swap3A_291 = tpu.vector_load %arg19[%swap3A] {strides = array<i32>} : memref<2048xf32, #tpu.memory_space<vmem>>, vector<16xf32>,
      %swap3A_292 = vector.shape_cast %swap3A_291 : vector<16xf32> to vector<16xf32>
      %swap3A_293 = vector.shape_cast %add3A_287 : vector<16xf32> to vector<16xf32>
      tpu.vector_store %arg19[%swap3A], %swap3A_293 {strides = array<i32>} : memref<2048xf32, #tpu.memory_space<vmem>>, vector<16xf32>,
      %mul3A_294 = arith.constant 16 : i32
      %mul3A_295 = arith.muli %scan3A_164, %mul3A_294 : i32
      %swap3A_296 = arith.index_cast %mul3A_295 : i32 to index
      %swap3A_297 = tpu.vector_load %arg20[%swap3A_296] {strides = array<i32>} : memref<2048xf32, #tpu.memory_space<vmem>>, vector<16xf32>,
      %swap3A_298 = vector.shape_cast %swap3A_297 : vector<16xf32> to vector<16xf32>
      %swap3A_299 = vector.shape_cast %add3A_288 : vector<16xf32> to vector<16xf32>
      tpu.vector_store %arg20[%swap3A_296], %swap3A_299 {strides = array<i32>} : memref<2048xf32, #tpu.memory_space<vmem>>, vector<16xf32>,
      %scan3A_300 = arith.constant 1 : i32
      %scan3A_301 = arith.addi %scan3A_164, %scan3A_300 : i32
      %get3A_302 = arith.index_cast %scan3A_301 : i32 to index
      %get3A_303 = arith.constant 0 : index
      %get3A_304 = tpu.vector_load %arg16[%get3A_302, %get3A_303] {strides = array<i32>} : memref<128x128xf32, #tpu.memory_space<vmem>>, vector<1x16xf32>,
      %get3A_305 = vector.shape_cast %get3A_304 : vector<1x16xf32> to vector<16xf32>
      %get3A_306 = arith.index_cast %scan3A_301 : i32 to index
      %get3A_307 = arith.constant 0 : index
      %get3A_308 = tpu.vector_load %arg17[%get3A_306, %get3A_307] {strides = array<i32>} : memref<128x128xf32, #tpu.memory_space<vmem>>, vector<1x16xf32>,
      %get3A_309 = vector.shape_cast %get3A_308 : vector<1x16xf32> to vector<16xf32>
      %get3A_310 = arith.index_cast %scan3A_301 : i32 to index
      %get3A_311 = arith.constant 0 : index
      %get3A_312 = tpu.vector_load %arg18[%get3A_310, %get3A_311] {strides = array<i32>} : memref<128x128xf32, #tpu.memory_space<vmem>>, vector<1x16xf32>,
      %get3A_313 = vector.shape_cast %get3A_312 : vector<1x16xf32> to vector<16xf32>
      %sub3A_314 = arith.subf %get3A_305, %get3A_309 : vector<16xf32>
      %mul3A_315 = arith.mulf %get3A_313, %sub3A_314 : vector<16xf32>
      %get3A_316 = arith.index_cast %scan3A_301 : i32 to index
      %get3A_317 = arith.constant 16 : index
      %get3A_318 = tpu.vector_load %arg16[%get3A_316, %get3A_317] {strides = array<i32>} : memref<128x128xf32, #tpu.memory_space<vmem>>, vector<1x16xf32>,
      %get3A_319 = vector.shape_cast %get3A_318 : vector<1x16xf32> to vector<16xf32>
      %get3A_320 = arith.index_cast %scan3A_301 : i32 to index
      %get3A_321 = arith.constant 16 : index
      %get3A_322 = tpu.vector_load %arg17[%get3A_320, %get3A_321] {strides = array<i32>} : memref<128x128xf32, #tpu.memory_space<vmem>>, vector<1x16xf32>,
      %get3A_323 = vector.shape_cast %get3A_322 : vector<1x16xf32> to vector<16xf32>
      %get3A_324 = arith.index_cast %scan3A_301 : i32 to index
      %get3A_325 = arith.constant 16 : index
      %get3A_326 = tpu.vector_load %arg18[%get3A_324, %get3A_325] {strides = array<i32>} : memref<128x128xf32, #tpu.memory_space<vmem>>, vector<1x16xf32>,
      %get3A_327 = vector.shape_cast %get3A_326 : vector<1x16xf32> to vector<16xf32>
      %sub3A_328 = arith.subf %get3A_319, %get3A_323 : vector<16xf32>
      %mul3A_329 = arith.mulf %get3A_327, %sub3A_328 : vector<16xf32>
      %add3A_330 = arith.addf %mul3A_315, %mul3A_329 : vector<16xf32>
      %add3A_331 = arith.addf %get3A_313, %get3A_327 : vector<16xf32>
      %get3A_332 = arith.index_cast %scan3A_301 : i32 to index
      %get3A_333 = arith.constant 32 : index
      %get3A_334 = tpu.vector_load %arg16[%get3A_332, %get3A_333] {strides = array<i32>} : memref<128x128xf32, #tpu.memory_space<vmem>>, vector<1x16xf32>,
      %get3A_335 = vector.shape_cast %get3A_334 : vector<1x16xf32> to vector<16xf32>
      %get3A_336 = arith.index_cast %scan3A_301 : i32 to index
      %get3A_337 = arith.constant 32 : index
      %get3A_338 = tpu.vector_load %arg17[%get3A_336, %get3A_337] {strides = array<i32>} : memref<128x128xf32, #tpu.memory_space<vmem>>, vector<1x16xf32>,
      %get3A_339 = vector.shape_cast %get3A_338 : vector<1x16xf32> to vector<16xf32>
      %get3A_340 = arith.index_cast %scan3A_301 : i32 to index
      %get3A_341 = arith.constant 32 : index
      %get3A_342 = tpu.vector_load %arg18[%get3A_340, %get3A_341] {strides = array<i32>} : memref<128x128xf32, #tpu.memory_space<vmem>>, vector<1x16xf32>,
      %get3A_343 = vector.shape_cast %get3A_342 : vector<1x16xf32> to vector<16xf32>
      %sub3A_344 = arith.subf %get3A_335, %get3A_339 : vector<16xf32>
      %mul3A_345 = arith.mulf %get3A_343, %sub3A_344 : vector<16xf32>
      %add3A_346 = arith.addf %add3A_330, %mul3A_345 : vector<16xf32>
      %add3A_347 = arith.addf %add3A_331, %get3A_343 : vector<16xf32>
      %get3A_348 = arith.index_cast %scan3A_301 : i32 to index
      %get3A_349 = arith.constant 48 : index
      %get3A_350 = tpu.vector_load %arg16[%get3A_348, %get3A_349] {strides = array<i32>} : memref<128x128xf32, #tpu.memory_space<vmem>>, vector<1x16xf32>,
      %get3A_351 = vector.shape_cast %get3A_350 : vector<1x16xf32> to vector<16xf32>
      %get3A_352 = arith.index_cast %scan3A_301 : i32 to index
      %get3A_353 = arith.constant 48 : index
      %get3A_354 = tpu.vector_load %arg17[%get3A_352, %get3A_353] {strides = array<i32>} : memref<128x128xf32, #tpu.memory_space<vmem>>, vector<1x16xf32>,
      %get3A_355 = vector.shape_cast %get3A_354 : vector<1x16xf32> to vector<16xf32>
      %get3A_356 = arith.index_cast %scan3A_301 : i32 to index
      %get3A_357 = arith.constant 48 : index
      %get3A_358 = tpu.vector_load %arg18[%get3A_356, %get3A_357] {strides = array<i32>} : memref<128x128xf32, #tpu.memory_space<vmem>>, vector<1x16xf32>,
      %get3A_359 = vector.shape_cast %get3A_358 : vector<1x16xf32> to vector<16xf32>
      %sub3A_360 = arith.subf %get3A_351, %get3A_355 : vector<16xf32>
      %mul3A_361 = arith.mulf %get3A_359, %sub3A_360 : vector<16xf32>
      %add3A_362 = arith.addf %add3A_346, %mul3A_361 : vector<16xf32>
      %add3A_363 = arith.addf %add3A_347, %get3A_359 : vector<16xf32>
      %get3A_364 = arith.index_cast %scan3A_301 : i32 to index
      %get3A_365 = arith.constant 64 : index
      %get3A_366 = tpu.vector_load %arg16[%get3A_364, %get3A_365] {strides = array<i32>} : memref<128x128xf32, #tpu.memory_space<vmem>>, vector<1x16xf32>,
      %get3A_367 = vector.shape_cast %get3A_366 : vector<1x16xf32> to vector<16xf32>
      %get3A_368 = arith.index_cast %scan3A_301 : i32 to index
      %get3A_369 = arith.constant 64 : index
      %get3A_370 = tpu.vector_load %arg17[%get3A_368, %get3A_369] {strides = array<i32>} : memref<128x128xf32, #tpu.memory_space<vmem>>, vector<1x16xf32>,
      %get3A_371 = vector.shape_cast %get3A_370 : vector<1x16xf32> to vector<16xf32>
      %get3A_372 = arith.index_cast %scan3A_301 : i32 to index
      %get3A_373 = arith.constant 64 : index
      %get3A_374 = tpu.vector_load %arg18[%get3A_372, %get3A_373] {strides = array<i32>} : memref<128x128xf32, #tpu.memory_space<vmem>>, vector<1x16xf32>,
      %get3A_375 = vector.shape_cast %get3A_374 : vector<1x16xf32> to vector<16xf32>
      %sub3A_376 = arith.subf %get3A_367, %get3A_371 : vector<16xf32>
      %mul3A_377 = arith.mulf %get3A_375, %sub3A_376 : vector<16xf32>
      %add3A_378 = arith.addf %add3A_362, %mul3A_377 : vector<16xf32>
      %add3A_379 = arith.addf %add3A_363, %get3A_375 : vector<16xf32>
      %get3A_380 = arith.index_cast %scan3A_301 : i32 to index
      %get3A_381 = arith.constant 80 : index
      %get3A_382 = tpu.vector_load %arg16[%get3A_380, %get3A_381] {strides = array<i32>} : memref<128x128xf32, #tpu.memory_space<vmem>>, vector<1x16xf32>,
      %get3A_383 = vector.shape_cast %get3A_382 : vector<1x16xf32> to vector<16xf32>
      %get3A_384 = arith.index_cast %scan3A_301 : i32 to index
      %get3A_385 = arith.constant 80 : index
      %get3A_386 = tpu.vector_load %arg17[%get3A_384, %get3A_385] {strides = array<i32>} : memref<128x128xf32, #tpu.memory_space<vmem>>, vector<1x16xf32>,
      %get3A_387 = vector.shape_cast %get3A_386 : vector<1x16xf32> to vector<16xf32>
      %get3A_388 = arith.index_cast %scan3A_301 : i32 to index
      %get3A_389 = arith.constant 80 : index
      %get3A_390 = tpu.vector_load %arg18[%get3A_388, %get3A_389] {strides = array<i32>} : memref<128x128xf32, #tpu.memory_space<vmem>>, vector<1x16xf32>,
      %get3A_391 = vector.shape_cast %get3A_390 : vector<1x16xf32> to vector<16xf32>
      %sub3A_392 = arith.subf %get3A_383, %get3A_387 : vector<16xf32>
      %mul3A_393 = arith.mulf %get3A_391, %sub3A_392 : vector<16xf32>
      %add3A_394 = arith.addf %add3A_378, %mul3A_393 : vector<16xf32>
      %add3A_395 = arith.addf %add3A_379, %get3A_391 : vector<16xf32>
      %get3A_396 = arith.index_cast %scan3A_301 : i32 to index
      %get3A_397 = arith.constant 96 : index
      %get3A_398 = tpu.vector_load %arg16[%get3A_396, %get3A_397] {strides = array<i32>} : memref<128x128xf32, #tpu.memory_space<vmem>>, vector<1x16xf32>,
      %get3A_399 = vector.shape_cast %get3A_398 : vector<1x16xf32> to vector<16xf32>
      %get3A_400 = arith.index_cast %scan3A_301 : i32 to index
      %get3A_401 = arith.constant 96 : index
      %get3A_402 = tpu.vector_load %arg17[%get3A_400, %get3A_401] {strides = array<i32>} : memref<128x128xf32, #tpu.memory_space<vmem>>, vector<1x16xf32>,
      %get3A_403 = vector.shape_cast %get3A_402 : vector<1x16xf32> to vector<16xf32>
      %get3A_404 = arith.index_cast %scan3A_301 : i32 to index
      %get3A_405 = arith.constant 96 : index
      %get3A_406 = tpu.vector_load %arg18[%get3A_404, %get3A_405] {strides = array<i32>} : memref<128x128xf32, #tpu.memory_space<vmem>>, vector<1x16xf32>,
      %get3A_407 = vector.shape_cast %get3A_406 : vector<1x16xf32> to vector<16xf32>
      %sub3A_408 = arith.subf %get3A_399, %get3A_403 : vector<16xf32>
      %mul3A_409 = arith.mulf %get3A_407, %sub3A_408 : vector<16xf32>
      %add3A_410 = arith.addf %add3A_394, %mul3A_409 : vector<16xf32>
      %add3A_411 = arith.addf %add3A_395, %get3A_407 : vector<16xf32>
      %get3A_412 = arith.index_cast %scan3A_301 : i32 to index
      %get3A_413 = arith.constant 112 : index
      %get3A_414 = tpu.vector_load %arg16[%get3A_412, %get3A_413] {strides = array<i32>} : memref<128x128xf32, #tpu.memory_space<vmem>>, vector<1x16xf32>,
      %get3A_415 = vector.shape_cast %get3A_414 : vector<1x16xf32> to vector<16xf32>
      %get3A_416 = arith.index_cast %scan3A_301 : i32 to index
      %get3A_417 = arith.constant 112 : index
      %get3A_418 = tpu.vector_load %arg17[%get3A_416, %get3A_417] {strides = array<i32>} : memref<128x128xf32, #tpu.memory_space<vmem>>, vector<1x16xf32>,
      %get3A_419 = vector.shape_cast %get3A_418 : vector<1x16xf32> to vector<16xf32>
      %get3A_420 = arith.index_cast %scan3A_301 : i32 to index
      %get3A_421 = arith.constant 112 : index
      %get3A_422 = tpu.vector_load %arg18[%get3A_420, %get3A_421] {strides = array<i32>} : memref<128x128xf32, #tpu.memory_space<vmem>>, vector<1x16xf32>,
      %get3A_423 = vector.shape_cast %get3A_422 : vector<1x16xf32> to vector<16xf32>
      %sub3A_424 = arith.subf %get3A_415, %get3A_419 : vector<16xf32>
      %mul3A_425 = arith.mulf %get3A_423, %sub3A_424 : vector<16xf32>
      %add3A_426 = arith.addf %add3A_410, %mul3A_425 : vector<16xf32>
      %add3A_427 = arith.addf %add3A_411, %get3A_423 : vector<16xf32>
      %mul3A_428 = arith.constant 16 : i32
      %mul3A_429 = arith.muli %scan3A_301, %mul3A_428 : i32
      %swap3A_430 = arith.index_cast %mul3A_429 : i32 to index
      %swap3A_431 = tpu.vector_load %arg19[%swap3A_430] {strides = array<i32>} : memref<2048xf32, #tpu.memory_space<vmem>>, vector<16xf32>,
      %swap3A_432 = vector.shape_cast %swap3A_431 : vector<16xf32> to vector<16xf32>
      %swap3A_433 = vector.shape_cast %add3A_426 : vector<16xf32> to vector<16xf32>
      tpu.vector_store %arg19[%swap3A_430], %swap3A_433 {strides = array<i32>} : memref<2048xf32, #tpu.memory_space<vmem>>, vector<16xf32>,
      %mul3A_434 = arith.constant 16 : i32
      %mul3A_435 = arith.muli %scan3A_301, %mul3A_434 : i32
      %swap3A_436 = arith.index_cast %mul3A_435 : i32 to index
      %swap3A_437 = tpu.vector_load %arg20[%swap3A_436] {strides = array<i32>} : memref<2048xf32, #tpu.memory_space<vmem>>, vector<16xf32>,
      %swap3A_438 = vector.shape_cast %swap3A_437 : vector<16xf32> to vector<16xf32>
      %swap3A_439 = vector.shape_cast %add3A_427 : vector<16xf32> to vector<16xf32>
      tpu.vector_store %arg20[%swap3A_436], %swap3A_439 {strides = array<i32>} : memref<2048xf32, #tpu.memory_space<vmem>>, vector<16xf32>,
      %scan3A_440 = arith.constant 2 : i32
      %scan3A_441 = arith.addi %scan3A_164, %scan3A_440 : i32
      %get3A_442 = arith.index_cast %scan3A_441 : i32 to index
      %get3A_443 = arith.constant 0 : index
      %get3A_444 = tpu.vector_load %arg16[%get3A_442, %get3A_443] {strides = array<i32>} : memref<128x128xf32, #tpu.memory_space<vmem>>, vector<1x16xf32>,
      %get3A_445 = vector.shape_cast %get3A_444 : vector<1x16xf32> to vector<16xf32>
      %get3A_446 = arith.index_cast %scan3A_441 : i32 to index
      %get3A_447 = arith.constant 0 : index
      %get3A_448 = tpu.vector_load %arg17[%get3A_446, %get3A_447] {strides = array<i32>} : memref<128x128xf32, #tpu.memory_space<vmem>>, vector<1x16xf32>,
      %get3A_449 = vector.shape_cast %get3A_448 : vector<1x16xf32> to vector<16xf32>
      %get3A_450 = arith.index_cast %scan3A_441 : i32 to index
      %get3A_451 = arith.constant 0 : index
      %get3A_452 = tpu.vector_load %arg18[%get3A_450, %get3A_451] {strides = array<i32>} : memref<128x128xf32, #tpu.memory_space<vmem>>, vector<1x16xf32>,
      %get3A_453 = vector.shape_cast %get3A_452 : vector<1x16xf32> to vector<16xf32>
      %sub3A_454 = arith.subf %get3A_445, %get3A_449 : vector<16xf32>
      %mul3A_455 = arith.mulf %get3A_453, %sub3A_454 : vector<16xf32>
      %get3A_456 = arith.index_cast %scan3A_441 : i32 to index
      %get3A_457 = arith.constant 16 : index
      %get3A_458 = tpu.vector_load %arg16[%get3A_456, %get3A_457] {strides = array<i32>} : memref<128x128xf32, #tpu.memory_space<vmem>>, vector<1x16xf32>,
      %get3A_459 = vector.shape_cast %get3A_458 : vector<1x16xf32> to vector<16xf32>
      %get3A_460 = arith.index_cast %scan3A_441 : i32 to index
      %get3A_461 = arith.constant 16 : index
      %get3A_462 = tpu.vector_load %arg17[%get3A_460, %get3A_461] {strides = array<i32>} : memref<128x128xf32, #tpu.memory_space<vmem>>, vector<1x16xf32>,
      %get3A_463 = vector.shape_cast %get3A_462 : vector<1x16xf32> to vector<16xf32>
      %get3A_464 = arith.index_cast %scan3A_441 : i32 to index
      %get3A_465 = arith.constant 16 : index
      %get3A_466 = tpu.vector_load %arg18[%get3A_464, %get3A_465] {strides = array<i32>} : memref<128x128xf32, #tpu.memory_space<vmem>>, vector<1x16xf32>,
      %get3A_467 = vector.shape_cast %get3A_466 : vector<1x16xf32> to vector<16xf32>
      %sub3A_468 = arith.subf %get3A_459, %get3A_463 : vector<16xf32>
      %mul3A_469 = arith.mulf %get3A_467, %sub3A_468 : vector<16xf32>
      %add3A_470 = arith.addf %mul3A_455, %mul3A_469 : vector<16xf32>
      %add3A_471 = arith.addf %get3A_453, %get3A_467 : vector<16xf32>
      %get3A_472 = arith.index_cast %scan3A_441 : i32 to index
      %get3A_473 = arith.constant 32 : index
      %get3A_474 = tpu.vector_load %arg16[%get3A_472, %get3A_473] {strides = array<i32>} : memref<128x128xf32, #tpu.memory_space<vmem>>, vector<1x16xf32>,
      %get3A_475 = vector.shape_cast %get3A_474 : vector<1x16xf32> to vector<16xf32>
      %get3A_476 = arith.index_cast %scan3A_441 : i32 to index
      %get3A_477 = arith.constant 32 : index
      %get3A_478 = tpu.vector_load %arg17[%get3A_476, %get3A_477] {strides = array<i32>} : memref<128x128xf32, #tpu.memory_space<vmem>>, vector<1x16xf32>,
      %get3A_479 = vector.shape_cast %get3A_478 : vector<1x16xf32> to vector<16xf32>
      %get3A_480 = arith.index_cast %scan3A_441 : i32 to index
      %get3A_481 = arith.constant 32 : index
      %get3A_482 = tpu.vector_load %arg18[%get3A_480, %get3A_481] {strides = array<i32>} : memref<128x128xf32, #tpu.memory_space<vmem>>, vector<1x16xf32>,
      %get3A_483 = vector.shape_cast %get3A_482 : vector<1x16xf32> to vector<16xf32>
      %sub3A_484 = arith.subf %get3A_475, %get3A_479 : vector<16xf32>
      %mul3A_485 = arith.mulf %get3A_483, %sub3A_484 : vector<16xf32>
      %add3A_486 = arith.addf %add3A_470, %mul3A_485 : vector<16xf32>
      %add3A_487 = arith.addf %add3A_471, %get3A_483 : vector<16xf32>
      %get3A_488 = arith.index_cast %scan3A_441 : i32 to index
      %get3A_489 = arith.constant 48 : index
      %get3A_490 = tpu.vector_load %arg16[%get3A_488, %get3A_489] {strides = array<i32>} : memref<128x128xf32, #tpu.memory_space<vmem>>, vector<1x16xf32>,
      %get3A_491 = vector.shape_cast %get3A_490 : vector<1x16xf32> to vector<16xf32>
      %get3A_492 = arith.index_cast %scan3A_441 : i32 to index
      %get3A_493 = arith.constant 48 : index
      %get3A_494 = tpu.vector_load %arg17[%get3A_492, %get3A_493] {strides = array<i32>} : memref<128x128xf32, #tpu.memory_space<vmem>>, vector<1x16xf32>,
      %get3A_495 = vector.shape_cast %get3A_494 : vector<1x16xf32> to vector<16xf32>
      %get3A_496 = arith.index_cast %scan3A_441 : i32 to index
      %get3A_497 = arith.constant 48 : index
      %get3A_498 = tpu.vector_load %arg18[%get3A_496, %get3A_497] {strides = array<i32>} : memref<128x128xf32, #tpu.memory_space<vmem>>, vector<1x16xf32>,
      %get3A_499 = vector.shape_cast %get3A_498 : vector<1x16xf32> to vector<16xf32>
      %sub3A_500 = arith.subf %get3A_491, %get3A_495 : vector<16xf32>
      %mul3A_501 = arith.mulf %get3A_499, %sub3A_500 : vector<16xf32>
      %add3A_502 = arith.addf %add3A_486, %mul3A_501 : vector<16xf32>
      %add3A_503 = arith.addf %add3A_487, %get3A_499 : vector<16xf32>
      %get3A_504 = arith.index_cast %scan3A_441 : i32 to index
      %get3A_505 = arith.constant 64 : index
      %get3A_506 = tpu.vector_load %arg16[%get3A_504, %get3A_505] {strides = array<i32>} : memref<128x128xf32, #tpu.memory_space<vmem>>, vector<1x16xf32>,
      %get3A_507 = vector.shape_cast %get3A_506 : vector<1x16xf32> to vector<16xf32>
      %get3A_508 = arith.index_cast %scan3A_441 : i32 to index
      %get3A_509 = arith.constant 64 : index
      %get3A_510 = tpu.vector_load %arg17[%get3A_508, %get3A_509] {strides = array<i32>} : memref<128x128xf32, #tpu.memory_space<vmem>>, vector<1x16xf32>,
      %get3A_511 = vector.shape_cast %get3A_510 : vector<1x16xf32> to vector<16xf32>
      %get3A_512 = arith.index_cast %scan3A_441 : i32 to index
      %get3A_513 = arith.constant 64 : index
      %get3A_514 = tpu.vector_load %arg18[%get3A_512, %get3A_513] {strides = array<i32>} : memref<128x128xf32, #tpu.memory_space<vmem>>, vector<1x16xf32>,
      %get3A_515 = vector.shape_cast %get3A_514 : vector<1x16xf32> to vector<16xf32>
      %sub3A_516 = arith.subf %get3A_507, %get3A_511 : vector<16xf32>
      %mul3A_517 = arith.mulf %get3A_515, %sub3A_516 : vector<16xf32>
      %add3A_518 = arith.addf %add3A_502, %mul3A_517 : vector<16xf32>
      %add3A_519 = arith.addf %add3A_503, %get3A_515 : vector<16xf32>
      %get3A_520 = arith.index_cast %scan3A_441 : i32 to index
      %get3A_521 = arith.constant 80 : index
      %get3A_522 = tpu.vector_load %arg16[%get3A_520, %get3A_521] {strides = array<i32>} : memref<128x128xf32, #tpu.memory_space<vmem>>, vector<1x16xf32>,
      %get3A_523 = vector.shape_cast %get3A_522 : vector<1x16xf32> to vector<16xf32>
      %get3A_524 = arith.index_cast %scan3A_441 : i32 to index
      %get3A_525 = arith.constant 80 : index
      %get3A_526 = tpu.vector_load %arg17[%get3A_524, %get3A_525] {strides = array<i32>} : memref<128x128xf32, #tpu.memory_space<vmem>>, vector<1x16xf32>,
      %get3A_527 = vector.shape_cast %get3A_526 : vector<1x16xf32> to vector<16xf32>
      %get3A_528 = arith.index_cast %scan3A_441 : i32 to index
      %get3A_529 = arith.constant 80 : index
      %get3A_530 = tpu.vector_load %arg18[%get3A_528, %get3A_529] {strides = array<i32>} : memref<128x128xf32, #tpu.memory_space<vmem>>, vector<1x16xf32>,
      %get3A_531 = vector.shape_cast %get3A_530 : vector<1x16xf32> to vector<16xf32>
      %sub3A_532 = arith.subf %get3A_523, %get3A_527 : vector<16xf32>
      %mul3A_533 = arith.mulf %get3A_531, %sub3A_532 : vector<16xf32>
      %add3A_534 = arith.addf %add3A_518, %mul3A_533 : vector<16xf32>
      %add3A_535 = arith.addf %add3A_519, %get3A_531 : vector<16xf32>
      %get3A_536 = arith.index_cast %scan3A_441 : i32 to index
      %get3A_537 = arith.constant 96 : index
      %get3A_538 = tpu.vector_load %arg16[%get3A_536, %get3A_537] {strides = array<i32>} : memref<128x128xf32, #tpu.memory_space<vmem>>, vector<1x16xf32>,
      %get3A_539 = vector.shape_cast %get3A_538 : vector<1x16xf32> to vector<16xf32>
      %get3A_540 = arith.index_cast %scan3A_441 : i32 to index
      %get3A_541 = arith.constant 96 : index
      %get3A_542 = tpu.vector_load %arg17[%get3A_540, %get3A_541] {strides = array<i32>} : memref<128x128xf32, #tpu.memory_space<vmem>>, vector<1x16xf32>,
      %get3A_543 = vector.shape_cast %get3A_542 : vector<1x16xf32> to vector<16xf32>
      %get3A_544 = arith.index_cast %scan3A_441 : i32 to index
      %get3A_545 = arith.constant 96 : index
      %get3A_546 = tpu.vector_load %arg18[%get3A_544, %get3A_545] {strides = array<i32>} : memref<128x128xf32, #tpu.memory_space<vmem>>, vector<1x16xf32>,
      %get3A_547 = vector.shape_cast %get3A_546 : vector<1x16xf32> to vector<16xf32>
      %sub3A_548 = arith.subf %get3A_539, %get3A_543 : vector<16xf32>
      %mul3A_549 = arith.mulf %get3A_547, %sub3A_548 : vector<16xf32>
      %add3A_550 = arith.addf %add3A_534, %mul3A_549 : vector<16xf32>
      %add3A_551 = arith.addf %add3A_535, %get3A_547 : vector<16xf32>
      %get3A_552 = arith.index_cast %scan3A_441 : i32 to index
      %get3A_553 = arith.constant 112 : index
      %get3A_554 = tpu.vector_load %arg16[%get3A_552, %get3A_553] {strides = array<i32>} : memref<128x128xf32, #tpu.memory_space<vmem>>, vector<1x16xf32>,
      %get3A_555 = vector.shape_cast %get3A_554 : vector<1x16xf32> to vector<16xf32>
      %get3A_556 = arith.index_cast %scan3A_441 : i32 to index
      %get3A_557 = arith.constant 112 : index
      %get3A_558 = tpu.vector_load %arg17[%get3A_556, %get3A_557] {strides = array<i32>} : memref<128x128xf32, #tpu.memory_space<vmem>>, vector<1x16xf32>,
      %get3A_559 = vector.shape_cast %get3A_558 : vector<1x16xf32> to vector<16xf32>
      %get3A_560 = arith.index_cast %scan3A_441 : i32 to index
      %get3A_561 = arith.constant 112 : index
      %get3A_562 = tpu.vector_load %arg18[%get3A_560, %get3A_561] {strides = array<i32>} : memref<128x128xf32, #tpu.memory_space<vmem>>, vector<1x16xf32>,
      %get3A_563 = vector.shape_cast %get3A_562 : vector<1x16xf32> to vector<16xf32>
      %sub3A_564 = arith.subf %get3A_555, %get3A_559 : vector<16xf32>
      %mul3A_565 = arith.mulf %get3A_563, %sub3A_564 : vector<16xf32>
      %add3A_566 = arith.addf %add3A_550, %mul3A_565 : vector<16xf32>
      %add3A_567 = arith.addf %add3A_551, %get3A_563 : vector<16xf32>
      %mul3A_568 = arith.constant 16 : i32
      %mul3A_569 = arith.muli %scan3A_441, %mul3A_568 : i32
      %swap3A_570 = arith.index_cast %mul3A_569 : i32 to index
      %swap3A_571 = tpu.vector_load %arg19[%swap3A_570] {strides = array<i32>} : memref<2048xf32, #tpu.memory_space<vmem>>, vector<16xf32>,
      %swap3A_572 = vector.shape_cast %swap3A_571 : vector<16xf32> to vector<16xf32>
      %swap3A_573 = vector.shape_cast %add3A_566 : vector<16xf32> to vector<16xf32>
      tpu.vector_store %arg19[%swap3A_570], %swap3A_573 {strides = array<i32>} : memref<2048xf32, #tpu.memory_space<vmem>>, vector<16xf32>,
      %mul3A_574 = arith.constant 16 : i32
      %mul3A_575 = arith.muli %scan3A_441, %mul3A_574 : i32
      %swap3A_576 = arith.index_cast %mul3A_575 : i32 to index
      %swap3A_577 = tpu.vector_load %arg20[%swap3A_576] {strides = array<i32>} : memref<2048xf32, #tpu.memory_space<vmem>>, vector<16xf32>,
      %swap3A_578 = vector.shape_cast %swap3A_577 : vector<16xf32> to vector<16xf32>
      %swap3A_579 = vector.shape_cast %add3A_567 : vector<16xf32> to vector<16xf32>
      tpu.vector_store %arg20[%swap3A_576], %swap3A_579 {strides = array<i32>} : memref<2048xf32, #tpu.memory_space<vmem>>, vector<16xf32>,
      %scan3A_580 = arith.constant 3 : i32
      %scan3A_581 = arith.addi %scan3A_164, %scan3A_580 : i32
      %get3A_582 = arith.index_cast %scan3A_581 : i32 to index
      %get3A_583 = arith.constant 0 : index
      %get3A_584 = tpu.vector_load %arg16[%get3A_582, %get3A_583] {strides = array<i32>} : memref<128x128xf32, #tpu.memory_space<vmem>>, vector<1x16xf32>,
      %get3A_585 = vector.shape_cast %get3A_584 : vector<1x16xf32> to vector<16xf32>
      %get3A_586 = arith.index_cast %scan3A_581 : i32 to index
      %get3A_587 = arith.constant 0 : index
      %get3A_588 = tpu.vector_load %arg17[%get3A_586, %get3A_587] {strides = array<i32>} : memref<128x128xf32, #tpu.memory_space<vmem>>, vector<1x16xf32>,
      %get3A_589 = vector.shape_cast %get3A_588 : vector<1x16xf32> to vector<16xf32>
      %get3A_590 = arith.index_cast %scan3A_581 : i32 to index
      %get3A_591 = arith.constant 0 : index
      %get3A_592 = tpu.vector_load %arg18[%get3A_590, %get3A_591] {strides = array<i32>} : memref<128x128xf32, #tpu.memory_space<vmem>>, vector<1x16xf32>,
      %get3A_593 = vector.shape_cast %get3A_592 : vector<1x16xf32> to vector<16xf32>
      %sub3A_594 = arith.subf %get3A_585, %get3A_589 : vector<16xf32>
      %mul3A_595 = arith.mulf %get3A_593, %sub3A_594 : vector<16xf32>
      %get3A_596 = arith.index_cast %scan3A_581 : i32 to index
      %get3A_597 = arith.constant 16 : index
      %get3A_598 = tpu.vector_load %arg16[%get3A_596, %get3A_597] {strides = array<i32>} : memref<128x128xf32, #tpu.memory_space<vmem>>, vector<1x16xf32>,
      %get3A_599 = vector.shape_cast %get3A_598 : vector<1x16xf32> to vector<16xf32>
      %get3A_600 = arith.index_cast %scan3A_581 : i32 to index
      %get3A_601 = arith.constant 16 : index
      %get3A_602 = tpu.vector_load %arg17[%get3A_600, %get3A_601] {strides = array<i32>} : memref<128x128xf32, #tpu.memory_space<vmem>>, vector<1x16xf32>,
      %get3A_603 = vector.shape_cast %get3A_602 : vector<1x16xf32> to vector<16xf32>
      %get3A_604 = arith.index_cast %scan3A_581 : i32 to index
      %get3A_605 = arith.constant 16 : index
      %get3A_606 = tpu.vector_load %arg18[%get3A_604, %get3A_605] {strides = array<i32>} : memref<128x128xf32, #tpu.memory_space<vmem>>, vector<1x16xf32>,
      %get3A_607 = vector.shape_cast %get3A_606 : vector<1x16xf32> to vector<16xf32>
      %sub3A_608 = arith.subf %get3A_599, %get3A_603 : vector<16xf32>
      %mul3A_609 = arith.mulf %get3A_607, %sub3A_608 : vector<16xf32>
      %add3A_610 = arith.addf %mul3A_595, %mul3A_609 : vector<16xf32>
      %add3A_611 = arith.addf %get3A_593, %get3A_607 : vector<16xf32>
      %get3A_612 = arith.index_cast %scan3A_581 : i32 to index
      %get3A_613 = arith.constant 32 : index
      %get3A_614 = tpu.vector_load %arg16[%get3A_612, %get3A_613] {strides = array<i32>} : memref<128x128xf32, #tpu.memory_space<vmem>>, vector<1x16xf32>,
      %get3A_615 = vector.shape_cast %get3A_614 : vector<1x16xf32> to vector<16xf32>
      %get3A_616 = arith.index_cast %scan3A_581 : i32 to index
      %get3A_617 = arith.constant 32 : index
      %get3A_618 = tpu.vector_load %arg17[%get3A_616, %get3A_617] {strides = array<i32>} : memref<128x128xf32, #tpu.memory_space<vmem>>, vector<1x16xf32>,
      %get3A_619 = vector.shape_cast %get3A_618 : vector<1x16xf32> to vector<16xf32>
      %get3A_620 = arith.index_cast %scan3A_581 : i32 to index
      %get3A_621 = arith.constant 32 : index
      %get3A_622 = tpu.vector_load %arg18[%get3A_620, %get3A_621] {strides = array<i32>} : memref<128x128xf32, #tpu.memory_space<vmem>>, vector<1x16xf32>,
      %get3A_623 = vector.shape_cast %get3A_622 : vector<1x16xf32> to vector<16xf32>
      %sub3A_624 = arith.subf %get3A_615, %get3A_619 : vector<16xf32>
      %mul3A_625 = arith.mulf %get3A_623, %sub3A_624 : vector<16xf32>
      %add3A_626 = arith.addf %add3A_610, %mul3A_625 : vector<16xf32>
      %add3A_627 = arith.addf %add3A_611, %get3A_623 : vector<16xf32>
      %get3A_628 = arith.index_cast %scan3A_581 : i32 to index
      %get3A_629 = arith.constant 48 : index
      %get3A_630 = tpu.vector_load %arg16[%get3A_628, %get3A_629] {strides = array<i32>} : memref<128x128xf32, #tpu.memory_space<vmem>>, vector<1x16xf32>,
      %get3A_631 = vector.shape_cast %get3A_630 : vector<1x16xf32> to vector<16xf32>
      %get3A_632 = arith.index_cast %scan3A_581 : i32 to index
      %get3A_633 = arith.constant 48 : index
      %get3A_634 = tpu.vector_load %arg17[%get3A_632, %get3A_633] {strides = array<i32>} : memref<128x128xf32, #tpu.memory_space<vmem>>, vector<1x16xf32>,
      %get3A_635 = vector.shape_cast %get3A_634 : vector<1x16xf32> to vector<16xf32>
      %get3A_636 = arith.index_cast %scan3A_581 : i32 to index
      %get3A_637 = arith.constant 48 : index
      %get3A_638 = tpu.vector_load %arg18[%get3A_636, %get3A_637] {strides = array<i32>} : memref<128x128xf32, #tpu.memory_space<vmem>>, vector<1x16xf32>,
      %get3A_639 = vector.shape_cast %get3A_638 : vector<1x16xf32> to vector<16xf32>
      %sub3A_640 = arith.subf %get3A_631, %get3A_635 : vector<16xf32>
      %mul3A_641 = arith.mulf %get3A_639, %sub3A_640 : vector<16xf32>
      %add3A_642 = arith.addf %add3A_626, %mul3A_641 : vector<16xf32>
      %add3A_643 = arith.addf %add3A_627, %get3A_639 : vector<16xf32>
      %get3A_644 = arith.index_cast %scan3A_581 : i32 to index
      %get3A_645 = arith.constant 64 : index
      %get3A_646 = tpu.vector_load %arg16[%get3A_644, %get3A_645] {strides = array<i32>} : memref<128x128xf32, #tpu.memory_space<vmem>>, vector<1x16xf32>,
      %get3A_647 = vector.shape_cast %get3A_646 : vector<1x16xf32> to vector<16xf32>
      %get3A_648 = arith.index_cast %scan3A_581 : i32 to index
      %get3A_649 = arith.constant 64 : index
      %get3A_650 = tpu.vector_load %arg17[%get3A_648, %get3A_649] {strides = array<i32>} : memref<128x128xf32, #tpu.memory_space<vmem>>, vector<1x16xf32>,
      %get3A_651 = vector.shape_cast %get3A_650 : vector<1x16xf32> to vector<16xf32>
      %get3A_652 = arith.index_cast %scan3A_581 : i32 to index
      %get3A_653 = arith.constant 64 : index
      %get3A_654 = tpu.vector_load %arg18[%get3A_652, %get3A_653] {strides = array<i32>} : memref<128x128xf32, #tpu.memory_space<vmem>>, vector<1x16xf32>,
      %get3A_655 = vector.shape_cast %get3A_654 : vector<1x16xf32> to vector<16xf32>
      %sub3A_656 = arith.subf %get3A_647, %get3A_651 : vector<16xf32>
      %mul3A_657 = arith.mulf %get3A_655, %sub3A_656 : vector<16xf32>
      %add3A_658 = arith.addf %add3A_642, %mul3A_657 : vector<16xf32>
      %add3A_659 = arith.addf %add3A_643, %get3A_655 : vector<16xf32>
      %get3A_660 = arith.index_cast %scan3A_581 : i32 to index
      %get3A_661 = arith.constant 80 : index
      %get3A_662 = tpu.vector_load %arg16[%get3A_660, %get3A_661] {strides = array<i32>} : memref<128x128xf32, #tpu.memory_space<vmem>>, vector<1x16xf32>,
      %get3A_663 = vector.shape_cast %get3A_662 : vector<1x16xf32> to vector<16xf32>
      %get3A_664 = arith.index_cast %scan3A_581 : i32 to index
      %get3A_665 = arith.constant 80 : index
      %get3A_666 = tpu.vector_load %arg17[%get3A_664, %get3A_665] {strides = array<i32>} : memref<128x128xf32, #tpu.memory_space<vmem>>, vector<1x16xf32>,
      %get3A_667 = vector.shape_cast %get3A_666 : vector<1x16xf32> to vector<16xf32>
      %get3A_668 = arith.index_cast %scan3A_581 : i32 to index
      %get3A_669 = arith.constant 80 : index
      %get3A_670 = tpu.vector_load %arg18[%get3A_668, %get3A_669] {strides = array<i32>} : memref<128x128xf32, #tpu.memory_space<vmem>>, vector<1x16xf32>,
      %get3A_671 = vector.shape_cast %get3A_670 : vector<1x16xf32> to vector<16xf32>
      %sub3A_672 = arith.subf %get3A_663, %get3A_667 : vector<16xf32>
      %mul3A_673 = arith.mulf %get3A_671, %sub3A_672 : vector<16xf32>
      %add3A_674 = arith.addf %add3A_658, %mul3A_673 : vector<16xf32>
      %add3A_675 = arith.addf %add3A_659, %get3A_671 : vector<16xf32>
      %get3A_676 = arith.index_cast %scan3A_581 : i32 to index
      %get3A_677 = arith.constant 96 : index
      %get3A_678 = tpu.vector_load %arg16[%get3A_676, %get3A_677] {strides = array<i32>} : memref<128x128xf32, #tpu.memory_space<vmem>>, vector<1x16xf32>,
      %get3A_679 = vector.shape_cast %get3A_678 : vector<1x16xf32> to vector<16xf32>
      %get3A_680 = arith.index_cast %scan3A_581 : i32 to index
      %get3A_681 = arith.constant 96 : index
      %get3A_682 = tpu.vector_load %arg17[%get3A_680, %get3A_681] {strides = array<i32>} : memref<128x128xf32, #tpu.memory_space<vmem>>, vector<1x16xf32>,
      %get3A_683 = vector.shape_cast %get3A_682 : vector<1x16xf32> to vector<16xf32>
      %get3A_684 = arith.index_cast %scan3A_581 : i32 to index
      %get3A_685 = arith.constant 96 : index
      %get3A_686 = tpu.vector_load %arg18[%get3A_684, %get3A_685] {strides = array<i32>} : memref<128x128xf32, #tpu.memory_space<vmem>>, vector<1x16xf32>,
      %get3A_687 = vector.shape_cast %get3A_686 : vector<1x16xf32> to vector<16xf32>
      %sub3A_688 = arith.subf %get3A_679, %get3A_683 : vector<16xf32>
      %mul3A_689 = arith.mulf %get3A_687, %sub3A_688 : vector<16xf32>
      %add3A_690 = arith.addf %add3A_674, %mul3A_689 : vector<16xf32>
      %add3A_691 = arith.addf %add3A_675, %get3A_687 : vector<16xf32>
      %get3A_692 = arith.index_cast %scan3A_581 : i32 to index
      %get3A_693 = arith.constant 112 : index
      %get3A_694 = tpu.vector_load %arg16[%get3A_692, %get3A_693] {strides = array<i32>} : memref<128x128xf32, #tpu.memory_space<vmem>>, vector<1x16xf32>,
      %get3A_695 = vector.shape_cast %get3A_694 : vector<1x16xf32> to vector<16xf32>
      %get3A_696 = arith.index_cast %scan3A_581 : i32 to index
      %get3A_697 = arith.constant 112 : index
      %get3A_698 = tpu.vector_load %arg17[%get3A_696, %get3A_697] {strides = array<i32>} : memref<128x128xf32, #tpu.memory_space<vmem>>, vector<1x16xf32>,
      %get3A_699 = vector.shape_cast %get3A_698 : vector<1x16xf32> to vector<16xf32>
      %get3A_700 = arith.index_cast %scan3A_581 : i32 to index
      %get3A_701 = arith.constant 112 : index
      %get3A_702 = tpu.vector_load %arg18[%get3A_700, %get3A_701] {strides = array<i32>} : memref<128x128xf32, #tpu.memory_space<vmem>>, vector<1x16xf32>,
      %get3A_703 = vector.shape_cast %get3A_702 : vector<1x16xf32> to vector<16xf32>
      %sub3A_704 = arith.subf %get3A_695, %get3A_699 : vector<16xf32>
      %mul3A_705 = arith.mulf %get3A_703, %sub3A_704 : vector<16xf32>
      %add3A_706 = arith.addf %add3A_690, %mul3A_705 : vector<16xf32>
      %add3A_707 = arith.addf %add3A_691, %get3A_703 : vector<16xf32>
      %mul3A_708 = arith.constant 16 : i32
      %mul3A_709 = arith.muli %scan3A_581, %mul3A_708 : i32
      %swap3A_710 = arith.index_cast %mul3A_709 : i32 to index
      %swap3A_711 = tpu.vector_load %arg19[%swap3A_710] {strides = array<i32>} : memref<2048xf32, #tpu.memory_space<vmem>>, vector<16xf32>,
      %swap3A_712 = vector.shape_cast %swap3A_711 : vector<16xf32> to vector<16xf32>
      %swap3A_713 = vector.shape_cast %add3A_706 : vector<16xf32> to vector<16xf32>
      tpu.vector_store %arg19[%swap3A_710], %swap3A_713 {strides = array<i32>} : memref<2048xf32, #tpu.memory_space<vmem>>, vector<16xf32>,
      %mul3A_714 = arith.constant 16 : i32
      %mul3A_715 = arith.muli %scan3A_581, %mul3A_714 : i32
      %swap3A_716 = arith.index_cast %mul3A_715 : i32 to index
      %swap3A_717 = tpu.vector_load %arg20[%swap3A_716] {strides = array<i32>} : memref<2048xf32, #tpu.memory_space<vmem>>, vector<16xf32>,
      %swap3A_718 = vector.shape_cast %swap3A_717 : vector<16xf32> to vector<16xf32>
      %swap3A_719 = vector.shape_cast %add3A_707 : vector<16xf32> to vector<16xf32>
      tpu.vector_store %arg20[%swap3A_716], %swap3A_719 {strides = array<i32>} : memref<2048xf32, #tpu.memory_space<vmem>>, vector<16xf32>,
    }
    %scan3A_93 = arith.constant 128 : i32
    %add3A_94 = arith.constant 128 : i32
    %add3A_95 = arith.addi %mul3A_2, %add3A_94 : i32
    %mul3A_96 = arith.constant 16 : i32
    %mul3A_97 = arith.muli %add3A_95, %mul3A_96 : i32
    "tpu.region"() ({
      %run_scoped3A = tpu.sem_alloc : memref<!tpu.dma_semaphore, #tpu.memory_space<semaphore_mem>>
      %dma_start3A_164 = tpu.memref_slice %arg8[%mul3A_97] : memref<262144xf32, #tpu.memory_space<hbm>> -> memref<2048xf32, #tpu.memory_space<hbm>>
      %dma_start3A_165 = tpu.memref_slice %arg8[%mul3A_97] : memref<262144xf32, #tpu.memory_space<hbm>> -> memref<2048xf32, #tpu.memory_space<hbm>>
      tpu.enqueue_dma source(%arg19 : memref<2048xf32, #tpu.memory_space<vmem>>) target(%dma_start3A_165 : memref<2048xf32, #tpu.memory_space<hbm>>) target_semaphore(%run_scoped3A : memref<!tpu.dma_semaphore, #tpu.memory_space<semaphore_mem>>)
      %dma_wait3A_166 = tpu.memref_slice %arg8[%mul3A_97] : memref<262144xf32, #tpu.memory_space<hbm>> -> memref<2048xf32, #tpu.memory_space<hbm>>
      %dma_wait3A_167 = tpu.memref_slice %arg8[%mul3A_97] : memref<262144xf32, #tpu.memory_space<hbm>> -> memref<2048xf32, #tpu.memory_space<hbm>>
      tpu.wait_dma2 semaphore(%run_scoped3A : memref<!tpu.dma_semaphore, #tpu.memory_space<semaphore_mem>>) src(%arg19 : memref<2048xf32, #tpu.memory_space<vmem>>) dst(%dma_wait3A_167 : memref<2048xf32, #tpu.memory_space<hbm>>)
      tpu.yield
    }) : () -> ()
    "tpu.region"() ({
      %run_scoped3A = tpu.sem_alloc : memref<!tpu.dma_semaphore, #tpu.memory_space<semaphore_mem>>
      %dma_start3A_164 = tpu.memref_slice %arg9[%mul3A_97] : memref<262144xf32, #tpu.memory_space<hbm>> -> memref<2048xf32, #tpu.memory_space<hbm>>
      %dma_start3A_165 = tpu.memref_slice %arg9[%mul3A_97] : memref<262144xf32, #tpu.memory_space<hbm>> -> memref<2048xf32, #tpu.memory_space<hbm>>
      tpu.enqueue_dma source(%arg20 : memref<2048xf32, #tpu.memory_space<vmem>>) target(%dma_start3A_165 : memref<2048xf32, #tpu.memory_space<hbm>>) target_semaphore(%run_scoped3A : memref<!tpu.dma_semaphore, #tpu.memory_space<semaphore_mem>>)
      %dma_wait3A_166 = tpu.memref_slice %arg9[%mul3A_97] : memref<262144xf32, #tpu.memory_space<hbm>> -> memref<2048xf32, #tpu.memory_space<hbm>>
      %dma_wait3A_167 = tpu.memref_slice %arg9[%mul3A_97] : memref<262144xf32, #tpu.memory_space<hbm>> -> memref<2048xf32, #tpu.memory_space<hbm>>
      tpu.wait_dma2 semaphore(%run_scoped3A : memref<!tpu.dma_semaphore, #tpu.memory_space<semaphore_mem>>) src(%arg20 : memref<2048xf32, #tpu.memory_space<vmem>>) dst(%dma_wait3A_167 : memref<2048xf32, #tpu.memory_space<hbm>>)
      tpu.yield
    }) : () -> ()
    %dma_start3A_98 = arith.constant 384 : i32
    %dma_start3A_99 = tpu.memref_slice %arg11[%dma_start3A_98] : memref<512xi32, #tpu.memory_space<vmem>> -> memref<128xi32, #tpu.memory_space<vmem>>
    %dma_start3A_100 = arith.constant 0 : i32
    %dma_start3A_101 = arith.constant 0 : i32
    %dma_start3A_102 = tpu.memref_slice %arg4[%dma_start3A_100, %dma_start3A_101] : memref<10000x128xf32, #tpu.memory_space<hbm>> -> memref<10000x128xf32, #tpu.memory_space<hbm>>
    tpu.enqueue_indirect_dma source(%dma_start3A_102 : memref<10000x128xf32, #tpu.memory_space<hbm>>) target(%arg16 : memref<128x128xf32, #tpu.memory_space<vmem>>) offsets(%dma_start3A_99 : memref<128xi32, #tpu.memory_space<vmem>>) semaphore(%arg23 : memref<!tpu.dma_semaphore, #tpu.memory_space<semaphore_mem>>)
    %dma_start3A_103 = arith.constant 384 : i32
    %dma_start3A_104 = tpu.memref_slice %arg12[%dma_start3A_103] : memref<512xi32, #tpu.memory_space<vmem>> -> memref<128xi32, #tpu.memory_space<vmem>>
    %dma_start3A_105 = arith.constant 0 : i32
    %dma_start3A_106 = arith.constant 0 : i32
    %dma_start3A_107 = tpu.memref_slice %arg5[%dma_start3A_105, %dma_start3A_106] : memref<10000x128xf32, #tpu.memory_space<hbm>> -> memref<10000x128xf32, #tpu.memory_space<hbm>>
    tpu.enqueue_indirect_dma source(%dma_start3A_107 : memref<10000x128xf32, #tpu.memory_space<hbm>>) target(%arg17 : memref<128x128xf32, #tpu.memory_space<vmem>>) offsets(%dma_start3A_104 : memref<128xi32, #tpu.memory_space<vmem>>) semaphore(%arg23 : memref<!tpu.dma_semaphore, #tpu.memory_space<semaphore_mem>>)
    %add3A_108 = arith.constant 384 : i32
    %add3A_109 = arith.addi %mul3A_2, %add3A_108 : i32
    %dma_start3A_110 = arith.constant 0 : i32
    %dma_start3A_111 = tpu.memref_slice %arg7[%add3A_109, %dma_start3A_110] : memref<16384x128xf32, #tpu.memory_space<hbm>> -> memref<128x128xf32, #tpu.memory_space<hbm>>
    %dma_start3A_112 = arith.constant 0 : i32
    %dma_start3A_113 = tpu.memref_slice %arg7[%add3A_109, %dma_start3A_112] : memref<16384x128xf32, #tpu.memory_space<hbm>> -> memref<128x128xf32, #tpu.memory_space<hbm>>
    tpu.enqueue_dma source(%dma_start3A_113 : memref<128x128xf32, #tpu.memory_space<hbm>>) target(%arg18 : memref<128x128xf32, #tpu.memory_space<vmem>>) target_semaphore(%arg23 : memref<!tpu.dma_semaphore, #tpu.memory_space<semaphore_mem>>)
    %dma_wait3A_114 = arith.constant 256 : i32
    %dma_wait3A_115 = tpu.memref_slice %arg11[%dma_wait3A_114] : memref<512xi32, #tpu.memory_space<vmem>> -> memref<128xi32, #tpu.memory_space<vmem>>
    %dma_wait3A_116 = arith.constant 0 : i32
    %dma_wait3A_117 = arith.constant 0 : i32
    %dma_wait3A_118 = tpu.memref_slice %arg4[%dma_wait3A_116, %dma_wait3A_117] : memref<10000x128xf32, #tpu.memory_space<hbm>> -> memref<10000x128xf32, #tpu.memory_space<hbm>>
    tpu.wait_indirect_dma semaphore(%arg22 : memref<!tpu.dma_semaphore, #tpu.memory_space<semaphore_mem>>) src(%dma_wait3A_118 : memref<10000x128xf32, #tpu.memory_space<hbm>>) dst(%arg13 : memref<128x128xf32, #tpu.memory_space<vmem>>)
    %dma_wait3A_119 = arith.constant 256 : i32
    %dma_wait3A_120 = tpu.memref_slice %arg12[%dma_wait3A_119] : memref<512xi32, #tpu.memory_space<vmem>> -> memref<128xi32, #tpu.memory_space<vmem>>
    %dma_wait3A_121 = arith.constant 0 : i32
    %dma_wait3A_122 = arith.constant 0 : i32
    %dma_wait3A_123 = tpu.memref_slice %arg5[%dma_wait3A_121, %dma_wait3A_122] : memref<10000x128xf32, #tpu.memory_space<hbm>> -> memref<10000x128xf32, #tpu.memory_space<hbm>>
    tpu.wait_indirect_dma semaphore(%arg22 : memref<!tpu.dma_semaphore, #tpu.memory_space<semaphore_mem>>) src(%dma_wait3A_123 : memref<10000x128xf32, #tpu.memory_space<hbm>>) dst(%arg14 : memref<128x128xf32, #tpu.memory_space<vmem>>)
    %dma_wait3A_124 = arith.constant 0 : i32
    %dma_wait3A_125 = tpu.memref_slice %arg7[%add3A_69, %dma_wait3A_124] : memref<16384x128xf32, #tpu.memory_space<hbm>> -> memref<128x128xf32, #tpu.memory_space<hbm>>
    %dma_wait3A_126 = arith.constant 0 : i32
    %dma_wait3A_127 = tpu.memref_slice %arg7[%add3A_69, %dma_wait3A_126] : memref<16384x128xf32, #tpu.memory_space<hbm>> -> memref<128x128xf32, #tpu.memory_space<hbm>>
    tpu.wait_dma2 semaphore(%arg22 : memref<!tpu.dma_semaphore, #tpu.memory_space<semaphore_mem>>) src(%dma_wait3A_127 : memref<128x128xf32, #tpu.memory_space<hbm>>) dst(%arg15 : memref<128x128xf32, #tpu.memory_space<vmem>>)
    %scan3A_128 = arith.constant 0 : i32
    %scan3A_129 = arith.constant 0 : i32
    %scan3A_130 = arith.constant 128 : i32
    %scan3A_131 = arith.addi %scan3A_129, %scan3A_130 : i32
    %scan3A_132 = arith.constant 4 : i32
    scf.for %scan3A_164 = %scan3A_129 to %scan3A_131 step %scan3A_132  : i32 {
      %get3A = arith.index_cast %scan3A_164 : i32 to index
      %get3A_165 = arith.constant 0 : index
      %get3A_166 = tpu.vector_load %arg13[%get3A, %get3A_165] {strides = array<i32>} : memref<128x128xf32, #tpu.memory_space<vmem>>, vector<1x16xf32>,
      %get3A_167 = vector.shape_cast %get3A_166 : vector<1x16xf32> to vector<16xf32>
      %get3A_168 = arith.index_cast %scan3A_164 : i32 to index
      %get3A_169 = arith.constant 0 : index
      %get3A_170 = tpu.vector_load %arg14[%get3A_168, %get3A_169] {strides = array<i32>} : memref<128x128xf32, #tpu.memory_space<vmem>>, vector<1x16xf32>,
      %get3A_171 = vector.shape_cast %get3A_170 : vector<1x16xf32> to vector<16xf32>
      %get3A_172 = arith.index_cast %scan3A_164 : i32 to index
      %get3A_173 = arith.constant 0 : index
      %get3A_174 = tpu.vector_load %arg15[%get3A_172, %get3A_173] {strides = array<i32>} : memref<128x128xf32, #tpu.memory_space<vmem>>, vector<1x16xf32>,
      %get3A_175 = vector.shape_cast %get3A_174 : vector<1x16xf32> to vector<16xf32>
      %sub3A = arith.subf %get3A_167, %get3A_171 : vector<16xf32>
      %mul3A_176 = arith.mulf %get3A_175, %sub3A : vector<16xf32>
      %get3A_177 = arith.index_cast %scan3A_164 : i32 to index
      %get3A_178 = arith.constant 16 : index
      %get3A_179 = tpu.vector_load %arg13[%get3A_177, %get3A_178] {strides = array<i32>} : memref<128x128xf32, #tpu.memory_space<vmem>>, vector<1x16xf32>,
      %get3A_180 = vector.shape_cast %get3A_179 : vector<1x16xf32> to vector<16xf32>
      %get3A_181 = arith.index_cast %scan3A_164 : i32 to index
      %get3A_182 = arith.constant 16 : index
      %get3A_183 = tpu.vector_load %arg14[%get3A_181, %get3A_182] {strides = array<i32>} : memref<128x128xf32, #tpu.memory_space<vmem>>, vector<1x16xf32>,
      %get3A_184 = vector.shape_cast %get3A_183 : vector<1x16xf32> to vector<16xf32>
      %get3A_185 = arith.index_cast %scan3A_164 : i32 to index
      %get3A_186 = arith.constant 16 : index
      %get3A_187 = tpu.vector_load %arg15[%get3A_185, %get3A_186] {strides = array<i32>} : memref<128x128xf32, #tpu.memory_space<vmem>>, vector<1x16xf32>,
      %get3A_188 = vector.shape_cast %get3A_187 : vector<1x16xf32> to vector<16xf32>
      %sub3A_189 = arith.subf %get3A_180, %get3A_184 : vector<16xf32>
      %mul3A_190 = arith.mulf %get3A_188, %sub3A_189 : vector<16xf32>
      %add3A_191 = arith.addf %mul3A_176, %mul3A_190 : vector<16xf32>
      %add3A_192 = arith.addf %get3A_175, %get3A_188 : vector<16xf32>
      %get3A_193 = arith.index_cast %scan3A_164 : i32 to index
      %get3A_194 = arith.constant 32 : index
      %get3A_195 = tpu.vector_load %arg13[%get3A_193, %get3A_194] {strides = array<i32>} : memref<128x128xf32, #tpu.memory_space<vmem>>, vector<1x16xf32>,
      %get3A_196 = vector.shape_cast %get3A_195 : vector<1x16xf32> to vector<16xf32>
      %get3A_197 = arith.index_cast %scan3A_164 : i32 to index
      %get3A_198 = arith.constant 32 : index
      %get3A_199 = tpu.vector_load %arg14[%get3A_197, %get3A_198] {strides = array<i32>} : memref<128x128xf32, #tpu.memory_space<vmem>>, vector<1x16xf32>,
      %get3A_200 = vector.shape_cast %get3A_199 : vector<1x16xf32> to vector<16xf32>
      %get3A_201 = arith.index_cast %scan3A_164 : i32 to index
      %get3A_202 = arith.constant 32 : index
      %get3A_203 = tpu.vector_load %arg15[%get3A_201, %get3A_202] {strides = array<i32>} : memref<128x128xf32, #tpu.memory_space<vmem>>, vector<1x16xf32>,
      %get3A_204 = vector.shape_cast %get3A_203 : vector<1x16xf32> to vector<16xf32>
      %sub3A_205 = arith.subf %get3A_196, %get3A_200 : vector<16xf32>
      %mul3A_206 = arith.mulf %get3A_204, %sub3A_205 : vector<16xf32>
      %add3A_207 = arith.addf %add3A_191, %mul3A_206 : vector<16xf32>
      %add3A_208 = arith.addf %add3A_192, %get3A_204 : vector<16xf32>
      %get3A_209 = arith.index_cast %scan3A_164 : i32 to index
      %get3A_210 = arith.constant 48 : index
      %get3A_211 = tpu.vector_load %arg13[%get3A_209, %get3A_210] {strides = array<i32>} : memref<128x128xf32, #tpu.memory_space<vmem>>, vector<1x16xf32>,
      %get3A_212 = vector.shape_cast %get3A_211 : vector<1x16xf32> to vector<16xf32>
      %get3A_213 = arith.index_cast %scan3A_164 : i32 to index
      %get3A_214 = arith.constant 48 : index
      %get3A_215 = tpu.vector_load %arg14[%get3A_213, %get3A_214] {strides = array<i32>} : memref<128x128xf32, #tpu.memory_space<vmem>>, vector<1x16xf32>,
      %get3A_216 = vector.shape_cast %get3A_215 : vector<1x16xf32> to vector<16xf32>
      %get3A_217 = arith.index_cast %scan3A_164 : i32 to index
      %get3A_218 = arith.constant 48 : index
      %get3A_219 = tpu.vector_load %arg15[%get3A_217, %get3A_218] {strides = array<i32>} : memref<128x128xf32, #tpu.memory_space<vmem>>, vector<1x16xf32>,
      %get3A_220 = vector.shape_cast %get3A_219 : vector<1x16xf32> to vector<16xf32>
      %sub3A_221 = arith.subf %get3A_212, %get3A_216 : vector<16xf32>
      %mul3A_222 = arith.mulf %get3A_220, %sub3A_221 : vector<16xf32>
      %add3A_223 = arith.addf %add3A_207, %mul3A_222 : vector<16xf32>
      %add3A_224 = arith.addf %add3A_208, %get3A_220 : vector<16xf32>
      %get3A_225 = arith.index_cast %scan3A_164 : i32 to index
      %get3A_226 = arith.constant 64 : index
      %get3A_227 = tpu.vector_load %arg13[%get3A_225, %get3A_226] {strides = array<i32>} : memref<128x128xf32, #tpu.memory_space<vmem>>, vector<1x16xf32>,
      %get3A_228 = vector.shape_cast %get3A_227 : vector<1x16xf32> to vector<16xf32>
      %get3A_229 = arith.index_cast %scan3A_164 : i32 to index
      %get3A_230 = arith.constant 64 : index
      %get3A_231 = tpu.vector_load %arg14[%get3A_229, %get3A_230] {strides = array<i32>} : memref<128x128xf32, #tpu.memory_space<vmem>>, vector<1x16xf32>,
      %get3A_232 = vector.shape_cast %get3A_231 : vector<1x16xf32> to vector<16xf32>
      %get3A_233 = arith.index_cast %scan3A_164 : i32 to index
      %get3A_234 = arith.constant 64 : index
      %get3A_235 = tpu.vector_load %arg15[%get3A_233, %get3A_234] {strides = array<i32>} : memref<128x128xf32, #tpu.memory_space<vmem>>, vector<1x16xf32>,
      %get3A_236 = vector.shape_cast %get3A_235 : vector<1x16xf32> to vector<16xf32>
      %sub3A_237 = arith.subf %get3A_228, %get3A_232 : vector<16xf32>
      %mul3A_238 = arith.mulf %get3A_236, %sub3A_237 : vector<16xf32>
      %add3A_239 = arith.addf %add3A_223, %mul3A_238 : vector<16xf32>
      %add3A_240 = arith.addf %add3A_224, %get3A_236 : vector<16xf32>
      %get3A_241 = arith.index_cast %scan3A_164 : i32 to index
      %get3A_242 = arith.constant 80 : index
      %get3A_243 = tpu.vector_load %arg13[%get3A_241, %get3A_242] {strides = array<i32>} : memref<128x128xf32, #tpu.memory_space<vmem>>, vector<1x16xf32>,
      %get3A_244 = vector.shape_cast %get3A_243 : vector<1x16xf32> to vector<16xf32>
      %get3A_245 = arith.index_cast %scan3A_164 : i32 to index
      %get3A_246 = arith.constant 80 : index
      %get3A_247 = tpu.vector_load %arg14[%get3A_245, %get3A_246] {strides = array<i32>} : memref<128x128xf32, #tpu.memory_space<vmem>>, vector<1x16xf32>,
      %get3A_248 = vector.shape_cast %get3A_247 : vector<1x16xf32> to vector<16xf32>
      %get3A_249 = arith.index_cast %scan3A_164 : i32 to index
      %get3A_250 = arith.constant 80 : index
      %get3A_251 = tpu.vector_load %arg15[%get3A_249, %get3A_250] {strides = array<i32>} : memref<128x128xf32, #tpu.memory_space<vmem>>, vector<1x16xf32>,
      %get3A_252 = vector.shape_cast %get3A_251 : vector<1x16xf32> to vector<16xf32>
      %sub3A_253 = arith.subf %get3A_244, %get3A_248 : vector<16xf32>
      %mul3A_254 = arith.mulf %get3A_252, %sub3A_253 : vector<16xf32>
      %add3A_255 = arith.addf %add3A_239, %mul3A_254 : vector<16xf32>
      %add3A_256 = arith.addf %add3A_240, %get3A_252 : vector<16xf32>
      %get3A_257 = arith.index_cast %scan3A_164 : i32 to index
      %get3A_258 = arith.constant 96 : index
      %get3A_259 = tpu.vector_load %arg13[%get3A_257, %get3A_258] {strides = array<i32>} : memref<128x128xf32, #tpu.memory_space<vmem>>, vector<1x16xf32>,
      %get3A_260 = vector.shape_cast %get3A_259 : vector<1x16xf32> to vector<16xf32>
      %get3A_261 = arith.index_cast %scan3A_164 : i32 to index
      %get3A_262 = arith.constant 96 : index
      %get3A_263 = tpu.vector_load %arg14[%get3A_261, %get3A_262] {strides = array<i32>} : memref<128x128xf32, #tpu.memory_space<vmem>>, vector<1x16xf32>,
      %get3A_264 = vector.shape_cast %get3A_263 : vector<1x16xf32> to vector<16xf32>
      %get3A_265 = arith.index_cast %scan3A_164 : i32 to index
      %get3A_266 = arith.constant 96 : index
      %get3A_267 = tpu.vector_load %arg15[%get3A_265, %get3A_266] {strides = array<i32>} : memref<128x128xf32, #tpu.memory_space<vmem>>, vector<1x16xf32>,
      %get3A_268 = vector.shape_cast %get3A_267 : vector<1x16xf32> to vector<16xf32>
      %sub3A_269 = arith.subf %get3A_260, %get3A_264 : vector<16xf32>
      %mul3A_270 = arith.mulf %get3A_268, %sub3A_269 : vector<16xf32>
      %add3A_271 = arith.addf %add3A_255, %mul3A_270 : vector<16xf32>
      %add3A_272 = arith.addf %add3A_256, %get3A_268 : vector<16xf32>
      %get3A_273 = arith.index_cast %scan3A_164 : i32 to index
      %get3A_274 = arith.constant 112 : index
      %get3A_275 = tpu.vector_load %arg13[%get3A_273, %get3A_274] {strides = array<i32>} : memref<128x128xf32, #tpu.memory_space<vmem>>, vector<1x16xf32>,
      %get3A_276 = vector.shape_cast %get3A_275 : vector<1x16xf32> to vector<16xf32>
      %get3A_277 = arith.index_cast %scan3A_164 : i32 to index
      %get3A_278 = arith.constant 112 : index
      %get3A_279 = tpu.vector_load %arg14[%get3A_277, %get3A_278] {strides = array<i32>} : memref<128x128xf32, #tpu.memory_space<vmem>>, vector<1x16xf32>,
      %get3A_280 = vector.shape_cast %get3A_279 : vector<1x16xf32> to vector<16xf32>
      %get3A_281 = arith.index_cast %scan3A_164 : i32 to index
      %get3A_282 = arith.constant 112 : index
      %get3A_283 = tpu.vector_load %arg15[%get3A_281, %get3A_282] {strides = array<i32>} : memref<128x128xf32, #tpu.memory_space<vmem>>, vector<1x16xf32>,
      %get3A_284 = vector.shape_cast %get3A_283 : vector<1x16xf32> to vector<16xf32>
      %sub3A_285 = arith.subf %get3A_276, %get3A_280 : vector<16xf32>
      %mul3A_286 = arith.mulf %get3A_284, %sub3A_285 : vector<16xf32>
      %add3A_287 = arith.addf %add3A_271, %mul3A_286 : vector<16xf32>
      %add3A_288 = arith.addf %add3A_272, %get3A_284 : vector<16xf32>
      %mul3A_289 = arith.constant 16 : i32
      %mul3A_290 = arith.muli %scan3A_164, %mul3A_289 : i32
      %swap3A = arith.index_cast %mul3A_290 : i32 to index
      %swap3A_291 = tpu.vector_load %arg19[%swap3A] {strides = array<i32>} : memref<2048xf32, #tpu.memory_space<vmem>>, vector<16xf32>,
      %swap3A_292 = vector.shape_cast %swap3A_291 : vector<16xf32> to vector<16xf32>
      %swap3A_293 = vector.shape_cast %add3A_287 : vector<16xf32> to vector<16xf32>
      tpu.vector_store %arg19[%swap3A], %swap3A_293 {strides = array<i32>} : memref<2048xf32, #tpu.memory_space<vmem>>, vector<16xf32>,
      %mul3A_294 = arith.constant 16 : i32
      %mul3A_295 = arith.muli %scan3A_164, %mul3A_294 : i32
      %swap3A_296 = arith.index_cast %mul3A_295 : i32 to index
      %swap3A_297 = tpu.vector_load %arg20[%swap3A_296] {strides = array<i32>} : memref<2048xf32, #tpu.memory_space<vmem>>, vector<16xf32>,
      %swap3A_298 = vector.shape_cast %swap3A_297 : vector<16xf32> to vector<16xf32>
      %swap3A_299 = vector.shape_cast %add3A_288 : vector<16xf32> to vector<16xf32>
      tpu.vector_store %arg20[%swap3A_296], %swap3A_299 {strides = array<i32>} : memref<2048xf32, #tpu.memory_space<vmem>>, vector<16xf32>,
      %scan3A_300 = arith.constant 1 : i32
      %scan3A_301 = arith.addi %scan3A_164, %scan3A_300 : i32
      %get3A_302 = arith.index_cast %scan3A_301 : i32 to index
      %get3A_303 = arith.constant 0 : index
      %get3A_304 = tpu.vector_load %arg13[%get3A_302, %get3A_303] {strides = array<i32>} : memref<128x128xf32, #tpu.memory_space<vmem>>, vector<1x16xf32>,
      %get3A_305 = vector.shape_cast %get3A_304 : vector<1x16xf32> to vector<16xf32>
      %get3A_306 = arith.index_cast %scan3A_301 : i32 to index
      %get3A_307 = arith.constant 0 : index
      %get3A_308 = tpu.vector_load %arg14[%get3A_306, %get3A_307] {strides = array<i32>} : memref<128x128xf32, #tpu.memory_space<vmem>>, vector<1x16xf32>,
      %get3A_309 = vector.shape_cast %get3A_308 : vector<1x16xf32> to vector<16xf32>
      %get3A_310 = arith.index_cast %scan3A_301 : i32 to index
      %get3A_311 = arith.constant 0 : index
      %get3A_312 = tpu.vector_load %arg15[%get3A_310, %get3A_311] {strides = array<i32>} : memref<128x128xf32, #tpu.memory_space<vmem>>, vector<1x16xf32>,
      %get3A_313 = vector.shape_cast %get3A_312 : vector<1x16xf32> to vector<16xf32>
      %sub3A_314 = arith.subf %get3A_305, %get3A_309 : vector<16xf32>
      %mul3A_315 = arith.mulf %get3A_313, %sub3A_314 : vector<16xf32>
      %get3A_316 = arith.index_cast %scan3A_301 : i32 to index
      %get3A_317 = arith.constant 16 : index
      %get3A_318 = tpu.vector_load %arg13[%get3A_316, %get3A_317] {strides = array<i32>} : memref<128x128xf32, #tpu.memory_space<vmem>>, vector<1x16xf32>,
      %get3A_319 = vector.shape_cast %get3A_318 : vector<1x16xf32> to vector<16xf32>
      %get3A_320 = arith.index_cast %scan3A_301 : i32 to index
      %get3A_321 = arith.constant 16 : index
      %get3A_322 = tpu.vector_load %arg14[%get3A_320, %get3A_321] {strides = array<i32>} : memref<128x128xf32, #tpu.memory_space<vmem>>, vector<1x16xf32>,
      %get3A_323 = vector.shape_cast %get3A_322 : vector<1x16xf32> to vector<16xf32>
      %get3A_324 = arith.index_cast %scan3A_301 : i32 to index
      %get3A_325 = arith.constant 16 : index
      %get3A_326 = tpu.vector_load %arg15[%get3A_324, %get3A_325] {strides = array<i32>} : memref<128x128xf32, #tpu.memory_space<vmem>>, vector<1x16xf32>,
      %get3A_327 = vector.shape_cast %get3A_326 : vector<1x16xf32> to vector<16xf32>
      %sub3A_328 = arith.subf %get3A_319, %get3A_323 : vector<16xf32>
      %mul3A_329 = arith.mulf %get3A_327, %sub3A_328 : vector<16xf32>
      %add3A_330 = arith.addf %mul3A_315, %mul3A_329 : vector<16xf32>
      %add3A_331 = arith.addf %get3A_313, %get3A_327 : vector<16xf32>
      %get3A_332 = arith.index_cast %scan3A_301 : i32 to index
      %get3A_333 = arith.constant 32 : index
      %get3A_334 = tpu.vector_load %arg13[%get3A_332, %get3A_333] {strides = array<i32>} : memref<128x128xf32, #tpu.memory_space<vmem>>, vector<1x16xf32>,
      %get3A_335 = vector.shape_cast %get3A_334 : vector<1x16xf32> to vector<16xf32>
      %get3A_336 = arith.index_cast %scan3A_301 : i32 to index
      %get3A_337 = arith.constant 32 : index
      %get3A_338 = tpu.vector_load %arg14[%get3A_336, %get3A_337] {strides = array<i32>} : memref<128x128xf32, #tpu.memory_space<vmem>>, vector<1x16xf32>,
      %get3A_339 = vector.shape_cast %get3A_338 : vector<1x16xf32> to vector<16xf32>
      %get3A_340 = arith.index_cast %scan3A_301 : i32 to index
      %get3A_341 = arith.constant 32 : index
      %get3A_342 = tpu.vector_load %arg15[%get3A_340, %get3A_341] {strides = array<i32>} : memref<128x128xf32, #tpu.memory_space<vmem>>, vector<1x16xf32>,
      %get3A_343 = vector.shape_cast %get3A_342 : vector<1x16xf32> to vector<16xf32>
      %sub3A_344 = arith.subf %get3A_335, %get3A_339 : vector<16xf32>
      %mul3A_345 = arith.mulf %get3A_343, %sub3A_344 : vector<16xf32>
      %add3A_346 = arith.addf %add3A_330, %mul3A_345 : vector<16xf32>
      %add3A_347 = arith.addf %add3A_331, %get3A_343 : vector<16xf32>
      %get3A_348 = arith.index_cast %scan3A_301 : i32 to index
      %get3A_349 = arith.constant 48 : index
      %get3A_350 = tpu.vector_load %arg13[%get3A_348, %get3A_349] {strides = array<i32>} : memref<128x128xf32, #tpu.memory_space<vmem>>, vector<1x16xf32>,
      %get3A_351 = vector.shape_cast %get3A_350 : vector<1x16xf32> to vector<16xf32>
      %get3A_352 = arith.index_cast %scan3A_301 : i32 to index
      %get3A_353 = arith.constant 48 : index
      %get3A_354 = tpu.vector_load %arg14[%get3A_352, %get3A_353] {strides = array<i32>} : memref<128x128xf32, #tpu.memory_space<vmem>>, vector<1x16xf32>,
      %get3A_355 = vector.shape_cast %get3A_354 : vector<1x16xf32> to vector<16xf32>
      %get3A_356 = arith.index_cast %scan3A_301 : i32 to index
      %get3A_357 = arith.constant 48 : index
      %get3A_358 = tpu.vector_load %arg15[%get3A_356, %get3A_357] {strides = array<i32>} : memref<128x128xf32, #tpu.memory_space<vmem>>, vector<1x16xf32>,
      %get3A_359 = vector.shape_cast %get3A_358 : vector<1x16xf32> to vector<16xf32>
      %sub3A_360 = arith.subf %get3A_351, %get3A_355 : vector<16xf32>
      %mul3A_361 = arith.mulf %get3A_359, %sub3A_360 : vector<16xf32>
      %add3A_362 = arith.addf %add3A_346, %mul3A_361 : vector<16xf32>
      %add3A_363 = arith.addf %add3A_347, %get3A_359 : vector<16xf32>
      %get3A_364 = arith.index_cast %scan3A_301 : i32 to index
      %get3A_365 = arith.constant 64 : index
      %get3A_366 = tpu.vector_load %arg13[%get3A_364, %get3A_365] {strides = array<i32>} : memref<128x128xf32, #tpu.memory_space<vmem>>, vector<1x16xf32>,
      %get3A_367 = vector.shape_cast %get3A_366 : vector<1x16xf32> to vector<16xf32>
      %get3A_368 = arith.index_cast %scan3A_301 : i32 to index
      %get3A_369 = arith.constant 64 : index
      %get3A_370 = tpu.vector_load %arg14[%get3A_368, %get3A_369] {strides = array<i32>} : memref<128x128xf32, #tpu.memory_space<vmem>>, vector<1x16xf32>,
      %get3A_371 = vector.shape_cast %get3A_370 : vector<1x16xf32> to vector<16xf32>
      %get3A_372 = arith.index_cast %scan3A_301 : i32 to index
      %get3A_373 = arith.constant 64 : index
      %get3A_374 = tpu.vector_load %arg15[%get3A_372, %get3A_373] {strides = array<i32>} : memref<128x128xf32, #tpu.memory_space<vmem>>, vector<1x16xf32>,
      %get3A_375 = vector.shape_cast %get3A_374 : vector<1x16xf32> to vector<16xf32>
      %sub3A_376 = arith.subf %get3A_367, %get3A_371 : vector<16xf32>
      %mul3A_377 = arith.mulf %get3A_375, %sub3A_376 : vector<16xf32>
      %add3A_378 = arith.addf %add3A_362, %mul3A_377 : vector<16xf32>
      %add3A_379 = arith.addf %add3A_363, %get3A_375 : vector<16xf32>
      %get3A_380 = arith.index_cast %scan3A_301 : i32 to index
      %get3A_381 = arith.constant 80 : index
      %get3A_382 = tpu.vector_load %arg13[%get3A_380, %get3A_381] {strides = array<i32>} : memref<128x128xf32, #tpu.memory_space<vmem>>, vector<1x16xf32>,
      %get3A_383 = vector.shape_cast %get3A_382 : vector<1x16xf32> to vector<16xf32>
      %get3A_384 = arith.index_cast %scan3A_301 : i32 to index
      %get3A_385 = arith.constant 80 : index
      %get3A_386 = tpu.vector_load %arg14[%get3A_384, %get3A_385] {strides = array<i32>} : memref<128x128xf32, #tpu.memory_space<vmem>>, vector<1x16xf32>,
      %get3A_387 = vector.shape_cast %get3A_386 : vector<1x16xf32> to vector<16xf32>
      %get3A_388 = arith.index_cast %scan3A_301 : i32 to index
      %get3A_389 = arith.constant 80 : index
      %get3A_390 = tpu.vector_load %arg15[%get3A_388, %get3A_389] {strides = array<i32>} : memref<128x128xf32, #tpu.memory_space<vmem>>, vector<1x16xf32>,
      %get3A_391 = vector.shape_cast %get3A_390 : vector<1x16xf32> to vector<16xf32>
      %sub3A_392 = arith.subf %get3A_383, %get3A_387 : vector<16xf32>
      %mul3A_393 = arith.mulf %get3A_391, %sub3A_392 : vector<16xf32>
      %add3A_394 = arith.addf %add3A_378, %mul3A_393 : vector<16xf32>
      %add3A_395 = arith.addf %add3A_379, %get3A_391 : vector<16xf32>
      %get3A_396 = arith.index_cast %scan3A_301 : i32 to index
      %get3A_397 = arith.constant 96 : index
      %get3A_398 = tpu.vector_load %arg13[%get3A_396, %get3A_397] {strides = array<i32>} : memref<128x128xf32, #tpu.memory_space<vmem>>, vector<1x16xf32>,
      %get3A_399 = vector.shape_cast %get3A_398 : vector<1x16xf32> to vector<16xf32>
      %get3A_400 = arith.index_cast %scan3A_301 : i32 to index
      %get3A_401 = arith.constant 96 : index
      %get3A_402 = tpu.vector_load %arg14[%get3A_400, %get3A_401] {strides = array<i32>} : memref<128x128xf32, #tpu.memory_space<vmem>>, vector<1x16xf32>,
      %get3A_403 = vector.shape_cast %get3A_402 : vector<1x16xf32> to vector<16xf32>
      %get3A_404 = arith.index_cast %scan3A_301 : i32 to index
      %get3A_405 = arith.constant 96 : index
      %get3A_406 = tpu.vector_load %arg15[%get3A_404, %get3A_405] {strides = array<i32>} : memref<128x128xf32, #tpu.memory_space<vmem>>, vector<1x16xf32>,
      %get3A_407 = vector.shape_cast %get3A_406 : vector<1x16xf32> to vector<16xf32>
      %sub3A_408 = arith.subf %get3A_399, %get3A_403 : vector<16xf32>
      %mul3A_409 = arith.mulf %get3A_407, %sub3A_408 : vector<16xf32>
      %add3A_410 = arith.addf %add3A_394, %mul3A_409 : vector<16xf32>
      %add3A_411 = arith.addf %add3A_395, %get3A_407 : vector<16xf32>
      %get3A_412 = arith.index_cast %scan3A_301 : i32 to index
      %get3A_413 = arith.constant 112 : index
      %get3A_414 = tpu.vector_load %arg13[%get3A_412, %get3A_413] {strides = array<i32>} : memref<128x128xf32, #tpu.memory_space<vmem>>, vector<1x16xf32>,
      %get3A_415 = vector.shape_cast %get3A_414 : vector<1x16xf32> to vector<16xf32>
      %get3A_416 = arith.index_cast %scan3A_301 : i32 to index
      %get3A_417 = arith.constant 112 : index
      %get3A_418 = tpu.vector_load %arg14[%get3A_416, %get3A_417] {strides = array<i32>} : memref<128x128xf32, #tpu.memory_space<vmem>>, vector<1x16xf32>,
      %get3A_419 = vector.shape_cast %get3A_418 : vector<1x16xf32> to vector<16xf32>
      %get3A_420 = arith.index_cast %scan3A_301 : i32 to index
      %get3A_421 = arith.constant 112 : index
      %get3A_422 = tpu.vector_load %arg15[%get3A_420, %get3A_421] {strides = array<i32>} : memref<128x128xf32, #tpu.memory_space<vmem>>, vector<1x16xf32>,
      %get3A_423 = vector.shape_cast %get3A_422 : vector<1x16xf32> to vector<16xf32>
      %sub3A_424 = arith.subf %get3A_415, %get3A_419 : vector<16xf32>
      %mul3A_425 = arith.mulf %get3A_423, %sub3A_424 : vector<16xf32>
      %add3A_426 = arith.addf %add3A_410, %mul3A_425 : vector<16xf32>
      %add3A_427 = arith.addf %add3A_411, %get3A_423 : vector<16xf32>
      %mul3A_428 = arith.constant 16 : i32
      %mul3A_429 = arith.muli %scan3A_301, %mul3A_428 : i32
      %swap3A_430 = arith.index_cast %mul3A_429 : i32 to index
      %swap3A_431 = tpu.vector_load %arg19[%swap3A_430] {strides = array<i32>} : memref<2048xf32, #tpu.memory_space<vmem>>, vector<16xf32>,
      %swap3A_432 = vector.shape_cast %swap3A_431 : vector<16xf32> to vector<16xf32>
      %swap3A_433 = vector.shape_cast %add3A_426 : vector<16xf32> to vector<16xf32>
      tpu.vector_store %arg19[%swap3A_430], %swap3A_433 {strides = array<i32>} : memref<2048xf32, #tpu.memory_space<vmem>>, vector<16xf32>,
      %mul3A_434 = arith.constant 16 : i32
      %mul3A_435 = arith.muli %scan3A_301, %mul3A_434 : i32
      %swap3A_436 = arith.index_cast %mul3A_435 : i32 to index
      %swap3A_437 = tpu.vector_load %arg20[%swap3A_436] {strides = array<i32>} : memref<2048xf32, #tpu.memory_space<vmem>>, vector<16xf32>,
      %swap3A_438 = vector.shape_cast %swap3A_437 : vector<16xf32> to vector<16xf32>
      %swap3A_439 = vector.shape_cast %add3A_427 : vector<16xf32> to vector<16xf32>
      tpu.vector_store %arg20[%swap3A_436], %swap3A_439 {strides = array<i32>} : memref<2048xf32, #tpu.memory_space<vmem>>, vector<16xf32>,
      %scan3A_440 = arith.constant 2 : i32
      %scan3A_441 = arith.addi %scan3A_164, %scan3A_440 : i32
      %get3A_442 = arith.index_cast %scan3A_441 : i32 to index
      %get3A_443 = arith.constant 0 : index
      %get3A_444 = tpu.vector_load %arg13[%get3A_442, %get3A_443] {strides = array<i32>} : memref<128x128xf32, #tpu.memory_space<vmem>>, vector<1x16xf32>,
      %get3A_445 = vector.shape_cast %get3A_444 : vector<1x16xf32> to vector<16xf32>
      %get3A_446 = arith.index_cast %scan3A_441 : i32 to index
      %get3A_447 = arith.constant 0 : index
      %get3A_448 = tpu.vector_load %arg14[%get3A_446, %get3A_447] {strides = array<i32>} : memref<128x128xf32, #tpu.memory_space<vmem>>, vector<1x16xf32>,
      %get3A_449 = vector.shape_cast %get3A_448 : vector<1x16xf32> to vector<16xf32>
      %get3A_450 = arith.index_cast %scan3A_441 : i32 to index
      %get3A_451 = arith.constant 0 : index
      %get3A_452 = tpu.vector_load %arg15[%get3A_450, %get3A_451] {strides = array<i32>} : memref<128x128xf32, #tpu.memory_space<vmem>>, vector<1x16xf32>,
      %get3A_453 = vector.shape_cast %get3A_452 : vector<1x16xf32> to vector<16xf32>
      %sub3A_454 = arith.subf %get3A_445, %get3A_449 : vector<16xf32>
      %mul3A_455 = arith.mulf %get3A_453, %sub3A_454 : vector<16xf32>
      %get3A_456 = arith.index_cast %scan3A_441 : i32 to index
      %get3A_457 = arith.constant 16 : index
      %get3A_458 = tpu.vector_load %arg13[%get3A_456, %get3A_457] {strides = array<i32>} : memref<128x128xf32, #tpu.memory_space<vmem>>, vector<1x16xf32>,
      %get3A_459 = vector.shape_cast %get3A_458 : vector<1x16xf32> to vector<16xf32>
      %get3A_460 = arith.index_cast %scan3A_441 : i32 to index
      %get3A_461 = arith.constant 16 : index
      %get3A_462 = tpu.vector_load %arg14[%get3A_460, %get3A_461] {strides = array<i32>} : memref<128x128xf32, #tpu.memory_space<vmem>>, vector<1x16xf32>,
      %get3A_463 = vector.shape_cast %get3A_462 : vector<1x16xf32> to vector<16xf32>
      %get3A_464 = arith.index_cast %scan3A_441 : i32 to index
      %get3A_465 = arith.constant 16 : index
      %get3A_466 = tpu.vector_load %arg15[%get3A_464, %get3A_465] {strides = array<i32>} : memref<128x128xf32, #tpu.memory_space<vmem>>, vector<1x16xf32>,
      %get3A_467 = vector.shape_cast %get3A_466 : vector<1x16xf32> to vector<16xf32>
      %sub3A_468 = arith.subf %get3A_459, %get3A_463 : vector<16xf32>
      %mul3A_469 = arith.mulf %get3A_467, %sub3A_468 : vector<16xf32>
      %add3A_470 = arith.addf %mul3A_455, %mul3A_469 : vector<16xf32>
      %add3A_471 = arith.addf %get3A_453, %get3A_467 : vector<16xf32>
      %get3A_472 = arith.index_cast %scan3A_441 : i32 to index
      %get3A_473 = arith.constant 32 : index
      %get3A_474 = tpu.vector_load %arg13[%get3A_472, %get3A_473] {strides = array<i32>} : memref<128x128xf32, #tpu.memory_space<vmem>>, vector<1x16xf32>,
      %get3A_475 = vector.shape_cast %get3A_474 : vector<1x16xf32> to vector<16xf32>
      %get3A_476 = arith.index_cast %scan3A_441 : i32 to index
      %get3A_477 = arith.constant 32 : index
      %get3A_478 = tpu.vector_load %arg14[%get3A_476, %get3A_477] {strides = array<i32>} : memref<128x128xf32, #tpu.memory_space<vmem>>, vector<1x16xf32>,
      %get3A_479 = vector.shape_cast %get3A_478 : vector<1x16xf32> to vector<16xf32>
      %get3A_480 = arith.index_cast %scan3A_441 : i32 to index
      %get3A_481 = arith.constant 32 : index
      %get3A_482 = tpu.vector_load %arg15[%get3A_480, %get3A_481] {strides = array<i32>} : memref<128x128xf32, #tpu.memory_space<vmem>>, vector<1x16xf32>,
      %get3A_483 = vector.shape_cast %get3A_482 : vector<1x16xf32> to vector<16xf32>
      %sub3A_484 = arith.subf %get3A_475, %get3A_479 : vector<16xf32>
      %mul3A_485 = arith.mulf %get3A_483, %sub3A_484 : vector<16xf32>
      %add3A_486 = arith.addf %add3A_470, %mul3A_485 : vector<16xf32>
      %add3A_487 = arith.addf %add3A_471, %get3A_483 : vector<16xf32>
      %get3A_488 = arith.index_cast %scan3A_441 : i32 to index
      %get3A_489 = arith.constant 48 : index
      %get3A_490 = tpu.vector_load %arg13[%get3A_488, %get3A_489] {strides = array<i32>} : memref<128x128xf32, #tpu.memory_space<vmem>>, vector<1x16xf32>,
      %get3A_491 = vector.shape_cast %get3A_490 : vector<1x16xf32> to vector<16xf32>
      %get3A_492 = arith.index_cast %scan3A_441 : i32 to index
      %get3A_493 = arith.constant 48 : index
      %get3A_494 = tpu.vector_load %arg14[%get3A_492, %get3A_493] {strides = array<i32>} : memref<128x128xf32, #tpu.memory_space<vmem>>, vector<1x16xf32>,
      %get3A_495 = vector.shape_cast %get3A_494 : vector<1x16xf32> to vector<16xf32>
      %get3A_496 = arith.index_cast %scan3A_441 : i32 to index
      %get3A_497 = arith.constant 48 : index
      %get3A_498 = tpu.vector_load %arg15[%get3A_496, %get3A_497] {strides = array<i32>} : memref<128x128xf32, #tpu.memory_space<vmem>>, vector<1x16xf32>,
      %get3A_499 = vector.shape_cast %get3A_498 : vector<1x16xf32> to vector<16xf32>
      %sub3A_500 = arith.subf %get3A_491, %get3A_495 : vector<16xf32>
      %mul3A_501 = arith.mulf %get3A_499, %sub3A_500 : vector<16xf32>
      %add3A_502 = arith.addf %add3A_486, %mul3A_501 : vector<16xf32>
      %add3A_503 = arith.addf %add3A_487, %get3A_499 : vector<16xf32>
      %get3A_504 = arith.index_cast %scan3A_441 : i32 to index
      %get3A_505 = arith.constant 64 : index
      %get3A_506 = tpu.vector_load %arg13[%get3A_504, %get3A_505] {strides = array<i32>} : memref<128x128xf32, #tpu.memory_space<vmem>>, vector<1x16xf32>,
      %get3A_507 = vector.shape_cast %get3A_506 : vector<1x16xf32> to vector<16xf32>
      %get3A_508 = arith.index_cast %scan3A_441 : i32 to index
      %get3A_509 = arith.constant 64 : index
      %get3A_510 = tpu.vector_load %arg14[%get3A_508, %get3A_509] {strides = array<i32>} : memref<128x128xf32, #tpu.memory_space<vmem>>, vector<1x16xf32>,
      %get3A_511 = vector.shape_cast %get3A_510 : vector<1x16xf32> to vector<16xf32>
      %get3A_512 = arith.index_cast %scan3A_441 : i32 to index
      %get3A_513 = arith.constant 64 : index
      %get3A_514 = tpu.vector_load %arg15[%get3A_512, %get3A_513] {strides = array<i32>} : memref<128x128xf32, #tpu.memory_space<vmem>>, vector<1x16xf32>,
      %get3A_515 = vector.shape_cast %get3A_514 : vector<1x16xf32> to vector<16xf32>
      %sub3A_516 = arith.subf %get3A_507, %get3A_511 : vector<16xf32>
      %mul3A_517 = arith.mulf %get3A_515, %sub3A_516 : vector<16xf32>
      %add3A_518 = arith.addf %add3A_502, %mul3A_517 : vector<16xf32>
      %add3A_519 = arith.addf %add3A_503, %get3A_515 : vector<16xf32>
      %get3A_520 = arith.index_cast %scan3A_441 : i32 to index
      %get3A_521 = arith.constant 80 : index
      %get3A_522 = tpu.vector_load %arg13[%get3A_520, %get3A_521] {strides = array<i32>} : memref<128x128xf32, #tpu.memory_space<vmem>>, vector<1x16xf32>,
      %get3A_523 = vector.shape_cast %get3A_522 : vector<1x16xf32> to vector<16xf32>
      %get3A_524 = arith.index_cast %scan3A_441 : i32 to index
      %get3A_525 = arith.constant 80 : index
      %get3A_526 = tpu.vector_load %arg14[%get3A_524, %get3A_525] {strides = array<i32>} : memref<128x128xf32, #tpu.memory_space<vmem>>, vector<1x16xf32>,
      %get3A_527 = vector.shape_cast %get3A_526 : vector<1x16xf32> to vector<16xf32>
      %get3A_528 = arith.index_cast %scan3A_441 : i32 to index
      %get3A_529 = arith.constant 80 : index
      %get3A_530 = tpu.vector_load %arg15[%get3A_528, %get3A_529] {strides = array<i32>} : memref<128x128xf32, #tpu.memory_space<vmem>>, vector<1x16xf32>,
      %get3A_531 = vector.shape_cast %get3A_530 : vector<1x16xf32> to vector<16xf32>
      %sub3A_532 = arith.subf %get3A_523, %get3A_527 : vector<16xf32>
      %mul3A_533 = arith.mulf %get3A_531, %sub3A_532 : vector<16xf32>
      %add3A_534 = arith.addf %add3A_518, %mul3A_533 : vector<16xf32>
      %add3A_535 = arith.addf %add3A_519, %get3A_531 : vector<16xf32>
      %get3A_536 = arith.index_cast %scan3A_441 : i32 to index
      %get3A_537 = arith.constant 96 : index
      %get3A_538 = tpu.vector_load %arg13[%get3A_536, %get3A_537] {strides = array<i32>} : memref<128x128xf32, #tpu.memory_space<vmem>>, vector<1x16xf32>,
      %get3A_539 = vector.shape_cast %get3A_538 : vector<1x16xf32> to vector<16xf32>
      %get3A_540 = arith.index_cast %scan3A_441 : i32 to index
      %get3A_541 = arith.constant 96 : index
      %get3A_542 = tpu.vector_load %arg14[%get3A_540, %get3A_541] {strides = array<i32>} : memref<128x128xf32, #tpu.memory_space<vmem>>, vector<1x16xf32>,
      %get3A_543 = vector.shape_cast %get3A_542 : vector<1x16xf32> to vector<16xf32>
      %get3A_544 = arith.index_cast %scan3A_441 : i32 to index
      %get3A_545 = arith.constant 96 : index
      %get3A_546 = tpu.vector_load %arg15[%get3A_544, %get3A_545] {strides = array<i32>} : memref<128x128xf32, #tpu.memory_space<vmem>>, vector<1x16xf32>,
      %get3A_547 = vector.shape_cast %get3A_546 : vector<1x16xf32> to vector<16xf32>
      %sub3A_548 = arith.subf %get3A_539, %get3A_543 : vector<16xf32>
      %mul3A_549 = arith.mulf %get3A_547, %sub3A_548 : vector<16xf32>
      %add3A_550 = arith.addf %add3A_534, %mul3A_549 : vector<16xf32>
      %add3A_551 = arith.addf %add3A_535, %get3A_547 : vector<16xf32>
      %get3A_552 = arith.index_cast %scan3A_441 : i32 to index
      %get3A_553 = arith.constant 112 : index
      %get3A_554 = tpu.vector_load %arg13[%get3A_552, %get3A_553] {strides = array<i32>} : memref<128x128xf32, #tpu.memory_space<vmem>>, vector<1x16xf32>,
      %get3A_555 = vector.shape_cast %get3A_554 : vector<1x16xf32> to vector<16xf32>
      %get3A_556 = arith.index_cast %scan3A_441 : i32 to index
      %get3A_557 = arith.constant 112 : index
      %get3A_558 = tpu.vector_load %arg14[%get3A_556, %get3A_557] {strides = array<i32>} : memref<128x128xf32, #tpu.memory_space<vmem>>, vector<1x16xf32>,
      %get3A_559 = vector.shape_cast %get3A_558 : vector<1x16xf32> to vector<16xf32>
      %get3A_560 = arith.index_cast %scan3A_441 : i32 to index
      %get3A_561 = arith.constant 112 : index
      %get3A_562 = tpu.vector_load %arg15[%get3A_560, %get3A_561] {strides = array<i32>} : memref<128x128xf32, #tpu.memory_space<vmem>>, vector<1x16xf32>,
      %get3A_563 = vector.shape_cast %get3A_562 : vector<1x16xf32> to vector<16xf32>
      %sub3A_564 = arith.subf %get3A_555, %get3A_559 : vector<16xf32>
      %mul3A_565 = arith.mulf %get3A_563, %sub3A_564 : vector<16xf32>
      %add3A_566 = arith.addf %add3A_550, %mul3A_565 : vector<16xf32>
      %add3A_567 = arith.addf %add3A_551, %get3A_563 : vector<16xf32>
      %mul3A_568 = arith.constant 16 : i32
      %mul3A_569 = arith.muli %scan3A_441, %mul3A_568 : i32
      %swap3A_570 = arith.index_cast %mul3A_569 : i32 to index
      %swap3A_571 = tpu.vector_load %arg19[%swap3A_570] {strides = array<i32>} : memref<2048xf32, #tpu.memory_space<vmem>>, vector<16xf32>,
      %swap3A_572 = vector.shape_cast %swap3A_571 : vector<16xf32> to vector<16xf32>
      %swap3A_573 = vector.shape_cast %add3A_566 : vector<16xf32> to vector<16xf32>
      tpu.vector_store %arg19[%swap3A_570], %swap3A_573 {strides = array<i32>} : memref<2048xf32, #tpu.memory_space<vmem>>, vector<16xf32>,
      %mul3A_574 = arith.constant 16 : i32
      %mul3A_575 = arith.muli %scan3A_441, %mul3A_574 : i32
      %swap3A_576 = arith.index_cast %mul3A_575 : i32 to index
      %swap3A_577 = tpu.vector_load %arg20[%swap3A_576] {strides = array<i32>} : memref<2048xf32, #tpu.memory_space<vmem>>, vector<16xf32>,
      %swap3A_578 = vector.shape_cast %swap3A_577 : vector<16xf32> to vector<16xf32>
      %swap3A_579 = vector.shape_cast %add3A_567 : vector<16xf32> to vector<16xf32>
      tpu.vector_store %arg20[%swap3A_576], %swap3A_579 {strides = array<i32>} : memref<2048xf32, #tpu.memory_space<vmem>>, vector<16xf32>,
      %scan3A_580 = arith.constant 3 : i32
      %scan3A_581 = arith.addi %scan3A_164, %scan3A_580 : i32
      %get3A_582 = arith.index_cast %scan3A_581 : i32 to index
      %get3A_583 = arith.constant 0 : index
      %get3A_584 = tpu.vector_load %arg13[%get3A_582, %get3A_583] {strides = array<i32>} : memref<128x128xf32, #tpu.memory_space<vmem>>, vector<1x16xf32>,
      %get3A_585 = vector.shape_cast %get3A_584 : vector<1x16xf32> to vector<16xf32>
      %get3A_586 = arith.index_cast %scan3A_581 : i32 to index
      %get3A_587 = arith.constant 0 : index
      %get3A_588 = tpu.vector_load %arg14[%get3A_586, %get3A_587] {strides = array<i32>} : memref<128x128xf32, #tpu.memory_space<vmem>>, vector<1x16xf32>,
      %get3A_589 = vector.shape_cast %get3A_588 : vector<1x16xf32> to vector<16xf32>
      %get3A_590 = arith.index_cast %scan3A_581 : i32 to index
      %get3A_591 = arith.constant 0 : index
      %get3A_592 = tpu.vector_load %arg15[%get3A_590, %get3A_591] {strides = array<i32>} : memref<128x128xf32, #tpu.memory_space<vmem>>, vector<1x16xf32>,
      %get3A_593 = vector.shape_cast %get3A_592 : vector<1x16xf32> to vector<16xf32>
      %sub3A_594 = arith.subf %get3A_585, %get3A_589 : vector<16xf32>
      %mul3A_595 = arith.mulf %get3A_593, %sub3A_594 : vector<16xf32>
      %get3A_596 = arith.index_cast %scan3A_581 : i32 to index
      %get3A_597 = arith.constant 16 : index
      %get3A_598 = tpu.vector_load %arg13[%get3A_596, %get3A_597] {strides = array<i32>} : memref<128x128xf32, #tpu.memory_space<vmem>>, vector<1x16xf32>,
      %get3A_599 = vector.shape_cast %get3A_598 : vector<1x16xf32> to vector<16xf32>
      %get3A_600 = arith.index_cast %scan3A_581 : i32 to index
      %get3A_601 = arith.constant 16 : index
      %get3A_602 = tpu.vector_load %arg14[%get3A_600, %get3A_601] {strides = array<i32>} : memref<128x128xf32, #tpu.memory_space<vmem>>, vector<1x16xf32>,
      %get3A_603 = vector.shape_cast %get3A_602 : vector<1x16xf32> to vector<16xf32>
      %get3A_604 = arith.index_cast %scan3A_581 : i32 to index
      %get3A_605 = arith.constant 16 : index
      %get3A_606 = tpu.vector_load %arg15[%get3A_604, %get3A_605] {strides = array<i32>} : memref<128x128xf32, #tpu.memory_space<vmem>>, vector<1x16xf32>,
      %get3A_607 = vector.shape_cast %get3A_606 : vector<1x16xf32> to vector<16xf32>
      %sub3A_608 = arith.subf %get3A_599, %get3A_603 : vector<16xf32>
      %mul3A_609 = arith.mulf %get3A_607, %sub3A_608 : vector<16xf32>
      %add3A_610 = arith.addf %mul3A_595, %mul3A_609 : vector<16xf32>
      %add3A_611 = arith.addf %get3A_593, %get3A_607 : vector<16xf32>
      %get3A_612 = arith.index_cast %scan3A_581 : i32 to index
      %get3A_613 = arith.constant 32 : index
      %get3A_614 = tpu.vector_load %arg13[%get3A_612, %get3A_613] {strides = array<i32>} : memref<128x128xf32, #tpu.memory_space<vmem>>, vector<1x16xf32>,
      %get3A_615 = vector.shape_cast %get3A_614 : vector<1x16xf32> to vector<16xf32>
      %get3A_616 = arith.index_cast %scan3A_581 : i32 to index
      %get3A_617 = arith.constant 32 : index
      %get3A_618 = tpu.vector_load %arg14[%get3A_616, %get3A_617] {strides = array<i32>} : memref<128x128xf32, #tpu.memory_space<vmem>>, vector<1x16xf32>,
      %get3A_619 = vector.shape_cast %get3A_618 : vector<1x16xf32> to vector<16xf32>
      %get3A_620 = arith.index_cast %scan3A_581 : i32 to index
      %get3A_621 = arith.constant 32 : index
      %get3A_622 = tpu.vector_load %arg15[%get3A_620, %get3A_621] {strides = array<i32>} : memref<128x128xf32, #tpu.memory_space<vmem>>, vector<1x16xf32>,
      %get3A_623 = vector.shape_cast %get3A_622 : vector<1x16xf32> to vector<16xf32>
      %sub3A_624 = arith.subf %get3A_615, %get3A_619 : vector<16xf32>
      %mul3A_625 = arith.mulf %get3A_623, %sub3A_624 : vector<16xf32>
      %add3A_626 = arith.addf %add3A_610, %mul3A_625 : vector<16xf32>
      %add3A_627 = arith.addf %add3A_611, %get3A_623 : vector<16xf32>
      %get3A_628 = arith.index_cast %scan3A_581 : i32 to index
      %get3A_629 = arith.constant 48 : index
      %get3A_630 = tpu.vector_load %arg13[%get3A_628, %get3A_629] {strides = array<i32>} : memref<128x128xf32, #tpu.memory_space<vmem>>, vector<1x16xf32>,
      %get3A_631 = vector.shape_cast %get3A_630 : vector<1x16xf32> to vector<16xf32>
      %get3A_632 = arith.index_cast %scan3A_581 : i32 to index
      %get3A_633 = arith.constant 48 : index
      %get3A_634 = tpu.vector_load %arg14[%get3A_632, %get3A_633] {strides = array<i32>} : memref<128x128xf32, #tpu.memory_space<vmem>>, vector<1x16xf32>,
      %get3A_635 = vector.shape_cast %get3A_634 : vector<1x16xf32> to vector<16xf32>
      %get3A_636 = arith.index_cast %scan3A_581 : i32 to index
      %get3A_637 = arith.constant 48 : index
      %get3A_638 = tpu.vector_load %arg15[%get3A_636, %get3A_637] {strides = array<i32>} : memref<128x128xf32, #tpu.memory_space<vmem>>, vector<1x16xf32>,
      %get3A_639 = vector.shape_cast %get3A_638 : vector<1x16xf32> to vector<16xf32>
      %sub3A_640 = arith.subf %get3A_631, %get3A_635 : vector<16xf32>
      %mul3A_641 = arith.mulf %get3A_639, %sub3A_640 : vector<16xf32>
      %add3A_642 = arith.addf %add3A_626, %mul3A_641 : vector<16xf32>
      %add3A_643 = arith.addf %add3A_627, %get3A_639 : vector<16xf32>
      %get3A_644 = arith.index_cast %scan3A_581 : i32 to index
      %get3A_645 = arith.constant 64 : index
      %get3A_646 = tpu.vector_load %arg13[%get3A_644, %get3A_645] {strides = array<i32>} : memref<128x128xf32, #tpu.memory_space<vmem>>, vector<1x16xf32>,
      %get3A_647 = vector.shape_cast %get3A_646 : vector<1x16xf32> to vector<16xf32>
      %get3A_648 = arith.index_cast %scan3A_581 : i32 to index
      %get3A_649 = arith.constant 64 : index
      %get3A_650 = tpu.vector_load %arg14[%get3A_648, %get3A_649] {strides = array<i32>} : memref<128x128xf32, #tpu.memory_space<vmem>>, vector<1x16xf32>,
      %get3A_651 = vector.shape_cast %get3A_650 : vector<1x16xf32> to vector<16xf32>
      %get3A_652 = arith.index_cast %scan3A_581 : i32 to index
      %get3A_653 = arith.constant 64 : index
      %get3A_654 = tpu.vector_load %arg15[%get3A_652, %get3A_653] {strides = array<i32>} : memref<128x128xf32, #tpu.memory_space<vmem>>, vector<1x16xf32>,
      %get3A_655 = vector.shape_cast %get3A_654 : vector<1x16xf32> to vector<16xf32>
      %sub3A_656 = arith.subf %get3A_647, %get3A_651 : vector<16xf32>
      %mul3A_657 = arith.mulf %get3A_655, %sub3A_656 : vector<16xf32>
      %add3A_658 = arith.addf %add3A_642, %mul3A_657 : vector<16xf32>
      %add3A_659 = arith.addf %add3A_643, %get3A_655 : vector<16xf32>
      %get3A_660 = arith.index_cast %scan3A_581 : i32 to index
      %get3A_661 = arith.constant 80 : index
      %get3A_662 = tpu.vector_load %arg13[%get3A_660, %get3A_661] {strides = array<i32>} : memref<128x128xf32, #tpu.memory_space<vmem>>, vector<1x16xf32>,
      %get3A_663 = vector.shape_cast %get3A_662 : vector<1x16xf32> to vector<16xf32>
      %get3A_664 = arith.index_cast %scan3A_581 : i32 to index
      %get3A_665 = arith.constant 80 : index
      %get3A_666 = tpu.vector_load %arg14[%get3A_664, %get3A_665] {strides = array<i32>} : memref<128x128xf32, #tpu.memory_space<vmem>>, vector<1x16xf32>,
      %get3A_667 = vector.shape_cast %get3A_666 : vector<1x16xf32> to vector<16xf32>
      %get3A_668 = arith.index_cast %scan3A_581 : i32 to index
      %get3A_669 = arith.constant 80 : index
      %get3A_670 = tpu.vector_load %arg15[%get3A_668, %get3A_669] {strides = array<i32>} : memref<128x128xf32, #tpu.memory_space<vmem>>, vector<1x16xf32>,
      %get3A_671 = vector.shape_cast %get3A_670 : vector<1x16xf32> to vector<16xf32>
      %sub3A_672 = arith.subf %get3A_663, %get3A_667 : vector<16xf32>
      %mul3A_673 = arith.mulf %get3A_671, %sub3A_672 : vector<16xf32>
      %add3A_674 = arith.addf %add3A_658, %mul3A_673 : vector<16xf32>
      %add3A_675 = arith.addf %add3A_659, %get3A_671 : vector<16xf32>
      %get3A_676 = arith.index_cast %scan3A_581 : i32 to index
      %get3A_677 = arith.constant 96 : index
      %get3A_678 = tpu.vector_load %arg13[%get3A_676, %get3A_677] {strides = array<i32>} : memref<128x128xf32, #tpu.memory_space<vmem>>, vector<1x16xf32>,
      %get3A_679 = vector.shape_cast %get3A_678 : vector<1x16xf32> to vector<16xf32>
      %get3A_680 = arith.index_cast %scan3A_581 : i32 to index
      %get3A_681 = arith.constant 96 : index
      %get3A_682 = tpu.vector_load %arg14[%get3A_680, %get3A_681] {strides = array<i32>} : memref<128x128xf32, #tpu.memory_space<vmem>>, vector<1x16xf32>,
      %get3A_683 = vector.shape_cast %get3A_682 : vector<1x16xf32> to vector<16xf32>
      %get3A_684 = arith.index_cast %scan3A_581 : i32 to index
      %get3A_685 = arith.constant 96 : index
      %get3A_686 = tpu.vector_load %arg15[%get3A_684, %get3A_685] {strides = array<i32>} : memref<128x128xf32, #tpu.memory_space<vmem>>, vector<1x16xf32>,
      %get3A_687 = vector.shape_cast %get3A_686 : vector<1x16xf32> to vector<16xf32>
      %sub3A_688 = arith.subf %get3A_679, %get3A_683 : vector<16xf32>
      %mul3A_689 = arith.mulf %get3A_687, %sub3A_688 : vector<16xf32>
      %add3A_690 = arith.addf %add3A_674, %mul3A_689 : vector<16xf32>
      %add3A_691 = arith.addf %add3A_675, %get3A_687 : vector<16xf32>
      %get3A_692 = arith.index_cast %scan3A_581 : i32 to index
      %get3A_693 = arith.constant 112 : index
      %get3A_694 = tpu.vector_load %arg13[%get3A_692, %get3A_693] {strides = array<i32>} : memref<128x128xf32, #tpu.memory_space<vmem>>, vector<1x16xf32>,
      %get3A_695 = vector.shape_cast %get3A_694 : vector<1x16xf32> to vector<16xf32>
      %get3A_696 = arith.index_cast %scan3A_581 : i32 to index
      %get3A_697 = arith.constant 112 : index
      %get3A_698 = tpu.vector_load %arg14[%get3A_696, %get3A_697] {strides = array<i32>} : memref<128x128xf32, #tpu.memory_space<vmem>>, vector<1x16xf32>,
      %get3A_699 = vector.shape_cast %get3A_698 : vector<1x16xf32> to vector<16xf32>
      %get3A_700 = arith.index_cast %scan3A_581 : i32 to index
      %get3A_701 = arith.constant 112 : index
      %get3A_702 = tpu.vector_load %arg15[%get3A_700, %get3A_701] {strides = array<i32>} : memref<128x128xf32, #tpu.memory_space<vmem>>, vector<1x16xf32>,
      %get3A_703 = vector.shape_cast %get3A_702 : vector<1x16xf32> to vector<16xf32>
      %sub3A_704 = arith.subf %get3A_695, %get3A_699 : vector<16xf32>
      %mul3A_705 = arith.mulf %get3A_703, %sub3A_704 : vector<16xf32>
      %add3A_706 = arith.addf %add3A_690, %mul3A_705 : vector<16xf32>
      %add3A_707 = arith.addf %add3A_691, %get3A_703 : vector<16xf32>
      %mul3A_708 = arith.constant 16 : i32
      %mul3A_709 = arith.muli %scan3A_581, %mul3A_708 : i32
      %swap3A_710 = arith.index_cast %mul3A_709 : i32 to index
      %swap3A_711 = tpu.vector_load %arg19[%swap3A_710] {strides = array<i32>} : memref<2048xf32, #tpu.memory_space<vmem>>, vector<16xf32>,
      %swap3A_712 = vector.shape_cast %swap3A_711 : vector<16xf32> to vector<16xf32>
      %swap3A_713 = vector.shape_cast %add3A_706 : vector<16xf32> to vector<16xf32>
      tpu.vector_store %arg19[%swap3A_710], %swap3A_713 {strides = array<i32>} : memref<2048xf32, #tpu.memory_space<vmem>>, vector<16xf32>,
      %mul3A_714 = arith.constant 16 : i32
      %mul3A_715 = arith.muli %scan3A_581, %mul3A_714 : i32
      %swap3A_716 = arith.index_cast %mul3A_715 : i32 to index
      %swap3A_717 = tpu.vector_load %arg20[%swap3A_716] {strides = array<i32>} : memref<2048xf32, #tpu.memory_space<vmem>>, vector<16xf32>,
      %swap3A_718 = vector.shape_cast %swap3A_717 : vector<16xf32> to vector<16xf32>
      %swap3A_719 = vector.shape_cast %add3A_707 : vector<16xf32> to vector<16xf32>
      tpu.vector_store %arg20[%swap3A_716], %swap3A_719 {strides = array<i32>} : memref<2048xf32, #tpu.memory_space<vmem>>, vector<16xf32>,
    }
    %scan3A_133 = arith.constant 128 : i32
    %add3A_134 = arith.constant 256 : i32
    %add3A_135 = arith.addi %mul3A_2, %add3A_134 : i32
    %mul3A_136 = arith.constant 16 : i32
    %mul3A_137 = arith.muli %add3A_135, %mul3A_136 : i32
    "tpu.region"() ({
      %run_scoped3A = tpu.sem_alloc : memref<!tpu.dma_semaphore, #tpu.memory_space<semaphore_mem>>
      %dma_start3A_164 = tpu.memref_slice %arg8[%mul3A_137] : memref<262144xf32, #tpu.memory_space<hbm>> -> memref<2048xf32, #tpu.memory_space<hbm>>
      %dma_start3A_165 = tpu.memref_slice %arg8[%mul3A_137] : memref<262144xf32, #tpu.memory_space<hbm>> -> memref<2048xf32, #tpu.memory_space<hbm>>
      tpu.enqueue_dma source(%arg19 : memref<2048xf32, #tpu.memory_space<vmem>>) target(%dma_start3A_165 : memref<2048xf32, #tpu.memory_space<hbm>>) target_semaphore(%run_scoped3A : memref<!tpu.dma_semaphore, #tpu.memory_space<semaphore_mem>>)
      %dma_wait3A_166 = tpu.memref_slice %arg8[%mul3A_137] : memref<262144xf32, #tpu.memory_space<hbm>> -> memref<2048xf32, #tpu.memory_space<hbm>>
      %dma_wait3A_167 = tpu.memref_slice %arg8[%mul3A_137] : memref<262144xf32, #tpu.memory_space<hbm>> -> memref<2048xf32, #tpu.memory_space<hbm>>
      tpu.wait_dma2 semaphore(%run_scoped3A : memref<!tpu.dma_semaphore, #tpu.memory_space<semaphore_mem>>) src(%arg19 : memref<2048xf32, #tpu.memory_space<vmem>>) dst(%dma_wait3A_167 : memref<2048xf32, #tpu.memory_space<hbm>>)
      tpu.yield
    }) : () -> ()
    "tpu.region"() ({
      %run_scoped3A = tpu.sem_alloc : memref<!tpu.dma_semaphore, #tpu.memory_space<semaphore_mem>>
      %dma_start3A_164 = tpu.memref_slice %arg9[%mul3A_137] : memref<262144xf32, #tpu.memory_space<hbm>> -> memref<2048xf32, #tpu.memory_space<hbm>>
      %dma_start3A_165 = tpu.memref_slice %arg9[%mul3A_137] : memref<262144xf32, #tpu.memory_space<hbm>> -> memref<2048xf32, #tpu.memory_space<hbm>>
      tpu.enqueue_dma source(%arg20 : memref<2048xf32, #tpu.memory_space<vmem>>) target(%dma_start3A_165 : memref<2048xf32, #tpu.memory_space<hbm>>) target_semaphore(%run_scoped3A : memref<!tpu.dma_semaphore, #tpu.memory_space<semaphore_mem>>)
      %dma_wait3A_166 = tpu.memref_slice %arg9[%mul3A_137] : memref<262144xf32, #tpu.memory_space<hbm>> -> memref<2048xf32, #tpu.memory_space<hbm>>
      %dma_wait3A_167 = tpu.memref_slice %arg9[%mul3A_137] : memref<262144xf32, #tpu.memory_space<hbm>> -> memref<2048xf32, #tpu.memory_space<hbm>>
      tpu.wait_dma2 semaphore(%run_scoped3A : memref<!tpu.dma_semaphore, #tpu.memory_space<semaphore_mem>>) src(%arg20 : memref<2048xf32, #tpu.memory_space<vmem>>) dst(%dma_wait3A_167 : memref<2048xf32, #tpu.memory_space<hbm>>)
      tpu.yield
    }) : () -> ()
    %dma_wait3A_138 = arith.constant 384 : i32
    %dma_wait3A_139 = tpu.memref_slice %arg11[%dma_wait3A_138] : memref<512xi32, #tpu.memory_space<vmem>> -> memref<128xi32, #tpu.memory_space<vmem>>
    %dma_wait3A_140 = arith.constant 0 : i32
    %dma_wait3A_141 = arith.constant 0 : i32
    %dma_wait3A_142 = tpu.memref_slice %arg4[%dma_wait3A_140, %dma_wait3A_141] : memref<10000x128xf32, #tpu.memory_space<hbm>> -> memref<10000x128xf32, #tpu.memory_space<hbm>>
    tpu.wait_indirect_dma semaphore(%arg23 : memref<!tpu.dma_semaphore, #tpu.memory_space<semaphore_mem>>) src(%dma_wait3A_142 : memref<10000x128xf32, #tpu.memory_space<hbm>>) dst(%arg16 : memref<128x128xf32, #tpu.memory_space<vmem>>)
    %dma_wait3A_143 = arith.constant 384 : i32
    %dma_wait3A_144 = tpu.memref_slice %arg12[%dma_wait3A_143] : memref<512xi32, #tpu.memory_space<vmem>> -> memref<128xi32, #tpu.memory_space<vmem>>
    %dma_wait3A_145 = arith.constant 0 : i32
    %dma_wait3A_146 = arith.constant 0 : i32
    %dma_wait3A_147 = tpu.memref_slice %arg5[%dma_wait3A_145, %dma_wait3A_146] : memref<10000x128xf32, #tpu.memory_space<hbm>> -> memref<10000x128xf32, #tpu.memory_space<hbm>>
    tpu.wait_indirect_dma semaphore(%arg23 : memref<!tpu.dma_semaphore, #tpu.memory_space<semaphore_mem>>) src(%dma_wait3A_147 : memref<10000x128xf32, #tpu.memory_space<hbm>>) dst(%arg17 : memref<128x128xf32, #tpu.memory_space<vmem>>)
    %dma_wait3A_148 = arith.constant 0 : i32
    %dma_wait3A_149 = tpu.memref_slice %arg7[%add3A_109, %dma_wait3A_148] : memref<16384x128xf32, #tpu.memory_space<hbm>> -> memref<128x128xf32, #tpu.memory_space<hbm>>
    %dma_wait3A_150 = arith.constant 0 : i32
    %dma_wait3A_151 = tpu.memref_slice %arg7[%add3A_109, %dma_wait3A_150] : memref<16384x128xf32, #tpu.memory_space<hbm>> -> memref<128x128xf32, #tpu.memory_space<hbm>>
    tpu.wait_dma2 semaphore(%arg23 : memref<!tpu.dma_semaphore, #tpu.memory_space<semaphore_mem>>) src(%dma_wait3A_151 : memref<128x128xf32, #tpu.memory_space<hbm>>) dst(%arg18 : memref<128x128xf32, #tpu.memory_space<vmem>>)
    %scan3A_152 = arith.constant 0 : i32
    %scan3A_153 = arith.constant 0 : i32
    %scan3A_154 = arith.constant 128 : i32
    %scan3A_155 = arith.addi %scan3A_153, %scan3A_154 : i32
    %scan3A_156 = arith.constant 4 : i32
    scf.for %scan3A_164 = %scan3A_153 to %scan3A_155 step %scan3A_156  : i32 {
      %get3A = arith.index_cast %scan3A_164 : i32 to index
      %get3A_165 = arith.constant 0 : index
      %get3A_166 = tpu.vector_load %arg16[%get3A, %get3A_165] {strides = array<i32>} : memref<128x128xf32, #tpu.memory_space<vmem>>, vector<1x16xf32>,
      %get3A_167 = vector.shape_cast %get3A_166 : vector<1x16xf32> to vector<16xf32>
      %get3A_168 = arith.index_cast %scan3A_164 : i32 to index
      %get3A_169 = arith.constant 0 : index
      %get3A_170 = tpu.vector_load %arg17[%get3A_168, %get3A_169] {strides = array<i32>} : memref<128x128xf32, #tpu.memory_space<vmem>>, vector<1x16xf32>,
      %get3A_171 = vector.shape_cast %get3A_170 : vector<1x16xf32> to vector<16xf32>
      %get3A_172 = arith.index_cast %scan3A_164 : i32 to index
      %get3A_173 = arith.constant 0 : index
      %get3A_174 = tpu.vector_load %arg18[%get3A_172, %get3A_173] {strides = array<i32>} : memref<128x128xf32, #tpu.memory_space<vmem>>, vector<1x16xf32>,
      %get3A_175 = vector.shape_cast %get3A_174 : vector<1x16xf32> to vector<16xf32>
      %sub3A = arith.subf %get3A_167, %get3A_171 : vector<16xf32>
      %mul3A_176 = arith.mulf %get3A_175, %sub3A : vector<16xf32>
      %get3A_177 = arith.index_cast %scan3A_164 : i32 to index
      %get3A_178 = arith.constant 16 : index
      %get3A_179 = tpu.vector_load %arg16[%get3A_177, %get3A_178] {strides = array<i32>} : memref<128x128xf32, #tpu.memory_space<vmem>>, vector<1x16xf32>,
      %get3A_180 = vector.shape_cast %get3A_179 : vector<1x16xf32> to vector<16xf32>
      %get3A_181 = arith.index_cast %scan3A_164 : i32 to index
      %get3A_182 = arith.constant 16 : index
      %get3A_183 = tpu.vector_load %arg17[%get3A_181, %get3A_182] {strides = array<i32>} : memref<128x128xf32, #tpu.memory_space<vmem>>, vector<1x16xf32>,
      %get3A_184 = vector.shape_cast %get3A_183 : vector<1x16xf32> to vector<16xf32>
      %get3A_185 = arith.index_cast %scan3A_164 : i32 to index
      %get3A_186 = arith.constant 16 : index
      %get3A_187 = tpu.vector_load %arg18[%get3A_185, %get3A_186] {strides = array<i32>} : memref<128x128xf32, #tpu.memory_space<vmem>>, vector<1x16xf32>,
      %get3A_188 = vector.shape_cast %get3A_187 : vector<1x16xf32> to vector<16xf32>
      %sub3A_189 = arith.subf %get3A_180, %get3A_184 : vector<16xf32>
      %mul3A_190 = arith.mulf %get3A_188, %sub3A_189 : vector<16xf32>
      %add3A_191 = arith.addf %mul3A_176, %mul3A_190 : vector<16xf32>
      %add3A_192 = arith.addf %get3A_175, %get3A_188 : vector<16xf32>
      %get3A_193 = arith.index_cast %scan3A_164 : i32 to index
      %get3A_194 = arith.constant 32 : index
      %get3A_195 = tpu.vector_load %arg16[%get3A_193, %get3A_194] {strides = array<i32>} : memref<128x128xf32, #tpu.memory_space<vmem>>, vector<1x16xf32>,
      %get3A_196 = vector.shape_cast %get3A_195 : vector<1x16xf32> to vector<16xf32>
      %get3A_197 = arith.index_cast %scan3A_164 : i32 to index
      %get3A_198 = arith.constant 32 : index
      %get3A_199 = tpu.vector_load %arg17[%get3A_197, %get3A_198] {strides = array<i32>} : memref<128x128xf32, #tpu.memory_space<vmem>>, vector<1x16xf32>,
      %get3A_200 = vector.shape_cast %get3A_199 : vector<1x16xf32> to vector<16xf32>
      %get3A_201 = arith.index_cast %scan3A_164 : i32 to index
      %get3A_202 = arith.constant 32 : index
      %get3A_203 = tpu.vector_load %arg18[%get3A_201, %get3A_202] {strides = array<i32>} : memref<128x128xf32, #tpu.memory_space<vmem>>, vector<1x16xf32>,
      %get3A_204 = vector.shape_cast %get3A_203 : vector<1x16xf32> to vector<16xf32>
      %sub3A_205 = arith.subf %get3A_196, %get3A_200 : vector<16xf32>
      %mul3A_206 = arith.mulf %get3A_204, %sub3A_205 : vector<16xf32>
      %add3A_207 = arith.addf %add3A_191, %mul3A_206 : vector<16xf32>
      %add3A_208 = arith.addf %add3A_192, %get3A_204 : vector<16xf32>
      %get3A_209 = arith.index_cast %scan3A_164 : i32 to index
      %get3A_210 = arith.constant 48 : index
      %get3A_211 = tpu.vector_load %arg16[%get3A_209, %get3A_210] {strides = array<i32>} : memref<128x128xf32, #tpu.memory_space<vmem>>, vector<1x16xf32>,
      %get3A_212 = vector.shape_cast %get3A_211 : vector<1x16xf32> to vector<16xf32>
      %get3A_213 = arith.index_cast %scan3A_164 : i32 to index
      %get3A_214 = arith.constant 48 : index
      %get3A_215 = tpu.vector_load %arg17[%get3A_213, %get3A_214] {strides = array<i32>} : memref<128x128xf32, #tpu.memory_space<vmem>>, vector<1x16xf32>,
      %get3A_216 = vector.shape_cast %get3A_215 : vector<1x16xf32> to vector<16xf32>
      %get3A_217 = arith.index_cast %scan3A_164 : i32 to index
      %get3A_218 = arith.constant 48 : index
      %get3A_219 = tpu.vector_load %arg18[%get3A_217, %get3A_218] {strides = array<i32>} : memref<128x128xf32, #tpu.memory_space<vmem>>, vector<1x16xf32>,
      %get3A_220 = vector.shape_cast %get3A_219 : vector<1x16xf32> to vector<16xf32>
      %sub3A_221 = arith.subf %get3A_212, %get3A_216 : vector<16xf32>
      %mul3A_222 = arith.mulf %get3A_220, %sub3A_221 : vector<16xf32>
      %add3A_223 = arith.addf %add3A_207, %mul3A_222 : vector<16xf32>
      %add3A_224 = arith.addf %add3A_208, %get3A_220 : vector<16xf32>
      %get3A_225 = arith.index_cast %scan3A_164 : i32 to index
      %get3A_226 = arith.constant 64 : index
      %get3A_227 = tpu.vector_load %arg16[%get3A_225, %get3A_226] {strides = array<i32>} : memref<128x128xf32, #tpu.memory_space<vmem>>, vector<1x16xf32>,
      %get3A_228 = vector.shape_cast %get3A_227 : vector<1x16xf32> to vector<16xf32>
      %get3A_229 = arith.index_cast %scan3A_164 : i32 to index
      %get3A_230 = arith.constant 64 : index
      %get3A_231 = tpu.vector_load %arg17[%get3A_229, %get3A_230] {strides = array<i32>} : memref<128x128xf32, #tpu.memory_space<vmem>>, vector<1x16xf32>,
      %get3A_232 = vector.shape_cast %get3A_231 : vector<1x16xf32> to vector<16xf32>
      %get3A_233 = arith.index_cast %scan3A_164 : i32 to index
      %get3A_234 = arith.constant 64 : index
      %get3A_235 = tpu.vector_load %arg18[%get3A_233, %get3A_234] {strides = array<i32>} : memref<128x128xf32, #tpu.memory_space<vmem>>, vector<1x16xf32>,
      %get3A_236 = vector.shape_cast %get3A_235 : vector<1x16xf32> to vector<16xf32>
      %sub3A_237 = arith.subf %get3A_228, %get3A_232 : vector<16xf32>
      %mul3A_238 = arith.mulf %get3A_236, %sub3A_237 : vector<16xf32>
      %add3A_239 = arith.addf %add3A_223, %mul3A_238 : vector<16xf32>
      %add3A_240 = arith.addf %add3A_224, %get3A_236 : vector<16xf32>
      %get3A_241 = arith.index_cast %scan3A_164 : i32 to index
      %get3A_242 = arith.constant 80 : index
      %get3A_243 = tpu.vector_load %arg16[%get3A_241, %get3A_242] {strides = array<i32>} : memref<128x128xf32, #tpu.memory_space<vmem>>, vector<1x16xf32>,
      %get3A_244 = vector.shape_cast %get3A_243 : vector<1x16xf32> to vector<16xf32>
      %get3A_245 = arith.index_cast %scan3A_164 : i32 to index
      %get3A_246 = arith.constant 80 : index
      %get3A_247 = tpu.vector_load %arg17[%get3A_245, %get3A_246] {strides = array<i32>} : memref<128x128xf32, #tpu.memory_space<vmem>>, vector<1x16xf32>,
      %get3A_248 = vector.shape_cast %get3A_247 : vector<1x16xf32> to vector<16xf32>
      %get3A_249 = arith.index_cast %scan3A_164 : i32 to index
      %get3A_250 = arith.constant 80 : index
      %get3A_251 = tpu.vector_load %arg18[%get3A_249, %get3A_250] {strides = array<i32>} : memref<128x128xf32, #tpu.memory_space<vmem>>, vector<1x16xf32>,
      %get3A_252 = vector.shape_cast %get3A_251 : vector<1x16xf32> to vector<16xf32>
      %sub3A_253 = arith.subf %get3A_244, %get3A_248 : vector<16xf32>
      %mul3A_254 = arith.mulf %get3A_252, %sub3A_253 : vector<16xf32>
      %add3A_255 = arith.addf %add3A_239, %mul3A_254 : vector<16xf32>
      %add3A_256 = arith.addf %add3A_240, %get3A_252 : vector<16xf32>
      %get3A_257 = arith.index_cast %scan3A_164 : i32 to index
      %get3A_258 = arith.constant 96 : index
      %get3A_259 = tpu.vector_load %arg16[%get3A_257, %get3A_258] {strides = array<i32>} : memref<128x128xf32, #tpu.memory_space<vmem>>, vector<1x16xf32>,
      %get3A_260 = vector.shape_cast %get3A_259 : vector<1x16xf32> to vector<16xf32>
      %get3A_261 = arith.index_cast %scan3A_164 : i32 to index
      %get3A_262 = arith.constant 96 : index
      %get3A_263 = tpu.vector_load %arg17[%get3A_261, %get3A_262] {strides = array<i32>} : memref<128x128xf32, #tpu.memory_space<vmem>>, vector<1x16xf32>,
      %get3A_264 = vector.shape_cast %get3A_263 : vector<1x16xf32> to vector<16xf32>
      %get3A_265 = arith.index_cast %scan3A_164 : i32 to index
      %get3A_266 = arith.constant 96 : index
      %get3A_267 = tpu.vector_load %arg18[%get3A_265, %get3A_266] {strides = array<i32>} : memref<128x128xf32, #tpu.memory_space<vmem>>, vector<1x16xf32>,
      %get3A_268 = vector.shape_cast %get3A_267 : vector<1x16xf32> to vector<16xf32>
      %sub3A_269 = arith.subf %get3A_260, %get3A_264 : vector<16xf32>
      %mul3A_270 = arith.mulf %get3A_268, %sub3A_269 : vector<16xf32>
      %add3A_271 = arith.addf %add3A_255, %mul3A_270 : vector<16xf32>
      %add3A_272 = arith.addf %add3A_256, %get3A_268 : vector<16xf32>
      %get3A_273 = arith.index_cast %scan3A_164 : i32 to index
      %get3A_274 = arith.constant 112 : index
      %get3A_275 = tpu.vector_load %arg16[%get3A_273, %get3A_274] {strides = array<i32>} : memref<128x128xf32, #tpu.memory_space<vmem>>, vector<1x16xf32>,
      %get3A_276 = vector.shape_cast %get3A_275 : vector<1x16xf32> to vector<16xf32>
      %get3A_277 = arith.index_cast %scan3A_164 : i32 to index
      %get3A_278 = arith.constant 112 : index
      %get3A_279 = tpu.vector_load %arg17[%get3A_277, %get3A_278] {strides = array<i32>} : memref<128x128xf32, #tpu.memory_space<vmem>>, vector<1x16xf32>,
      %get3A_280 = vector.shape_cast %get3A_279 : vector<1x16xf32> to vector<16xf32>
      %get3A_281 = arith.index_cast %scan3A_164 : i32 to index
      %get3A_282 = arith.constant 112 : index
      %get3A_283 = tpu.vector_load %arg18[%get3A_281, %get3A_282] {strides = array<i32>} : memref<128x128xf32, #tpu.memory_space<vmem>>, vector<1x16xf32>,
      %get3A_284 = vector.shape_cast %get3A_283 : vector<1x16xf32> to vector<16xf32>
      %sub3A_285 = arith.subf %get3A_276, %get3A_280 : vector<16xf32>
      %mul3A_286 = arith.mulf %get3A_284, %sub3A_285 : vector<16xf32>
      %add3A_287 = arith.addf %add3A_271, %mul3A_286 : vector<16xf32>
      %add3A_288 = arith.addf %add3A_272, %get3A_284 : vector<16xf32>
      %mul3A_289 = arith.constant 16 : i32
      %mul3A_290 = arith.muli %scan3A_164, %mul3A_289 : i32
      %swap3A = arith.index_cast %mul3A_290 : i32 to index
      %swap3A_291 = tpu.vector_load %arg19[%swap3A] {strides = array<i32>} : memref<2048xf32, #tpu.memory_space<vmem>>, vector<16xf32>,
      %swap3A_292 = vector.shape_cast %swap3A_291 : vector<16xf32> to vector<16xf32>
      %swap3A_293 = vector.shape_cast %add3A_287 : vector<16xf32> to vector<16xf32>
      tpu.vector_store %arg19[%swap3A], %swap3A_293 {strides = array<i32>} : memref<2048xf32, #tpu.memory_space<vmem>>, vector<16xf32>,
      %mul3A_294 = arith.constant 16 : i32
      %mul3A_295 = arith.muli %scan3A_164, %mul3A_294 : i32
      %swap3A_296 = arith.index_cast %mul3A_295 : i32 to index
      %swap3A_297 = tpu.vector_load %arg20[%swap3A_296] {strides = array<i32>} : memref<2048xf32, #tpu.memory_space<vmem>>, vector<16xf32>,
      %swap3A_298 = vector.shape_cast %swap3A_297 : vector<16xf32> to vector<16xf32>
      %swap3A_299 = vector.shape_cast %add3A_288 : vector<16xf32> to vector<16xf32>
      tpu.vector_store %arg20[%swap3A_296], %swap3A_299 {strides = array<i32>} : memref<2048xf32, #tpu.memory_space<vmem>>, vector<16xf32>,
      %scan3A_300 = arith.constant 1 : i32
      %scan3A_301 = arith.addi %scan3A_164, %scan3A_300 : i32
      %get3A_302 = arith.index_cast %scan3A_301 : i32 to index
      %get3A_303 = arith.constant 0 : index
      %get3A_304 = tpu.vector_load %arg16[%get3A_302, %get3A_303] {strides = array<i32>} : memref<128x128xf32, #tpu.memory_space<vmem>>, vector<1x16xf32>,
      %get3A_305 = vector.shape_cast %get3A_304 : vector<1x16xf32> to vector<16xf32>
      %get3A_306 = arith.index_cast %scan3A_301 : i32 to index
      %get3A_307 = arith.constant 0 : index
      %get3A_308 = tpu.vector_load %arg17[%get3A_306, %get3A_307] {strides = array<i32>} : memref<128x128xf32, #tpu.memory_space<vmem>>, vector<1x16xf32>,
      %get3A_309 = vector.shape_cast %get3A_308 : vector<1x16xf32> to vector<16xf32>
      %get3A_310 = arith.index_cast %scan3A_301 : i32 to index
      %get3A_311 = arith.constant 0 : index
      %get3A_312 = tpu.vector_load %arg18[%get3A_310, %get3A_311] {strides = array<i32>} : memref<128x128xf32, #tpu.memory_space<vmem>>, vector<1x16xf32>,
      %get3A_313 = vector.shape_cast %get3A_312 : vector<1x16xf32> to vector<16xf32>
      %sub3A_314 = arith.subf %get3A_305, %get3A_309 : vector<16xf32>
      %mul3A_315 = arith.mulf %get3A_313, %sub3A_314 : vector<16xf32>
      %get3A_316 = arith.index_cast %scan3A_301 : i32 to index
      %get3A_317 = arith.constant 16 : index
      %get3A_318 = tpu.vector_load %arg16[%get3A_316, %get3A_317] {strides = array<i32>} : memref<128x128xf32, #tpu.memory_space<vmem>>, vector<1x16xf32>,
      %get3A_319 = vector.shape_cast %get3A_318 : vector<1x16xf32> to vector<16xf32>
      %get3A_320 = arith.index_cast %scan3A_301 : i32 to index
      %get3A_321 = arith.constant 16 : index
      %get3A_322 = tpu.vector_load %arg17[%get3A_320, %get3A_321] {strides = array<i32>} : memref<128x128xf32, #tpu.memory_space<vmem>>, vector<1x16xf32>,
      %get3A_323 = vector.shape_cast %get3A_322 : vector<1x16xf32> to vector<16xf32>
      %get3A_324 = arith.index_cast %scan3A_301 : i32 to index
      %get3A_325 = arith.constant 16 : index
      %get3A_326 = tpu.vector_load %arg18[%get3A_324, %get3A_325] {strides = array<i32>} : memref<128x128xf32, #tpu.memory_space<vmem>>, vector<1x16xf32>,
      %get3A_327 = vector.shape_cast %get3A_326 : vector<1x16xf32> to vector<16xf32>
      %sub3A_328 = arith.subf %get3A_319, %get3A_323 : vector<16xf32>
      %mul3A_329 = arith.mulf %get3A_327, %sub3A_328 : vector<16xf32>
      %add3A_330 = arith.addf %mul3A_315, %mul3A_329 : vector<16xf32>
      %add3A_331 = arith.addf %get3A_313, %get3A_327 : vector<16xf32>
      %get3A_332 = arith.index_cast %scan3A_301 : i32 to index
      %get3A_333 = arith.constant 32 : index
      %get3A_334 = tpu.vector_load %arg16[%get3A_332, %get3A_333] {strides = array<i32>} : memref<128x128xf32, #tpu.memory_space<vmem>>, vector<1x16xf32>,
      %get3A_335 = vector.shape_cast %get3A_334 : vector<1x16xf32> to vector<16xf32>
      %get3A_336 = arith.index_cast %scan3A_301 : i32 to index
      %get3A_337 = arith.constant 32 : index
      %get3A_338 = tpu.vector_load %arg17[%get3A_336, %get3A_337] {strides = array<i32>} : memref<128x128xf32, #tpu.memory_space<vmem>>, vector<1x16xf32>,
      %get3A_339 = vector.shape_cast %get3A_338 : vector<1x16xf32> to vector<16xf32>
      %get3A_340 = arith.index_cast %scan3A_301 : i32 to index
      %get3A_341 = arith.constant 32 : index
      %get3A_342 = tpu.vector_load %arg18[%get3A_340, %get3A_341] {strides = array<i32>} : memref<128x128xf32, #tpu.memory_space<vmem>>, vector<1x16xf32>,
      %get3A_343 = vector.shape_cast %get3A_342 : vector<1x16xf32> to vector<16xf32>
      %sub3A_344 = arith.subf %get3A_335, %get3A_339 : vector<16xf32>
      %mul3A_345 = arith.mulf %get3A_343, %sub3A_344 : vector<16xf32>
      %add3A_346 = arith.addf %add3A_330, %mul3A_345 : vector<16xf32>
      %add3A_347 = arith.addf %add3A_331, %get3A_343 : vector<16xf32>
      %get3A_348 = arith.index_cast %scan3A_301 : i32 to index
      %get3A_349 = arith.constant 48 : index
      %get3A_350 = tpu.vector_load %arg16[%get3A_348, %get3A_349] {strides = array<i32>} : memref<128x128xf32, #tpu.memory_space<vmem>>, vector<1x16xf32>,
      %get3A_351 = vector.shape_cast %get3A_350 : vector<1x16xf32> to vector<16xf32>
      %get3A_352 = arith.index_cast %scan3A_301 : i32 to index
      %get3A_353 = arith.constant 48 : index
      %get3A_354 = tpu.vector_load %arg17[%get3A_352, %get3A_353] {strides = array<i32>} : memref<128x128xf32, #tpu.memory_space<vmem>>, vector<1x16xf32>,
      %get3A_355 = vector.shape_cast %get3A_354 : vector<1x16xf32> to vector<16xf32>
      %get3A_356 = arith.index_cast %scan3A_301 : i32 to index
      %get3A_357 = arith.constant 48 : index
      %get3A_358 = tpu.vector_load %arg18[%get3A_356, %get3A_357] {strides = array<i32>} : memref<128x128xf32, #tpu.memory_space<vmem>>, vector<1x16xf32>,
      %get3A_359 = vector.shape_cast %get3A_358 : vector<1x16xf32> to vector<16xf32>
      %sub3A_360 = arith.subf %get3A_351, %get3A_355 : vector<16xf32>
      %mul3A_361 = arith.mulf %get3A_359, %sub3A_360 : vector<16xf32>
      %add3A_362 = arith.addf %add3A_346, %mul3A_361 : vector<16xf32>
      %add3A_363 = arith.addf %add3A_347, %get3A_359 : vector<16xf32>
      %get3A_364 = arith.index_cast %scan3A_301 : i32 to index
      %get3A_365 = arith.constant 64 : index
      %get3A_366 = tpu.vector_load %arg16[%get3A_364, %get3A_365] {strides = array<i32>} : memref<128x128xf32, #tpu.memory_space<vmem>>, vector<1x16xf32>,
      %get3A_367 = vector.shape_cast %get3A_366 : vector<1x16xf32> to vector<16xf32>
      %get3A_368 = arith.index_cast %scan3A_301 : i32 to index
      %get3A_369 = arith.constant 64 : index
      %get3A_370 = tpu.vector_load %arg17[%get3A_368, %get3A_369] {strides = array<i32>} : memref<128x128xf32, #tpu.memory_space<vmem>>, vector<1x16xf32>,
      %get3A_371 = vector.shape_cast %get3A_370 : vector<1x16xf32> to vector<16xf32>
      %get3A_372 = arith.index_cast %scan3A_301 : i32 to index
      %get3A_373 = arith.constant 64 : index
      %get3A_374 = tpu.vector_load %arg18[%get3A_372, %get3A_373] {strides = array<i32>} : memref<128x128xf32, #tpu.memory_space<vmem>>, vector<1x16xf32>,
      %get3A_375 = vector.shape_cast %get3A_374 : vector<1x16xf32> to vector<16xf32>
      %sub3A_376 = arith.subf %get3A_367, %get3A_371 : vector<16xf32>
      %mul3A_377 = arith.mulf %get3A_375, %sub3A_376 : vector<16xf32>
      %add3A_378 = arith.addf %add3A_362, %mul3A_377 : vector<16xf32>
      %add3A_379 = arith.addf %add3A_363, %get3A_375 : vector<16xf32>
      %get3A_380 = arith.index_cast %scan3A_301 : i32 to index
      %get3A_381 = arith.constant 80 : index
      %get3A_382 = tpu.vector_load %arg16[%get3A_380, %get3A_381] {strides = array<i32>} : memref<128x128xf32, #tpu.memory_space<vmem>>, vector<1x16xf32>,
      %get3A_383 = vector.shape_cast %get3A_382 : vector<1x16xf32> to vector<16xf32>
      %get3A_384 = arith.index_cast %scan3A_301 : i32 to index
      %get3A_385 = arith.constant 80 : index
      %get3A_386 = tpu.vector_load %arg17[%get3A_384, %get3A_385] {strides = array<i32>} : memref<128x128xf32, #tpu.memory_space<vmem>>, vector<1x16xf32>,
      %get3A_387 = vector.shape_cast %get3A_386 : vector<1x16xf32> to vector<16xf32>
      %get3A_388 = arith.index_cast %scan3A_301 : i32 to index
      %get3A_389 = arith.constant 80 : index
      %get3A_390 = tpu.vector_load %arg18[%get3A_388, %get3A_389] {strides = array<i32>} : memref<128x128xf32, #tpu.memory_space<vmem>>, vector<1x16xf32>,
      %get3A_391 = vector.shape_cast %get3A_390 : vector<1x16xf32> to vector<16xf32>
      %sub3A_392 = arith.subf %get3A_383, %get3A_387 : vector<16xf32>
      %mul3A_393 = arith.mulf %get3A_391, %sub3A_392 : vector<16xf32>
      %add3A_394 = arith.addf %add3A_378, %mul3A_393 : vector<16xf32>
      %add3A_395 = arith.addf %add3A_379, %get3A_391 : vector<16xf32>
      %get3A_396 = arith.index_cast %scan3A_301 : i32 to index
      %get3A_397 = arith.constant 96 : index
      %get3A_398 = tpu.vector_load %arg16[%get3A_396, %get3A_397] {strides = array<i32>} : memref<128x128xf32, #tpu.memory_space<vmem>>, vector<1x16xf32>,
      %get3A_399 = vector.shape_cast %get3A_398 : vector<1x16xf32> to vector<16xf32>
      %get3A_400 = arith.index_cast %scan3A_301 : i32 to index
      %get3A_401 = arith.constant 96 : index
      %get3A_402 = tpu.vector_load %arg17[%get3A_400, %get3A_401] {strides = array<i32>} : memref<128x128xf32, #tpu.memory_space<vmem>>, vector<1x16xf32>,
      %get3A_403 = vector.shape_cast %get3A_402 : vector<1x16xf32> to vector<16xf32>
      %get3A_404 = arith.index_cast %scan3A_301 : i32 to index
      %get3A_405 = arith.constant 96 : index
      %get3A_406 = tpu.vector_load %arg18[%get3A_404, %get3A_405] {strides = array<i32>} : memref<128x128xf32, #tpu.memory_space<vmem>>, vector<1x16xf32>,
      %get3A_407 = vector.shape_cast %get3A_406 : vector<1x16xf32> to vector<16xf32>
      %sub3A_408 = arith.subf %get3A_399, %get3A_403 : vector<16xf32>
      %mul3A_409 = arith.mulf %get3A_407, %sub3A_408 : vector<16xf32>
      %add3A_410 = arith.addf %add3A_394, %mul3A_409 : vector<16xf32>
      %add3A_411 = arith.addf %add3A_395, %get3A_407 : vector<16xf32>
      %get3A_412 = arith.index_cast %scan3A_301 : i32 to index
      %get3A_413 = arith.constant 112 : index
      %get3A_414 = tpu.vector_load %arg16[%get3A_412, %get3A_413] {strides = array<i32>} : memref<128x128xf32, #tpu.memory_space<vmem>>, vector<1x16xf32>,
      %get3A_415 = vector.shape_cast %get3A_414 : vector<1x16xf32> to vector<16xf32>
      %get3A_416 = arith.index_cast %scan3A_301 : i32 to index
      %get3A_417 = arith.constant 112 : index
      %get3A_418 = tpu.vector_load %arg17[%get3A_416, %get3A_417] {strides = array<i32>} : memref<128x128xf32, #tpu.memory_space<vmem>>, vector<1x16xf32>,
      %get3A_419 = vector.shape_cast %get3A_418 : vector<1x16xf32> to vector<16xf32>
      %get3A_420 = arith.index_cast %scan3A_301 : i32 to index
      %get3A_421 = arith.constant 112 : index
      %get3A_422 = tpu.vector_load %arg18[%get3A_420, %get3A_421] {strides = array<i32>} : memref<128x128xf32, #tpu.memory_space<vmem>>, vector<1x16xf32>,
      %get3A_423 = vector.shape_cast %get3A_422 : vector<1x16xf32> to vector<16xf32>
      %sub3A_424 = arith.subf %get3A_415, %get3A_419 : vector<16xf32>
      %mul3A_425 = arith.mulf %get3A_423, %sub3A_424 : vector<16xf32>
      %add3A_426 = arith.addf %add3A_410, %mul3A_425 : vector<16xf32>
      %add3A_427 = arith.addf %add3A_411, %get3A_423 : vector<16xf32>
      %mul3A_428 = arith.constant 16 : i32
      %mul3A_429 = arith.muli %scan3A_301, %mul3A_428 : i32
      %swap3A_430 = arith.index_cast %mul3A_429 : i32 to index
      %swap3A_431 = tpu.vector_load %arg19[%swap3A_430] {strides = array<i32>} : memref<2048xf32, #tpu.memory_space<vmem>>, vector<16xf32>,
      %swap3A_432 = vector.shape_cast %swap3A_431 : vector<16xf32> to vector<16xf32>
      %swap3A_433 = vector.shape_cast %add3A_426 : vector<16xf32> to vector<16xf32>
      tpu.vector_store %arg19[%swap3A_430], %swap3A_433 {strides = array<i32>} : memref<2048xf32, #tpu.memory_space<vmem>>, vector<16xf32>,
      %mul3A_434 = arith.constant 16 : i32
      %mul3A_435 = arith.muli %scan3A_301, %mul3A_434 : i32
      %swap3A_436 = arith.index_cast %mul3A_435 : i32 to index
      %swap3A_437 = tpu.vector_load %arg20[%swap3A_436] {strides = array<i32>} : memref<2048xf32, #tpu.memory_space<vmem>>, vector<16xf32>,
      %swap3A_438 = vector.shape_cast %swap3A_437 : vector<16xf32> to vector<16xf32>
      %swap3A_439 = vector.shape_cast %add3A_427 : vector<16xf32> to vector<16xf32>
      tpu.vector_store %arg20[%swap3A_436], %swap3A_439 {strides = array<i32>} : memref<2048xf32, #tpu.memory_space<vmem>>, vector<16xf32>,
      %scan3A_440 = arith.constant 2 : i32
      %scan3A_441 = arith.addi %scan3A_164, %scan3A_440 : i32
      %get3A_442 = arith.index_cast %scan3A_441 : i32 to index
      %get3A_443 = arith.constant 0 : index
      %get3A_444 = tpu.vector_load %arg16[%get3A_442, %get3A_443] {strides = array<i32>} : memref<128x128xf32, #tpu.memory_space<vmem>>, vector<1x16xf32>,
      %get3A_445 = vector.shape_cast %get3A_444 : vector<1x16xf32> to vector<16xf32>
      %get3A_446 = arith.index_cast %scan3A_441 : i32 to index
      %get3A_447 = arith.constant 0 : index
      %get3A_448 = tpu.vector_load %arg17[%get3A_446, %get3A_447] {strides = array<i32>} : memref<128x128xf32, #tpu.memory_space<vmem>>, vector<1x16xf32>,
      %get3A_449 = vector.shape_cast %get3A_448 : vector<1x16xf32> to vector<16xf32>
      %get3A_450 = arith.index_cast %scan3A_441 : i32 to index
      %get3A_451 = arith.constant 0 : index
      %get3A_452 = tpu.vector_load %arg18[%get3A_450, %get3A_451] {strides = array<i32>} : memref<128x128xf32, #tpu.memory_space<vmem>>, vector<1x16xf32>,
      %get3A_453 = vector.shape_cast %get3A_452 : vector<1x16xf32> to vector<16xf32>
      %sub3A_454 = arith.subf %get3A_445, %get3A_449 : vector<16xf32>
      %mul3A_455 = arith.mulf %get3A_453, %sub3A_454 : vector<16xf32>
      %get3A_456 = arith.index_cast %scan3A_441 : i32 to index
      %get3A_457 = arith.constant 16 : index
      %get3A_458 = tpu.vector_load %arg16[%get3A_456, %get3A_457] {strides = array<i32>} : memref<128x128xf32, #tpu.memory_space<vmem>>, vector<1x16xf32>,
      %get3A_459 = vector.shape_cast %get3A_458 : vector<1x16xf32> to vector<16xf32>
      %get3A_460 = arith.index_cast %scan3A_441 : i32 to index
      %get3A_461 = arith.constant 16 : index
      %get3A_462 = tpu.vector_load %arg17[%get3A_460, %get3A_461] {strides = array<i32>} : memref<128x128xf32, #tpu.memory_space<vmem>>, vector<1x16xf32>,
      %get3A_463 = vector.shape_cast %get3A_462 : vector<1x16xf32> to vector<16xf32>
      %get3A_464 = arith.index_cast %scan3A_441 : i32 to index
      %get3A_465 = arith.constant 16 : index
      %get3A_466 = tpu.vector_load %arg18[%get3A_464, %get3A_465] {strides = array<i32>} : memref<128x128xf32, #tpu.memory_space<vmem>>, vector<1x16xf32>,
      %get3A_467 = vector.shape_cast %get3A_466 : vector<1x16xf32> to vector<16xf32>
      %sub3A_468 = arith.subf %get3A_459, %get3A_463 : vector<16xf32>
      %mul3A_469 = arith.mulf %get3A_467, %sub3A_468 : vector<16xf32>
      %add3A_470 = arith.addf %mul3A_455, %mul3A_469 : vector<16xf32>
      %add3A_471 = arith.addf %get3A_453, %get3A_467 : vector<16xf32>
      %get3A_472 = arith.index_cast %scan3A_441 : i32 to index
      %get3A_473 = arith.constant 32 : index
      %get3A_474 = tpu.vector_load %arg16[%get3A_472, %get3A_473] {strides = array<i32>} : memref<128x128xf32, #tpu.memory_space<vmem>>, vector<1x16xf32>,
      %get3A_475 = vector.shape_cast %get3A_474 : vector<1x16xf32> to vector<16xf32>
      %get3A_476 = arith.index_cast %scan3A_441 : i32 to index
      %get3A_477 = arith.constant 32 : index
      %get3A_478 = tpu.vector_load %arg17[%get3A_476, %get3A_477] {strides = array<i32>} : memref<128x128xf32, #tpu.memory_space<vmem>>, vector<1x16xf32>,
      %get3A_479 = vector.shape_cast %get3A_478 : vector<1x16xf32> to vector<16xf32>
      %get3A_480 = arith.index_cast %scan3A_441 : i32 to index
      %get3A_481 = arith.constant 32 : index
      %get3A_482 = tpu.vector_load %arg18[%get3A_480, %get3A_481] {strides = array<i32>} : memref<128x128xf32, #tpu.memory_space<vmem>>, vector<1x16xf32>,
      %get3A_483 = vector.shape_cast %get3A_482 : vector<1x16xf32> to vector<16xf32>
      %sub3A_484 = arith.subf %get3A_475, %get3A_479 : vector<16xf32>
      %mul3A_485 = arith.mulf %get3A_483, %sub3A_484 : vector<16xf32>
      %add3A_486 = arith.addf %add3A_470, %mul3A_485 : vector<16xf32>
      %add3A_487 = arith.addf %add3A_471, %get3A_483 : vector<16xf32>
      %get3A_488 = arith.index_cast %scan3A_441 : i32 to index
      %get3A_489 = arith.constant 48 : index
      %get3A_490 = tpu.vector_load %arg16[%get3A_488, %get3A_489] {strides = array<i32>} : memref<128x128xf32, #tpu.memory_space<vmem>>, vector<1x16xf32>,
      %get3A_491 = vector.shape_cast %get3A_490 : vector<1x16xf32> to vector<16xf32>
      %get3A_492 = arith.index_cast %scan3A_441 : i32 to index
      %get3A_493 = arith.constant 48 : index
      %get3A_494 = tpu.vector_load %arg17[%get3A_492, %get3A_493] {strides = array<i32>} : memref<128x128xf32, #tpu.memory_space<vmem>>, vector<1x16xf32>,
      %get3A_495 = vector.shape_cast %get3A_494 : vector<1x16xf32> to vector<16xf32>
      %get3A_496 = arith.index_cast %scan3A_441 : i32 to index
      %get3A_497 = arith.constant 48 : index
      %get3A_498 = tpu.vector_load %arg18[%get3A_496, %get3A_497] {strides = array<i32>} : memref<128x128xf32, #tpu.memory_space<vmem>>, vector<1x16xf32>,
      %get3A_499 = vector.shape_cast %get3A_498 : vector<1x16xf32> to vector<16xf32>
      %sub3A_500 = arith.subf %get3A_491, %get3A_495 : vector<16xf32>
      %mul3A_501 = arith.mulf %get3A_499, %sub3A_500 : vector<16xf32>
      %add3A_502 = arith.addf %add3A_486, %mul3A_501 : vector<16xf32>
      %add3A_503 = arith.addf %add3A_487, %get3A_499 : vector<16xf32>
      %get3A_504 = arith.index_cast %scan3A_441 : i32 to index
      %get3A_505 = arith.constant 64 : index
      %get3A_506 = tpu.vector_load %arg16[%get3A_504, %get3A_505] {strides = array<i32>} : memref<128x128xf32, #tpu.memory_space<vmem>>, vector<1x16xf32>,
      %get3A_507 = vector.shape_cast %get3A_506 : vector<1x16xf32> to vector<16xf32>
      %get3A_508 = arith.index_cast %scan3A_441 : i32 to index
      %get3A_509 = arith.constant 64 : index
      %get3A_510 = tpu.vector_load %arg17[%get3A_508, %get3A_509] {strides = array<i32>} : memref<128x128xf32, #tpu.memory_space<vmem>>, vector<1x16xf32>,
      %get3A_511 = vector.shape_cast %get3A_510 : vector<1x16xf32> to vector<16xf32>
      %get3A_512 = arith.index_cast %scan3A_441 : i32 to index
      %get3A_513 = arith.constant 64 : index
      %get3A_514 = tpu.vector_load %arg18[%get3A_512, %get3A_513] {strides = array<i32>} : memref<128x128xf32, #tpu.memory_space<vmem>>, vector<1x16xf32>,
      %get3A_515 = vector.shape_cast %get3A_514 : vector<1x16xf32> to vector<16xf32>
      %sub3A_516 = arith.subf %get3A_507, %get3A_511 : vector<16xf32>
      %mul3A_517 = arith.mulf %get3A_515, %sub3A_516 : vector<16xf32>
      %add3A_518 = arith.addf %add3A_502, %mul3A_517 : vector<16xf32>
      %add3A_519 = arith.addf %add3A_503, %get3A_515 : vector<16xf32>
      %get3A_520 = arith.index_cast %scan3A_441 : i32 to index
      %get3A_521 = arith.constant 80 : index
      %get3A_522 = tpu.vector_load %arg16[%get3A_520, %get3A_521] {strides = array<i32>} : memref<128x128xf32, #tpu.memory_space<vmem>>, vector<1x16xf32>,
      %get3A_523 = vector.shape_cast %get3A_522 : vector<1x16xf32> to vector<16xf32>
      %get3A_524 = arith.index_cast %scan3A_441 : i32 to index
      %get3A_525 = arith.constant 80 : index
      %get3A_526 = tpu.vector_load %arg17[%get3A_524, %get3A_525] {strides = array<i32>} : memref<128x128xf32, #tpu.memory_space<vmem>>, vector<1x16xf32>,
      %get3A_527 = vector.shape_cast %get3A_526 : vector<1x16xf32> to vector<16xf32>
      %get3A_528 = arith.index_cast %scan3A_441 : i32 to index
      %get3A_529 = arith.constant 80 : index
      %get3A_530 = tpu.vector_load %arg18[%get3A_528, %get3A_529] {strides = array<i32>} : memref<128x128xf32, #tpu.memory_space<vmem>>, vector<1x16xf32>,
      %get3A_531 = vector.shape_cast %get3A_530 : vector<1x16xf32> to vector<16xf32>
      %sub3A_532 = arith.subf %get3A_523, %get3A_527 : vector<16xf32>
      %mul3A_533 = arith.mulf %get3A_531, %sub3A_532 : vector<16xf32>
      %add3A_534 = arith.addf %add3A_518, %mul3A_533 : vector<16xf32>
      %add3A_535 = arith.addf %add3A_519, %get3A_531 : vector<16xf32>
      %get3A_536 = arith.index_cast %scan3A_441 : i32 to index
      %get3A_537 = arith.constant 96 : index
      %get3A_538 = tpu.vector_load %arg16[%get3A_536, %get3A_537] {strides = array<i32>} : memref<128x128xf32, #tpu.memory_space<vmem>>, vector<1x16xf32>,
      %get3A_539 = vector.shape_cast %get3A_538 : vector<1x16xf32> to vector<16xf32>
      %get3A_540 = arith.index_cast %scan3A_441 : i32 to index
      %get3A_541 = arith.constant 96 : index
      %get3A_542 = tpu.vector_load %arg17[%get3A_540, %get3A_541] {strides = array<i32>} : memref<128x128xf32, #tpu.memory_space<vmem>>, vector<1x16xf32>,
      %get3A_543 = vector.shape_cast %get3A_542 : vector<1x16xf32> to vector<16xf32>
      %get3A_544 = arith.index_cast %scan3A_441 : i32 to index
      %get3A_545 = arith.constant 96 : index
      %get3A_546 = tpu.vector_load %arg18[%get3A_544, %get3A_545] {strides = array<i32>} : memref<128x128xf32, #tpu.memory_space<vmem>>, vector<1x16xf32>,
      %get3A_547 = vector.shape_cast %get3A_546 : vector<1x16xf32> to vector<16xf32>
      %sub3A_548 = arith.subf %get3A_539, %get3A_543 : vector<16xf32>
      %mul3A_549 = arith.mulf %get3A_547, %sub3A_548 : vector<16xf32>
      %add3A_550 = arith.addf %add3A_534, %mul3A_549 : vector<16xf32>
      %add3A_551 = arith.addf %add3A_535, %get3A_547 : vector<16xf32>
      %get3A_552 = arith.index_cast %scan3A_441 : i32 to index
      %get3A_553 = arith.constant 112 : index
      %get3A_554 = tpu.vector_load %arg16[%get3A_552, %get3A_553] {strides = array<i32>} : memref<128x128xf32, #tpu.memory_space<vmem>>, vector<1x16xf32>,
      %get3A_555 = vector.shape_cast %get3A_554 : vector<1x16xf32> to vector<16xf32>
      %get3A_556 = arith.index_cast %scan3A_441 : i32 to index
      %get3A_557 = arith.constant 112 : index
      %get3A_558 = tpu.vector_load %arg17[%get3A_556, %get3A_557] {strides = array<i32>} : memref<128x128xf32, #tpu.memory_space<vmem>>, vector<1x16xf32>,
      %get3A_559 = vector.shape_cast %get3A_558 : vector<1x16xf32> to vector<16xf32>
      %get3A_560 = arith.index_cast %scan3A_441 : i32 to index
      %get3A_561 = arith.constant 112 : index
      %get3A_562 = tpu.vector_load %arg18[%get3A_560, %get3A_561] {strides = array<i32>} : memref<128x128xf32, #tpu.memory_space<vmem>>, vector<1x16xf32>,
      %get3A_563 = vector.shape_cast %get3A_562 : vector<1x16xf32> to vector<16xf32>
      %sub3A_564 = arith.subf %get3A_555, %get3A_559 : vector<16xf32>
      %mul3A_565 = arith.mulf %get3A_563, %sub3A_564 : vector<16xf32>
      %add3A_566 = arith.addf %add3A_550, %mul3A_565 : vector<16xf32>
      %add3A_567 = arith.addf %add3A_551, %get3A_563 : vector<16xf32>
      %mul3A_568 = arith.constant 16 : i32
      %mul3A_569 = arith.muli %scan3A_441, %mul3A_568 : i32
      %swap3A_570 = arith.index_cast %mul3A_569 : i32 to index
      %swap3A_571 = tpu.vector_load %arg19[%swap3A_570] {strides = array<i32>} : memref<2048xf32, #tpu.memory_space<vmem>>, vector<16xf32>,
      %swap3A_572 = vector.shape_cast %swap3A_571 : vector<16xf32> to vector<16xf32>
      %swap3A_573 = vector.shape_cast %add3A_566 : vector<16xf32> to vector<16xf32>
      tpu.vector_store %arg19[%swap3A_570], %swap3A_573 {strides = array<i32>} : memref<2048xf32, #tpu.memory_space<vmem>>, vector<16xf32>,
      %mul3A_574 = arith.constant 16 : i32
      %mul3A_575 = arith.muli %scan3A_441, %mul3A_574 : i32
      %swap3A_576 = arith.index_cast %mul3A_575 : i32 to index
      %swap3A_577 = tpu.vector_load %arg20[%swap3A_576] {strides = array<i32>} : memref<2048xf32, #tpu.memory_space<vmem>>, vector<16xf32>,
      %swap3A_578 = vector.shape_cast %swap3A_577 : vector<16xf32> to vector<16xf32>
      %swap3A_579 = vector.shape_cast %add3A_567 : vector<16xf32> to vector<16xf32>
      tpu.vector_store %arg20[%swap3A_576], %swap3A_579 {strides = array<i32>} : memref<2048xf32, #tpu.memory_space<vmem>>, vector<16xf32>,
      %scan3A_580 = arith.constant 3 : i32
      %scan3A_581 = arith.addi %scan3A_164, %scan3A_580 : i32
      %get3A_582 = arith.index_cast %scan3A_581 : i32 to index
      %get3A_583 = arith.constant 0 : index
      %get3A_584 = tpu.vector_load %arg16[%get3A_582, %get3A_583] {strides = array<i32>} : memref<128x128xf32, #tpu.memory_space<vmem>>, vector<1x16xf32>,
      %get3A_585 = vector.shape_cast %get3A_584 : vector<1x16xf32> to vector<16xf32>
      %get3A_586 = arith.index_cast %scan3A_581 : i32 to index
      %get3A_587 = arith.constant 0 : index
      %get3A_588 = tpu.vector_load %arg17[%get3A_586, %get3A_587] {strides = array<i32>} : memref<128x128xf32, #tpu.memory_space<vmem>>, vector<1x16xf32>,
      %get3A_589 = vector.shape_cast %get3A_588 : vector<1x16xf32> to vector<16xf32>
      %get3A_590 = arith.index_cast %scan3A_581 : i32 to index
      %get3A_591 = arith.constant 0 : index
      %get3A_592 = tpu.vector_load %arg18[%get3A_590, %get3A_591] {strides = array<i32>} : memref<128x128xf32, #tpu.memory_space<vmem>>, vector<1x16xf32>,
      %get3A_593 = vector.shape_cast %get3A_592 : vector<1x16xf32> to vector<16xf32>
      %sub3A_594 = arith.subf %get3A_585, %get3A_589 : vector<16xf32>
      %mul3A_595 = arith.mulf %get3A_593, %sub3A_594 : vector<16xf32>
      %get3A_596 = arith.index_cast %scan3A_581 : i32 to index
      %get3A_597 = arith.constant 16 : index
      %get3A_598 = tpu.vector_load %arg16[%get3A_596, %get3A_597] {strides = array<i32>} : memref<128x128xf32, #tpu.memory_space<vmem>>, vector<1x16xf32>,
      %get3A_599 = vector.shape_cast %get3A_598 : vector<1x16xf32> to vector<16xf32>
      %get3A_600 = arith.index_cast %scan3A_581 : i32 to index
      %get3A_601 = arith.constant 16 : index
      %get3A_602 = tpu.vector_load %arg17[%get3A_600, %get3A_601] {strides = array<i32>} : memref<128x128xf32, #tpu.memory_space<vmem>>, vector<1x16xf32>,
      %get3A_603 = vector.shape_cast %get3A_602 : vector<1x16xf32> to vector<16xf32>
      %get3A_604 = arith.index_cast %scan3A_581 : i32 to index
      %get3A_605 = arith.constant 16 : index
      %get3A_606 = tpu.vector_load %arg18[%get3A_604, %get3A_605] {strides = array<i32>} : memref<128x128xf32, #tpu.memory_space<vmem>>, vector<1x16xf32>,
      %get3A_607 = vector.shape_cast %get3A_606 : vector<1x16xf32> to vector<16xf32>
      %sub3A_608 = arith.subf %get3A_599, %get3A_603 : vector<16xf32>
      %mul3A_609 = arith.mulf %get3A_607, %sub3A_608 : vector<16xf32>
      %add3A_610 = arith.addf %mul3A_595, %mul3A_609 : vector<16xf32>
      %add3A_611 = arith.addf %get3A_593, %get3A_607 : vector<16xf32>
      %get3A_612 = arith.index_cast %scan3A_581 : i32 to index
      %get3A_613 = arith.constant 32 : index
      %get3A_614 = tpu.vector_load %arg16[%get3A_612, %get3A_613] {strides = array<i32>} : memref<128x128xf32, #tpu.memory_space<vmem>>, vector<1x16xf32>,
      %get3A_615 = vector.shape_cast %get3A_614 : vector<1x16xf32> to vector<16xf32>
      %get3A_616 = arith.index_cast %scan3A_581 : i32 to index
      %get3A_617 = arith.constant 32 : index
      %get3A_618 = tpu.vector_load %arg17[%get3A_616, %get3A_617] {strides = array<i32>} : memref<128x128xf32, #tpu.memory_space<vmem>>, vector<1x16xf32>,
      %get3A_619 = vector.shape_cast %get3A_618 : vector<1x16xf32> to vector<16xf32>
      %get3A_620 = arith.index_cast %scan3A_581 : i32 to index
      %get3A_621 = arith.constant 32 : index
      %get3A_622 = tpu.vector_load %arg18[%get3A_620, %get3A_621] {strides = array<i32>} : memref<128x128xf32, #tpu.memory_space<vmem>>, vector<1x16xf32>,
      %get3A_623 = vector.shape_cast %get3A_622 : vector<1x16xf32> to vector<16xf32>
      %sub3A_624 = arith.subf %get3A_615, %get3A_619 : vector<16xf32>
      %mul3A_625 = arith.mulf %get3A_623, %sub3A_624 : vector<16xf32>
      %add3A_626 = arith.addf %add3A_610, %mul3A_625 : vector<16xf32>
      %add3A_627 = arith.addf %add3A_611, %get3A_623 : vector<16xf32>
      %get3A_628 = arith.index_cast %scan3A_581 : i32 to index
      %get3A_629 = arith.constant 48 : index
      %get3A_630 = tpu.vector_load %arg16[%get3A_628, %get3A_629] {strides = array<i32>} : memref<128x128xf32, #tpu.memory_space<vmem>>, vector<1x16xf32>,
      %get3A_631 = vector.shape_cast %get3A_630 : vector<1x16xf32> to vector<16xf32>
      %get3A_632 = arith.index_cast %scan3A_581 : i32 to index
      %get3A_633 = arith.constant 48 : index
      %get3A_634 = tpu.vector_load %arg17[%get3A_632, %get3A_633] {strides = array<i32>} : memref<128x128xf32, #tpu.memory_space<vmem>>, vector<1x16xf32>,
      %get3A_635 = vector.shape_cast %get3A_634 : vector<1x16xf32> to vector<16xf32>
      %get3A_636 = arith.index_cast %scan3A_581 : i32 to index
      %get3A_637 = arith.constant 48 : index
      %get3A_638 = tpu.vector_load %arg18[%get3A_636, %get3A_637] {strides = array<i32>} : memref<128x128xf32, #tpu.memory_space<vmem>>, vector<1x16xf32>,
      %get3A_639 = vector.shape_cast %get3A_638 : vector<1x16xf32> to vector<16xf32>
      %sub3A_640 = arith.subf %get3A_631, %get3A_635 : vector<16xf32>
      %mul3A_641 = arith.mulf %get3A_639, %sub3A_640 : vector<16xf32>
      %add3A_642 = arith.addf %add3A_626, %mul3A_641 : vector<16xf32>
      %add3A_643 = arith.addf %add3A_627, %get3A_639 : vector<16xf32>
      %get3A_644 = arith.index_cast %scan3A_581 : i32 to index
      %get3A_645 = arith.constant 64 : index
      %get3A_646 = tpu.vector_load %arg16[%get3A_644, %get3A_645] {strides = array<i32>} : memref<128x128xf32, #tpu.memory_space<vmem>>, vector<1x16xf32>,
      %get3A_647 = vector.shape_cast %get3A_646 : vector<1x16xf32> to vector<16xf32>
      %get3A_648 = arith.index_cast %scan3A_581 : i32 to index
      %get3A_649 = arith.constant 64 : index
      %get3A_650 = tpu.vector_load %arg17[%get3A_648, %get3A_649] {strides = array<i32>} : memref<128x128xf32, #tpu.memory_space<vmem>>, vector<1x16xf32>,
      %get3A_651 = vector.shape_cast %get3A_650 : vector<1x16xf32> to vector<16xf32>
      %get3A_652 = arith.index_cast %scan3A_581 : i32 to index
      %get3A_653 = arith.constant 64 : index
      %get3A_654 = tpu.vector_load %arg18[%get3A_652, %get3A_653] {strides = array<i32>} : memref<128x128xf32, #tpu.memory_space<vmem>>, vector<1x16xf32>,
      %get3A_655 = vector.shape_cast %get3A_654 : vector<1x16xf32> to vector<16xf32>
      %sub3A_656 = arith.subf %get3A_647, %get3A_651 : vector<16xf32>
      %mul3A_657 = arith.mulf %get3A_655, %sub3A_656 : vector<16xf32>
      %add3A_658 = arith.addf %add3A_642, %mul3A_657 : vector<16xf32>
      %add3A_659 = arith.addf %add3A_643, %get3A_655 : vector<16xf32>
      %get3A_660 = arith.index_cast %scan3A_581 : i32 to index
      %get3A_661 = arith.constant 80 : index
      %get3A_662 = tpu.vector_load %arg16[%get3A_660, %get3A_661] {strides = array<i32>} : memref<128x128xf32, #tpu.memory_space<vmem>>, vector<1x16xf32>,
      %get3A_663 = vector.shape_cast %get3A_662 : vector<1x16xf32> to vector<16xf32>
      %get3A_664 = arith.index_cast %scan3A_581 : i32 to index
      %get3A_665 = arith.constant 80 : index
      %get3A_666 = tpu.vector_load %arg17[%get3A_664, %get3A_665] {strides = array<i32>} : memref<128x128xf32, #tpu.memory_space<vmem>>, vector<1x16xf32>,
      %get3A_667 = vector.shape_cast %get3A_666 : vector<1x16xf32> to vector<16xf32>
      %get3A_668 = arith.index_cast %scan3A_581 : i32 to index
      %get3A_669 = arith.constant 80 : index
      %get3A_670 = tpu.vector_load %arg18[%get3A_668, %get3A_669] {strides = array<i32>} : memref<128x128xf32, #tpu.memory_space<vmem>>, vector<1x16xf32>,
      %get3A_671 = vector.shape_cast %get3A_670 : vector<1x16xf32> to vector<16xf32>
      %sub3A_672 = arith.subf %get3A_663, %get3A_667 : vector<16xf32>
      %mul3A_673 = arith.mulf %get3A_671, %sub3A_672 : vector<16xf32>
      %add3A_674 = arith.addf %add3A_658, %mul3A_673 : vector<16xf32>
      %add3A_675 = arith.addf %add3A_659, %get3A_671 : vector<16xf32>
      %get3A_676 = arith.index_cast %scan3A_581 : i32 to index
      %get3A_677 = arith.constant 96 : index
      %get3A_678 = tpu.vector_load %arg16[%get3A_676, %get3A_677] {strides = array<i32>} : memref<128x128xf32, #tpu.memory_space<vmem>>, vector<1x16xf32>,
      %get3A_679 = vector.shape_cast %get3A_678 : vector<1x16xf32> to vector<16xf32>
      %get3A_680 = arith.index_cast %scan3A_581 : i32 to index
      %get3A_681 = arith.constant 96 : index
      %get3A_682 = tpu.vector_load %arg17[%get3A_680, %get3A_681] {strides = array<i32>} : memref<128x128xf32, #tpu.memory_space<vmem>>, vector<1x16xf32>,
      %get3A_683 = vector.shape_cast %get3A_682 : vector<1x16xf32> to vector<16xf32>
      %get3A_684 = arith.index_cast %scan3A_581 : i32 to index
      %get3A_685 = arith.constant 96 : index
      %get3A_686 = tpu.vector_load %arg18[%get3A_684, %get3A_685] {strides = array<i32>} : memref<128x128xf32, #tpu.memory_space<vmem>>, vector<1x16xf32>,
      %get3A_687 = vector.shape_cast %get3A_686 : vector<1x16xf32> to vector<16xf32>
      %sub3A_688 = arith.subf %get3A_679, %get3A_683 : vector<16xf32>
      %mul3A_689 = arith.mulf %get3A_687, %sub3A_688 : vector<16xf32>
      %add3A_690 = arith.addf %add3A_674, %mul3A_689 : vector<16xf32>
      %add3A_691 = arith.addf %add3A_675, %get3A_687 : vector<16xf32>
      %get3A_692 = arith.index_cast %scan3A_581 : i32 to index
      %get3A_693 = arith.constant 112 : index
      %get3A_694 = tpu.vector_load %arg16[%get3A_692, %get3A_693] {strides = array<i32>} : memref<128x128xf32, #tpu.memory_space<vmem>>, vector<1x16xf32>,
      %get3A_695 = vector.shape_cast %get3A_694 : vector<1x16xf32> to vector<16xf32>
      %get3A_696 = arith.index_cast %scan3A_581 : i32 to index
      %get3A_697 = arith.constant 112 : index
      %get3A_698 = tpu.vector_load %arg17[%get3A_696, %get3A_697] {strides = array<i32>} : memref<128x128xf32, #tpu.memory_space<vmem>>, vector<1x16xf32>,
      %get3A_699 = vector.shape_cast %get3A_698 : vector<1x16xf32> to vector<16xf32>
      %get3A_700 = arith.index_cast %scan3A_581 : i32 to index
      %get3A_701 = arith.constant 112 : index
      %get3A_702 = tpu.vector_load %arg18[%get3A_700, %get3A_701] {strides = array<i32>} : memref<128x128xf32, #tpu.memory_space<vmem>>, vector<1x16xf32>,
      %get3A_703 = vector.shape_cast %get3A_702 : vector<1x16xf32> to vector<16xf32>
      %sub3A_704 = arith.subf %get3A_695, %get3A_699 : vector<16xf32>
      %mul3A_705 = arith.mulf %get3A_703, %sub3A_704 : vector<16xf32>
      %add3A_706 = arith.addf %add3A_690, %mul3A_705 : vector<16xf32>
      %add3A_707 = arith.addf %add3A_691, %get3A_703 : vector<16xf32>
      %mul3A_708 = arith.constant 16 : i32
      %mul3A_709 = arith.muli %scan3A_581, %mul3A_708 : i32
      %swap3A_710 = arith.index_cast %mul3A_709 : i32 to index
      %swap3A_711 = tpu.vector_load %arg19[%swap3A_710] {strides = array<i32>} : memref<2048xf32, #tpu.memory_space<vmem>>, vector<16xf32>,
      %swap3A_712 = vector.shape_cast %swap3A_711 : vector<16xf32> to vector<16xf32>
      %swap3A_713 = vector.shape_cast %add3A_706 : vector<16xf32> to vector<16xf32>
      tpu.vector_store %arg19[%swap3A_710], %swap3A_713 {strides = array<i32>} : memref<2048xf32, #tpu.memory_space<vmem>>, vector<16xf32>,
      %mul3A_714 = arith.constant 16 : i32
      %mul3A_715 = arith.muli %scan3A_581, %mul3A_714 : i32
      %swap3A_716 = arith.index_cast %mul3A_715 : i32 to index
      %swap3A_717 = tpu.vector_load %arg20[%swap3A_716] {strides = array<i32>} : memref<2048xf32, #tpu.memory_space<vmem>>, vector<16xf32>,
      %swap3A_718 = vector.shape_cast %swap3A_717 : vector<16xf32> to vector<16xf32>
      %swap3A_719 = vector.shape_cast %add3A_707 : vector<16xf32> to vector<16xf32>
      tpu.vector_store %arg20[%swap3A_716], %swap3A_719 {strides = array<i32>} : memref<2048xf32, #tpu.memory_space<vmem>>, vector<16xf32>,
    }
    %scan3A_157 = arith.constant 128 : i32
    %add3A_158 = arith.constant 384 : i32
    %add3A_159 = arith.addi %mul3A_2, %add3A_158 : i32
    %mul3A_160 = arith.constant 16 : i32
    %mul3A_161 = arith.muli %add3A_159, %mul3A_160 : i32
    "tpu.region"() ({
      %run_scoped3A = tpu.sem_alloc : memref<!tpu.dma_semaphore, #tpu.memory_space<semaphore_mem>>
      %dma_start3A_164 = tpu.memref_slice %arg8[%mul3A_161] : memref<262144xf32, #tpu.memory_space<hbm>> -> memref<2048xf32, #tpu.memory_space<hbm>>
      %dma_start3A_165 = tpu.memref_slice %arg8[%mul3A_161] : memref<262144xf32, #tpu.memory_space<hbm>> -> memref<2048xf32, #tpu.memory_space<hbm>>
      tpu.enqueue_dma source(%arg19 : memref<2048xf32, #tpu.memory_space<vmem>>) target(%dma_start3A_165 : memref<2048xf32, #tpu.memory_space<hbm>>) target_semaphore(%run_scoped3A : memref<!tpu.dma_semaphore, #tpu.memory_space<semaphore_mem>>)
      %dma_wait3A_166 = tpu.memref_slice %arg8[%mul3A_161] : memref<262144xf32, #tpu.memory_space<hbm>> -> memref<2048xf32, #tpu.memory_space<hbm>>
      %dma_wait3A_167 = tpu.memref_slice %arg8[%mul3A_161] : memref<262144xf32, #tpu.memory_space<hbm>> -> memref<2048xf32, #tpu.memory_space<hbm>>
      tpu.wait_dma2 semaphore(%run_scoped3A : memref<!tpu.dma_semaphore, #tpu.memory_space<semaphore_mem>>) src(%arg19 : memref<2048xf32, #tpu.memory_space<vmem>>) dst(%dma_wait3A_167 : memref<2048xf32, #tpu.memory_space<hbm>>)
      tpu.yield
    }) : () -> ()
    "tpu.region"() ({
      %run_scoped3A = tpu.sem_alloc : memref<!tpu.dma_semaphore, #tpu.memory_space<semaphore_mem>>
      %dma_start3A_164 = tpu.memref_slice %arg9[%mul3A_161] : memref<262144xf32, #tpu.memory_space<hbm>> -> memref<2048xf32, #tpu.memory_space<hbm>>
      %dma_start3A_165 = tpu.memref_slice %arg9[%mul3A_161] : memref<262144xf32, #tpu.memory_space<hbm>> -> memref<2048xf32, #tpu.memory_space<hbm>>
      tpu.enqueue_dma source(%arg20 : memref<2048xf32, #tpu.memory_space<vmem>>) target(%dma_start3A_165 : memref<2048xf32, #tpu.memory_space<hbm>>) target_semaphore(%run_scoped3A : memref<!tpu.dma_semaphore, #tpu.memory_space<semaphore_mem>>)
      %dma_wait3A_166 = tpu.memref_slice %arg9[%mul3A_161] : memref<262144xf32, #tpu.memory_space<hbm>> -> memref<2048xf32, #tpu.memory_space<hbm>>
      %dma_wait3A_167 = tpu.memref_slice %arg9[%mul3A_161] : memref<262144xf32, #tpu.memory_space<hbm>> -> memref<2048xf32, #tpu.memory_space<hbm>>
      tpu.wait_dma2 semaphore(%run_scoped3A : memref<!tpu.dma_semaphore, #tpu.memory_space<semaphore_mem>>) src(%arg20 : memref<2048xf32, #tpu.memory_space<vmem>>) dst(%dma_wait3A_167 : memref<2048xf32, #tpu.memory_space<hbm>>)
      tpu.yield
    }) : () -> ()
    %dma_wait3A_162 = arith.constant 0 : i32
    %dma_wait3A_163 = tpu.memref_slice %arg6[%dma_wait3A_162] : memref<10000xf32, #tpu.memory_space<hbm>> -> memref<10000xf32, #tpu.memory_space<hbm>>
    tpu.wait_indirect_dma semaphore(%arg24 : memref<!tpu.dma_semaphore, #tpu.memory_space<semaphore_mem>>) src(%dma_wait3A_163 : memref<10000xf32, #tpu.memory_space<hbm>>) dst(%arg21 : memref<512xf32, #tpu.memory_space<vmem>>)
    "tpu.region"() ({
      %run_scoped3A = tpu.sem_alloc : memref<!tpu.dma_semaphore, #tpu.memory_space<semaphore_mem>>
      %dma_start3A_164 = tpu.memref_slice %arg10[%mul3A_2] : memref<16384xf32, #tpu.memory_space<hbm>> -> memref<512xf32, #tpu.memory_space<hbm>>
      %dma_start3A_165 = tpu.memref_slice %arg10[%mul3A_2] : memref<16384xf32, #tpu.memory_space<hbm>> -> memref<512xf32, #tpu.memory_space<hbm>>
      tpu.enqueue_dma source(%arg21 : memref<512xf32, #tpu.memory_space<vmem>>) target(%dma_start3A_165 : memref<512xf32, #tpu.memory_space<hbm>>) target_semaphore(%run_scoped3A : memref<!tpu.dma_semaphore, #tpu.memory_space<semaphore_mem>>)
      %dma_wait3A_166 = tpu.memref_slice %arg10[%mul3A_2] : memref<16384xf32, #tpu.memory_space<hbm>> -> memref<512xf32, #tpu.memory_space<hbm>>
      %dma_wait3A_167 = tpu.memref_slice %arg10[%mul3A_2] : memref<16384xf32, #tpu.memory_space<hbm>> -> memref<512xf32, #tpu.memory_space<hbm>>
      tpu.wait_dma2 semaphore(%run_scoped3A : memref<!tpu.dma_semaphore, #tpu.memory_space<semaphore_mem>>) src(%arg21 : memref<512xf32, #tpu.memory_space<vmem>>) dst(%dma_wait3A_167 : memref<512xf32, #tpu.memory_space<hbm>>)
      tpu.yield
    }) : () -> ()
    return
  }
}

module attributes {stable_mosaic.version = 14 : i64} {
  func.func @_tc_tables(%arg0: i32, %arg1: memref<2000x32xf32, #tpu.memory_space<vmem>>, %arg2: memref<2000x32xf32, #tpu.memory_space<vmem>>, %arg3: memref<128x32xf32, #tpu.memory_space<vmem>>, %arg4: memref<2000x128xf32, #tpu.memory_space<vmem>>, %arg5: memref<2000x128xf32, #tpu.memory_space<vmem>>) attributes {dimension_semantics = [#tpu.dimension_semantics<arbitrary>], iteration_bounds = array<i64: 5>, scalar_prefetch = 0 : i64, scratch_operands = 0 : i64, tpu.core_type = #tpu.core_type<tc>, window_params = [{transform_indices = @transform_0, window_bounds = array<i64: 2000, 32>}, {transform_indices = @transform_1, window_bounds = array<i64: 2000, 32>}, {pipeline_mode = #tpu.pipeline_mode<synchronous>, transform_indices = @transform_2, window_bounds = array<i64: 128, 32>}, {transform_indices = @transform_3, window_bounds = array<i64: 2000, 128>}, {transform_indices = @transform_4, window_bounds = array<i64: 2000, 128>}]} {
    %get3A = arith.constant 0 : index
    %get3A_0 = arith.constant 0 : index
    %get3A_1 = vector.load %arg3[%get3A, %get3A_0] : memref<128x32xf32, #tpu.memory_space<vmem>>, vector<128x32xf32>
    %get3A_2 = arith.constant 0 : index
    %get3A_3 = arith.constant 0 : index
    %get3A_4 = vector.load %arg1[%get3A_2, %get3A_3] : memref<2000x32xf32, #tpu.memory_space<vmem>>, vector<2000x32xf32>
    %dot_general3A = arith.constant dense<0.000000e+00> : vector<2000x128xf32>
    %dot_general3A_5 = tpu.matmul %get3A_4, %get3A_1, %dot_general3A {dimension_numbers = #tpu.dot_dimension_numbers<[1], [1], [0], [0], [0, 0, 1, 0], [], []>, transpose_lhs_hint = false} : vector<2000x32xf32>, vector<128x32xf32>, vector<2000x128xf32> -> vector<2000x128xf32>
    %logistic3A = arith.negf %dot_general3A_5 : vector<2000x128xf32>
    %logistic3A_6 = math.exp %logistic3A : vector<2000x128xf32>
    %logistic3A_7 = arith.constant 1.000000e+00 : f32
    %logistic3A_8 = vector.broadcast %logistic3A_7 : f32 to vector<2000x128xf32>
    %logistic3A_9 = arith.addf %logistic3A_8, %logistic3A_6 : vector<2000x128xf32>
    %logistic3A_10 = arith.divf %logistic3A_8, %logistic3A_9 : vector<2000x128xf32>
    %swap3A = arith.constant 0 : index
    %swap3A_11 = arith.constant 0 : index
    %swap3A_12 = vector.load %arg4[%swap3A, %swap3A_11] : memref<2000x128xf32, #tpu.memory_space<vmem>>, vector<2000x128xf32>
    tpu.vector_store %arg4[%swap3A, %swap3A_11], %logistic3A_10 {strides = array<i32>} : memref<2000x128xf32, #tpu.memory_space<vmem>>, vector<2000x128xf32>,
    %get3A_13 = arith.constant 0 : index
    %get3A_14 = arith.constant 0 : index
    %get3A_15 = vector.load %arg2[%get3A_13, %get3A_14] : memref<2000x32xf32, #tpu.memory_space<vmem>>, vector<2000x32xf32>
    %dot_general3A_16 = arith.constant dense<0.000000e+00> : vector<2000x128xf32>
    %dot_general3A_17 = tpu.matmul %get3A_15, %get3A_1, %dot_general3A_16 {dimension_numbers = #tpu.dot_dimension_numbers<[1], [1], [0], [0], [0, 0, 1, 0], [], []>, transpose_lhs_hint = false} : vector<2000x32xf32>, vector<128x32xf32>, vector<2000x128xf32> -> vector<2000x128xf32>
    %swap3A_18 = arith.constant 0 : index
    %swap3A_19 = arith.constant 0 : index
    %swap3A_20 = vector.load %arg5[%swap3A_18, %swap3A_19] : memref<2000x128xf32, #tpu.memory_space<vmem>>, vector<2000x128xf32>
    tpu.vector_store %arg5[%swap3A_18, %swap3A_19], %dot_general3A_17 {strides = array<i32>} : memref<2000x128xf32, #tpu.memory_space<vmem>>, vector<2000x128xf32>,
    return
  }
  func.func @transform_0(%arg0: i32) -> (i32, i32) {
    %c0_i32 = arith.constant 0 : i32
    %c0_i32_0 = arith.constant 0 : i32
    return %arg0, %c0_i32 : i32, i32
  }
  func.func @transform_1(%arg0: i32) -> (i32, i32) {
    %c0_i32 = arith.constant 0 : i32
    %c0_i32_0 = arith.constant 0 : i32
    return %arg0, %c0_i32 : i32, i32
  }
  func.func @transform_2(%arg0: i32) -> (i32, i32) {
    %c0_i32 = arith.constant 0 : i32
    %c0_i32_0 = arith.constant 0 : i32
    %c0_i32_1 = arith.constant 0 : i32
    return %c0_i32, %c0_i32_0 : i32, i32
  }
  func.func @transform_3(%arg0: i32) -> (i32, i32) {
    %c0_i32 = arith.constant 0 : i32
    %c0_i32_0 = arith.constant 0 : i32
    return %arg0, %c0_i32 : i32, i32
  }
  func.func @transform_4(%arg0: i32) -> (i32, i32) {
    %c0_i32 = arith.constant 0 : i32
    %c0_i32_0 = arith.constant 0 : i32
    return %arg0, %c0_i32 : i32, i32
  }
}

module attributes {stable_mosaic.version = 14 : i64} {
  func.func @_tc_tail(%arg0: memref<2048x128xf32, #tpu.memory_space<vmem>>, %arg1: memref<2048x128xf32, #tpu.memory_space<vmem>>, %arg2: memref<2048x8xf32, #tpu.memory_space<vmem>>, %arg3: memref<128x8xf32, #tpu.memory_space<vmem>>, %arg4: memref<2048x8xf32, #tpu.memory_space<vmem>>) attributes {dimension_semantics = [], scalar_prefetch = 0 : i64, scratch_operands = 0 : i64, tpu.core_type = #tpu.core_type<tc>} {
    %get3A = arith.constant 0 : index
    %get3A_0 = arith.constant 0 : index
    %get3A_1 = vector.load %arg3[%get3A, %get3A_0] : memref<128x8xf32, #tpu.memory_space<vmem>>, vector<128x8xf32>
    %get3A_2 = arith.constant 0 : index
    %get3A_3 = arith.constant 0 : index
    %get3A_4 = vector.load %arg0[%get3A_2, %get3A_3] : memref<2048x128xf32, #tpu.memory_space<vmem>>, vector<2048x128xf32>
    %dot_general3A = arith.constant dense<0.000000e+00> : vector<2048x8xf32>
    %dot_general3A_5 = tpu.matmul %get3A_4, %get3A_1, %dot_general3A {dimension_numbers = #tpu.dot_dimension_numbers<[1], [0], [0], [1], [0, 0, 1, 1], [], []>, transpose_lhs_hint = false} : vector<2048x128xf32>, vector<128x8xf32>, vector<2048x8xf32> -> vector<2048x8xf32>
    %get3A_6 = arith.constant 0 : index
    %get3A_7 = arith.constant 0 : index
    %get3A_8 = vector.load %arg1[%get3A_6, %get3A_7] : memref<2048x128xf32, #tpu.memory_space<vmem>>, vector<2048x128xf32>
    %dot_general3A_9 = arith.constant dense<0.000000e+00> : vector<2048x8xf32>
    %dot_general3A_10 = tpu.matmul %get3A_8, %get3A_1, %dot_general3A_9 {dimension_numbers = #tpu.dot_dimension_numbers<[1], [0], [0], [1], [0, 0, 1, 1], [], []>, transpose_lhs_hint = false} : vector<2048x128xf32>, vector<128x8xf32>, vector<2048x8xf32> -> vector<2048x8xf32>
    %get3A_11 = arith.constant 0 : index
    %get3A_12 = arith.constant 0 : index
    %get3A_13 = vector.load %arg2[%get3A_11, %get3A_12] : memref<2048x8xf32, #tpu.memory_space<vmem>>, vector<2048x8xf32>
    %logistic3A = arith.negf %get3A_13 : vector<2048x8xf32>
    %logistic3A_14 = math.exp %logistic3A : vector<2048x8xf32>
    %logistic3A_15 = arith.constant 1.000000e+00 : f32
    %logistic3A_16 = vector.broadcast %logistic3A_15 : f32 to vector<2048x8xf32>
    %logistic3A_17 = arith.addf %logistic3A_16, %logistic3A_14 : vector<2048x8xf32>
    %logistic3A_18 = arith.divf %logistic3A_16, %logistic3A_17 : vector<2048x8xf32>
    %mul3A = arith.mulf %logistic3A_18, %dot_general3A_5 : vector<2048x8xf32>
    %div3A = arith.divf %mul3A, %dot_general3A_10 : vector<2048x8xf32>
    %logistic3A_19 = arith.negf %div3A : vector<2048x8xf32>
    %logistic3A_20 = math.exp %logistic3A_19 : vector<2048x8xf32>
    %logistic3A_21 = arith.constant 1.000000e+00 : f32
    %logistic3A_22 = vector.broadcast %logistic3A_21 : f32 to vector<2048x8xf32>
    %logistic3A_23 = arith.addf %logistic3A_22, %logistic3A_20 : vector<2048x8xf32>
    %logistic3A_24 = arith.divf %logistic3A_22, %logistic3A_23 : vector<2048x8xf32>
    %swap3A = arith.constant 0 : index
    %swap3A_25 = arith.constant 0 : index
    %swap3A_26 = vector.load %arg4[%swap3A, %swap3A_25] : memref<2048x8xf32, #tpu.memory_space<vmem>>, vector<2048x8xf32>
    tpu.vector_store %arg4[%swap3A, %swap3A_25], %logistic3A_24 {strides = array<i32>} : memref<2048x8xf32, #tpu.memory_space<vmem>>, vector<2048x8xf32>,
    return
  }
}

</mosaic_0001>

<sc_bundles>
// kernel: kernel.5.cloned.1.call-start
scs
__scs_entry_jumppad:
0x0: {  	(pc) =	sbr.rel $0x88, $3  }
0x1: {  	(tag) =	ssettag $0x0;
	lr =	simm.s32 $0x1  }
0x2: {  	[smem:$0x3F9A] =	sst lr;
	_ =	strace $0xD0000000  }
0x3: {  	_ = 	snop  }
0x4: {  	_ = 	snop  }
0x5: {  	_ = 	snop  }
0x6: {  	_ = 	snop  }
0x7: {  	_ = 	snop  }
__scs_overlays_trampoline_lowered:
0x8: {  	[smem:$0x3FA9] =	sst s0  }
0x9: {  	[smem:$0x3FAA] =	sst s1  }
0xa: {  	[smem:$0x3FAB] =	sst s2  }
0xb: {  	[smem:$0x3FAC] =	sst s3  }
0xc: {  	[smem:$0x3FAD] =	sst s4  }
0xd: {  	[smem:$0x3FAE] =	sst s5  }
0xe: {  	[smem:$0x3FAF] =	sst s6  }
0xf: {  	[smem:$0x3FB0] =	sst s7  }
0x10: {  	[smem:$0x3FB1] =	sst s8  }
0x11: {  	[smem:$0x3FB2] =	sst s9;
	s0 =	simm.s32 @!p0 $0x0  }
0x12: {  	s1 =	sld [smem:$0x3F98];
	s0 =	simm.s32 @p0 $0x1  }
0x13: {  	[smem:$0x3FB3] =	sst s0;
	s0 =	simm.s32 @!p1 $0x0  }
0x14: {  	s2 =	sld [smem:$0x3F97];
	s0 =	simm.s32 @p1 $0x1  }
0x15: {  	[smem:$0x3FB4] =	sst s0;
	s0 =	simm.s32 @!p2 $0x0  }
0x16: {  	s3 =	sld [smem:$0x3FDB];
	s0 =	simm.s32 @p2 $0x1  }
0x17: {  	s4 =	simm.s32 $0x1BF5;
	[smem:$0x3FB6] =	sst s0  }
0x18: {  	s0 =	sld [smem:$0x3F99];
	_ =	swait.ge [sflag:s4], $0x0  }
0x19: {  	s7 =	sld [smem:$0x3F9A]  }
0x1a: {  	s8 =	sadd.s32 $0xFFFFE003, lr  }
0x1b: {  	s9 =	sadd.s32 $0xFFFFFEF7, lr;
	s5 =	simm.s32 $0xFFFFFFFF;
	p2 =	slt.u32 s8, $0xFFFFF086  }
0x1c: {  	p1 =	slt.u32 s9, $0xF7A;
	s5 =	simm.s32 @!p2 $0x0  }
0x1d: {  	s5 =	simm.s32 @p1 $0x1;
	p0 =	seq.s32 s7, s2  }
0x1e: {  	s7 =	smul.u32 @!p0 $0xF7A, s2;
	p2 =	seq.s32 @!p0 s5, $0x0  }
0x1f: {  	s9 =	smul.u32 $0xF7A, s1;
	s8 =	simm.s32 @!p0 $0x1BF5;
	p2 =	por !p2, p0  }
0x20: {  	[sflag:s8] =	ssyncset.s32 @!p0 $0xFFFFF086;
	s6 =	sadd.s32 @!p0 s3, s7;
	s7 =	simm.s32 @!p0 $0x108  }
0x21: {  	s3 =	sadd.s32 s3, s9;
	s6 =	sadd.s32 @!p0 $0x88, s6;
	s7 =	simm.s32 @p2 $0x1082  }
0x22: {  	[simem:s7], [sflag:s8] =	dma.local @!p0 [hbm:s6], $0xF7A  }
0x23: {  	s9 =	sor.u32 $0xD0000000, s2;
	s6 =	simm.s32 $0x108;
	_ =	swait.ge @!p0 [sflag:s8], $0x0  }
0x24: {  	s3 =	sadd.s32 $0x88, s3;
	s6 =	simm.s32 @!p1 $0x1082;
	[sflag:s4] =	ssyncset.s32 $0xFFFFF086  }
0x25: {  	[simem:s6], [sflag:s4] =	dma.local [hbm:s3], $0xF7A  }
0x26: {  	[smem:$0x3F9A] =	sst s1;
	(tag) =	ssettag s2;
	_ =	strace s9  }
0x27: {  	s1 =	sld [smem:$0x3FAA]  }
0x28: {  	s2 =	sld [smem:$0x3FAB]  }
0x29: {  	s4 =	sld [smem:$0x3FAD]  }
0x2a: {  	p0 =	seq.s32 s5, $0x0;
	s5 =	sld [smem:$0x3FAE]  }
0x2b: {  	s6 =	sld [smem:$0x3FAF]  }
0x2c: {  	s7 =	sld [smem:$0x3FB0]  }
0x2d: {  	s3 =	simm.s32 $0x108;
	s8 =	sld [smem:$0x3FB1]  }
0x2e: {  	s3 =	simm.s32 @!p0 $0x1082;
	s9 =	sld [smem:$0x3FB2]  }
0x2f: {  	lr =	sadd.s32 s0, s3;
	s0 =	sld [smem:$0x3FA9]  }
0x30: {  	s3 =	sld [smem:$0x3FAC]  }
0x31: {  	[smem:$0x3FB5] =	sst s10  }
0x32: {  	s10 =	sld [smem:$0x3FB3];
	_ =	sdelay $0x3  }
0x33: {  	p0 =	seq.s32 s10, $0x1;
	s10 =	sld [smem:$0x3FB5];
	_ =	sdelay $0x3  }
0x34: {  	[smem:$0x3FB5] =	sst s10  }
0x35: {  	s10 =	sld [smem:$0x3FB4];
	_ =	sdelay $0x3  }
0x36: {  	p1 =	seq.s32 s10, $0x1;
	s10 =	sld [smem:$0x3FB5];
	_ =	sdelay $0x3  }
0x37: {  	[smem:$0x3FB5] =	sst s10  }
0x38: {  	s10 =	sld [smem:$0x3FB6]  }
0x39: {  	_ = 	snop;
	(pc) =	sbr.ind lr, $3  }
0x3a: {  	_ = 	snop  }
0x3b: {  	_ = 	snop  }
0x3c: {  	p2 =	seq.s32 s10, $0x1;
	s10 =	sld [smem:$0x3FB5]  }
0x3d: {  	_ =	shalt  }
0x3e: {  	_ =	shalt  }
0x3f: {  	_ =	shalt  }
0x40: {  	_ =	shalt  }
0x41: {  	_ =	shalt  }
0x42: {  	_ =	shalt  }
0x43: {  	_ =	shalt  }
0x44: {  	_ =	shalt  }
0x45: {  	_ =	shalt  }
0x46: {  	_ =	shalt  }
0x47: {  	_ =	shalt  }
0x48: {  	_ =	shalt  }
0x49: {  	_ =	shalt  }
0x4a: {  	_ =	shalt  }
0x4b: {  	_ =	shalt  }
0x4c: {  	_ =	shalt  }
0x4d: {  	_ =	shalt  }
0x4e: {  	_ =	shalt  }
0x4f: {  	_ =	shalt  }
0x50: {  	_ =	shalt  }
0x51: {  	_ =	shalt  }
0x52: {  	_ =	shalt  }
0x53: {  	_ =	shalt  }
0x54: {  	_ =	shalt  }
0x55: {  	_ =	shalt  }
0x56: {  	_ =	shalt  }
0x57: {  	_ =	shalt  }
0x58: {  	_ =	shalt  }
0x59: {  	_ =	shalt  }
0x5a: {  	_ =	shalt  }
0x5b: {  	_ =	shalt  }
0x5c: {  	_ =	shalt  }
0x5d: {  	_ =	shalt  }
0x5e: {  	_ =	shalt  }
0x5f: {  	_ =	shalt  }
0x60: {  	_ =	shalt  }
0x61: {  	_ =	shalt  }
0x62: {  	_ =	shalt  }
0x63: {  	_ =	shalt  }
0x64: {  	_ =	shalt  }
0x65: {  	_ =	shalt  }
0x66: {  	_ =	shalt  }
0x67: {  	_ =	shalt  }
0x68: {  	_ =	shalt  }
0x69: {  	_ =	shalt  }
0x6a: {  	_ =	shalt  }
0x6b: {  	_ =	shalt  }
0x6c: {  	_ =	shalt  }
0x6d: {  	_ =	shalt  }
0x6e: {  	_ =	shalt  }
0x6f: {  	_ =	shalt  }
0x70: {  	_ =	shalt  }
0x71: {  	_ =	shalt  }
0x72: {  	_ =	shalt  }
0x73: {  	_ =	shalt  }
0x74: {  	_ =	shalt  }
0x75: {  	_ =	shalt  }
0x76: {  	_ =	shalt  }
0x77: {  	_ =	shalt  }
0x78: {  	_ =	shalt  }
0x79: {  	_ =	shalt  }
0x7a: {  	_ =	shalt  }
0x7b: {  	_ =	shalt  }
0x7c: {  	_ =	shalt  }
0x7d: {  	_ =	shalt  }
0x7e: {  	_ =	shalt  }
0x7f: {  	_ =	shalt  }
0x80: {  	_ =	shalt  }
0x81: {  	_ =	shalt  }
0x82: {  	_ =	shalt  }
0x83: {  	_ =	shalt  }
0x84: {  	_ =	shalt  }
0x85: {  	_ =	shalt  }
0x86: {  	_ =	shalt  }
0x87: {  	_ =	shalt  }
.Lfunc_end0:
.L_simem_size_0:
called_computation_lowered:
.L_overlay_start_0:
0x88: {  	s2 =	sld [smem:$0x3FD9]  }
0x89: {  	s3 =	sld [smem:$0x3FFE];
	_ =	sdelay $0x1  }
0x8a: {  	s1 =	srdreg.scid  }
0x8b: {  	s0 =	sand.u32 $0x1, s1  }
0x8c: {  	s17 =	sshll.u32 s0, $0xA;
	s2 =	sadd.s32 s3, s2  }
0x8d: {  	s2 =	sadd.s32 s2, s17  }
0x8e: {  	[smem:$0x3FC1] =	sst s2  }
0x8f: {  	_ = 	snop  }
0x90: {  	s2 =	sld [smem:$0x3FC9]  }
0x91: {  	s18 =	sld [smem:$0x3FC8]  }
0x92: {  	s4 =	sld [smem:$0x3FC7]  }
0x93: {  	s5 =	sld [smem:$0x3FD0];
	(tm) =	ssettm $0x1  }
0x94: {  	s6 =	sld [smem:$0x3FFB];
	_ =	sdelay $0x3  }
0x95: {  	_ =	strace s6  }
0x96: {  	s6 =	sld [smem:$0x3FFC];
	_ =	sdelay $0x3  }
0x97: {  	_ =	strace s6  }
0x98: {  	s6 =	sld [smem:$0x3FFD];
	_ =	sdelay $0x3  }
0x99: {  	_ =	strace s6  }
0x9a: {  	_ =	strace $0x8FFFFFFF  }
0x9b: {  	s19 =	sld [smem:$0x3FDB];
	_ =	sdelay $0x1  }
0x9c: {  	s7 =	simm.s32 $_scs_section_size  }
0x9d: {  	s8 =	simm.s32 $_size__tile_overlayer_lowered;
	s9 =	simm.s32 $_tile_overlayer_lowered  }
0x9e: {  	s22 =	simm.s32 $0x1BFF;
	s21 =	sshll.u32 s9, $0x1;
	s6 =	sadd.s32 s7, s19  }
0x9f: {  	s10 =	simm.s32 $0x0;
	s20 =	sshll.u32 s8, $0x1;
	s8 =	sadd.s32 s21, s6  }
0xa0: {  	[timem:s10], [sflag:s22] =	dma.local [hbm:s8], s20  }
0xa1: {  	_ =	swait.ge [sflag:s22], s20  }
0xa2: {  	s7 =	ssub.s32 $0x0, s20;
	[sflag:s22] =	ssyncset.done $0x0  }
0xa3: {  	[sflag:s22] =	ssyncadd.s32 s7;
	_ =	sdelay $0x1  }
0xa4: {  	s23 =	simm.s32 $0x1B8B  }
0xa5: {  	_ =	swait.ge [sflag:s23], $0x1  }
0xa6: {  	[sflag:s23] =	ssyncset.done $0x0  }
0xa7: {  	s25 =	simm.s32 $0x1B8E;
	s24 =	sld [smem:$0x3FFE];
	[sflag:s23] =	ssyncadd.s32 $0xFFFFFFFF  }
0xa8: {  	s26 =	simm.s32 $execute0_lowered;
	[smem:$0x3FD2] =	sst s25  }
0xa9: {  	s8 =	sshll.u32 s26, $0x1;
	_ =	strace $0x80000046;
	[dreg:$0x1] =	wrdreg $0xFFFFFFFF  }
0xaa: {  	s28 =	simm.s32 $_size_execute0_lowered;
	s6 =	sadd.s32 s6, s8;
	[dreg:$0x0] =	wrdreg $0x0  }
0xab: {  	s8 =	sshll.u32 s28, $0x1;
	[dreg:$0x2] =	wrdreg s6  }
0xac: {  	[dreg:$0x3] =	wrdreg s8  }
0xad: {  	[dreg:$0x4] =	wrdreg $0xC0  }
0xae: {  	_ =	task [dreg:s10], $0x5FFFF  }
0xaf: {  	[dreg:$0x1] =	wrdreg $0xFFFFFFFF  }
0xb0: {  	[dreg:$0x0] =	wrdreg $0x60  }
0xb1: {  	[dreg:$0x2] =	wrdreg s2  }
0xb2: {  	[dreg:$0x3] =	wrdreg s18  }
0xb3: {  	[dreg:$0x4] =	wrdreg s24  }
0xb4: {  	[dreg:$0x5] =	wrdreg s4  }
0xb5: {  	[dreg:$0x6] =	wrdreg s5  }
0xb6: {  	[dreg:$0x7] =	wrdreg $0x9  }
0xb7: {  	_ =	task.clear_ibuf [dreg:s10], $0x8FFFF;
	_ =	strace $0x90000046  }
0xb8: {  	s29 =	simm.s32 $0x9;
	_ =	strace $0x80000048  }
0xb9: {  	_ =	swait.ge [sflag:s29], $0x1  }
0xba: {  	[sflag:s29] =	ssyncadd.s32 $0xFFFFFFFF  }
0xbb: {  	_ =	strace $0x90000048  }
0xbc: {  	_ =	sfence  }
0xbd: {  	s30 =	sld [smem:$0x0];
	_ =	sdelay $0x2  }
0xbe: {  	s31 =	sshll.u32 s1, $0xD;
	s1 =	sshrl.u32 s1, $0x2  }
0xbf: {  	s3 =	sand.u32 $0x4000, s31;
	s1 =	sadd.s32 s1, s30  }
0xc0: {  	s0 =	sor.u32 s3, s0;
	s1 =	sshll.u32 s1, $0x11  }
0xc1: {  	s0 =	sor.u32 s1, s0  }
0xc2: {  	s0 =	sadd.s32 $0x8F2B, s0  }
0xc3: {  	[sflag:s0] =	ssyncadd.remote.s32 $0x1  }
0xc4: {  	_ =	sfence.sel $0xFFFF  }
0xc5: {  	[dreg:$0x0] =	wrdreg $0xFFFFFFFF;
	(pc) =	sbr.abs _section_cstart, $3  }
0xc6: {  	[dreg:$0x1] =	wrdreg $0xFFFFFFFF  }
0xc7: {  	_ =	task.clear_ibuf [dreg:s10], $0x2FFFF;
	_ =	strace $0x9FFFFFFF  }
0xc8: {  	(tm) =	ssettm $0x7FFFFFFF  }
0xc9: {  	_ =	shalt  }
tec
execute0_lowered:
.L_overlay_start_1:
0x0: {  	(tag) =	ssettag $0x1  }
0x1: {  	s0 =	rddreg [dreg:$0x0]  }
0x2: {  	s2 =	rddreg [dreg:$0x1]  }
0x3: {  	s5 =	rddreg [dreg:$0x2]  }
0x4: {  	s6 =	rddreg [dreg:$0x3]  }
0x5: {  	s7 =	rddreg [dreg:$0x4];
	s1 =	simm.s32 $0x0  }
0x6: {  	s8 =	srdreg.scid;
	s11 =	stileid.u32;
	s29 =	simm.s32 $0x8400  }
0x7: {  	s30 =	simm.s32 $0xC400;
	s31 =	simm.s32 $0x1;
	[smem:$0x7FF] =	sst s1  }
0x8: {  	s3 =	sadd.s32 $0x1C00, s5;
	s4 =	sadd.s32 $0x28E00, s5;
	s9 =	sadd.s32 $0x1600, s5  }
0x9: {  	s8 =	sand.u32 $0x1, s8;
	s11 =	sshll.u32 s11, $0x1;
	_ =	strace $0x80000047  }
0xa: {  	[dreg:$0x6] =	wrdreg s9;
	s9 =	sadd.s32 $0x50000, s5;
	s10 =	ssub.s32 $0x2, s8  }
0xb: {  	s5 =	sadd.s32 $0x58000, s5;
	s8 =	sor.u32 s8, s11;
	s12 =	sshrl.u32 s10, $0x1  }
0xc: {  	s11 =	sshll.u32 s8, $0x9;
	s18 =	sshll.u32 s8, $0xD;
	s20 =	sshll.u32 s8, $0xA  }
0xd: {  	s10 =	ssub.s32 s10, s12;
	s12 =	sshll.u32 s8, $0x6;
	s13 =	sor.u32 $0x80, s11  }
0xe: {  	s21 =	sor.u32 $0x100, s11;
	s8 =	sadd.s32 s9, s20;
	s24 =	sor.u32 $0x180, s11  }
0xf: {  	s11 =	simm.s32 $0x19400;
	s0 =	sadd.s32 s0, s12;
	s2 =	sadd.s32 s2, s12  }
0x10: {  	s19 =	sshll.u32 s13, $0x4;
	[dreg:$0xb] =	wrdreg s8;
	s22 =	sshll.u32 s21, $0x4  }
0x11: {  	s23 =	sshll.u32 s13, $0x1;
	s25 =	sshll.u32 s24, $0x4;
	s26 =	sshll.u32 s21, $0x1  }
0x12: {  	s28 =	sshll.u32 s24, $0x1;
	s21 =	smax.u32 s10, $0x1;
	[dreg:$0x7] =	wrdreg s0  }
0x13: {  	s8 =	simm.s32 $0x3;
	[dreg:$0x8] =	wrdreg s2;
	s0 =	sadd.s32 s6, s18  }
0x14: {  	s13 =	sadd.s32 s9, s23;
	s14 =	sadd.s32 s5, s23;
	s15 =	sadd.s32 s6, s25  }
0x15: {  	s16 =	sadd.s32 s9, s26;
	s17 =	sadd.s32 s5, s26;
	s18 =	sadd.s32 s9, s28  }
0x16: {  	s23 =	simm.s32 $0x200;
	s25 =	simm.s32 $0x80;
	s2 =	simm.s32 $0x14400  }
0x17: {  	s9 =	simm.s32 $0x0;
	[dreg:$0x9] =	wrdreg s0;
	s0 =	sadd.s32 s6, s19  }
0x18: {  	s19 =	sadd.s32 s5, s28;
	[dreg:$0xa] =	wrdreg s0;
	s0 =	sadd.s32 s5, s20  }
0x19: {  	s20 =	sadd.s32 s7, s12;
	s5 =	simm.s32 $0x18400;
	s7 =	simm.s32 $0x2  }
0x1a: {  	[dreg:$0xc] =	wrdreg s0;
	s0 =	sadd.s32 s6, s22;
	s22 =	simm.s32 $0x4  }
0x1b: {  	s6 =	simm.s32 $0x18C00;
	[dreg:$0xd] =	wrdreg s0;
	s0 =	simm.s32 $0x10400  }
.LBB2_1:
0x1c: {  	s10 =	rddreg [dreg:$0x7]  }
0x1d: {  	[tilespmem:s1], [sflag:$0x4] =	stream.linear.gather [hbm4b:s10+s1], $0x200, $0x38;
	[tilespmem:$0x19600] =	vst v63  }
0x1e: {  	_ =	swait.ge [sflag:s22], $0x200  }
0x1f: {  	[sflag:s22] =	ssyncset.done $0x0  }
0x20: {  	s12 =	rddreg [dreg:$0x8];
	[sflag:s22] =	ssyncadd.s32 $0xFFFFFE00  }
0x21: {  	[tilespmem:s23], [sflag:$0x4] =	stream.linear.gather [hbm4b:s12+s1], $0x200, $0x38;
	[tilespmem:$0x19600] =	vst v63  }
0x22: {  	_ =	swait.ge [sflag:s22], $0x200  }
0x23: {  	[sflag:s22] =	ssyncset.done $0x0  }
0x24: {  	s24 =	rddreg [dreg:$0x6];
	[sflag:s22] =	ssyncadd.s32 $0xFFFFFE00  }
0x25: {  	[tilespmem:s11], [sflag:$0x3] =	stream.indirect.gather [hbm4b:s24+s23], $0x1, s23, s23, $0xb8;
	[tilespmem:$0x19600] =	vst v63  }
0x26: {  	s26 =	simm.s32 $0x400  }
0x27: {  	[tilespmem:s26], [sflag:$0x1] =	stream.indirect.gather [hbm4b:s3+s25], $0x80, s1, s25, $0xb8;
	[tilespmem:$0x19600] =	vst v63  }
0x28: {  	s11 =	simm.s32 $0x4400  }
0x29: {  	[tilespmem:s11], [sflag:$0x1] =	stream.indirect.gather [hbm4b:s4+s25], $0x80, s23, s25, $0xb8;
	[tilespmem:$0x19600] =	vst v63  }
0x2a: {  	s12 =	rddreg [dreg:$0x9]  }
0x2b: {  	[tilespmem:s29], [sflag:$0x1] =	stream.linear.gather [hbm4b:s12+s1], $0x4000, $0x38;
	[tilespmem:$0x19600] =	vst v63  }
0x2c: {  	_ = 	snop  }
0x2d: {  	[tilespmem:s30], [sflag:$0x2] =	stream.indirect.gather [hbm4b:s3+s25], $0x80, s25, s25, $0xb8;
	[tilespmem:$0x19600] =	vst v63  }
0x2e: {  	s24 =	simm.s32 $0x280  }
0x2f: {  	[tilespmem:s0], [sflag:$0x2] =	stream.indirect.gather [hbm4b:s4+s25], $0x80, s24, s25, $0xb8;
	[tilespmem:$0x19600] =	vst v63  }
0x30: {  	s26 =	rddreg [dreg:$0xa]  }
0x31: {  	[tilespmem:s2], [sflag:$0x2] =	stream.linear.gather [hbm4b:s26+s1], $0x4000, $0x38;
	[tilespmem:$0x19600] =	vst v63  }
0x32: {  	_ =	swait.ge [sflag:s31], $0x4000  }
0x33: {  	[sflag:s31] =	ssyncset.done $0x0  }
0x34: {  	[sflag:s31] =	ssyncadd.s32 $0xFFFFC000  }
0x35: {  	_ =	swait.ge [sflag:s31], $0x4000  }
0x36: {  	[sflag:s31] =	ssyncset.done $0x0  }
0x37: {  	[sflag:s31] =	ssyncadd.s32 $0xFFFFC000  }
0x38: {  	s28 =	simm.s32 $0x8500;
	s10 =	simm.s32 $0xFFFFFFFC;
	_ =	swait.ge [sflag:s31], $0x4000  }
0x39: {  	s11 =	simm.s32 $0x18420;
	s12 =	simm.s32 $0x500;
	[sflag:s31] =	ssyncset.done $0x0  }
0x3a: {  	s24 =	simm.s32 $0x18C20;
	s26 =	simm.s32 $0x4500;
	[sflag:s31] =	ssyncadd.s32 $0xFFFFC000  }
.LBB2_2:
0x3b: {  	v0 =	vld [tilespmem:s12+$0xFFFFFF00]  }
0x3c: {  	v1 =	vld [tilespmem:s26+$0xFFFFFF00]  }
0x3d: {  	v2 =	vld [tilespmem:s28+$0xFFFFFF00]  }
0x3e: {  	v3 =	vld [tilespmem:s12+$0xFFFFFF10]  }
0x3f: {  	v4 =	vld [tilespmem:s26+$0xFFFFFF10]  }
0x40: {  	v5 =	vld [tilespmem:s28+$0xFFFFFF10]  }
0x41: {  	v6 =	vld [tilespmem:s12+$0xFFFFFF20]  }
0x42: {  	v7 =	vld [tilespmem:s26+$0xFFFFFF20]  }
0x43: {  	v8 =	vld [tilespmem:s28+$0xFFFFFF20]  }
0x44: {  	v9 =	vld [tilespmem:s12+$0xFFFFFF30]  }
0x45: {  	v10 =	vld [tilespmem:s26+$0xFFFFFF30]  }
0x46: {  	v11 =	vld [tilespmem:s28+$0xFFFFFF30]  }
0x47: {  	v12 =	vld [tilespmem:s12+$0xFFFFFF40]  }
0x48: {  	v13 =	vld [tilespmem:s26+$0xFFFFFF40]  }
0x49: {  	v14 =	vld [tilespmem:s28+$0xFFFFFF40]  }
0x4a: {  	v41 =	vld [tilespmem:s12+$0xFFFFFF50];
	v0 =	vsub.f32 v0, v1;
	v40 =	vsub.f32 v3, v4  }
0x4b: {  	v42 =	vld [tilespmem:s26+$0xFFFFFF50]  }
0x4c: {  	v43 =	vld [tilespmem:s28+$0xFFFFFF50];
	v6 =	vsub.f32 v6, v7;
	v0 =	vmul.f32 v0, v2;
	v1 =	vmul.f32 v40, v5  }
0x4d: {  	v15 =	vld [tilespmem:s12+$0xFFFFFF60]  }
0x4e: {  	v46 =	vld [tilespmem:s26+$0xFFFFFF60];
	v45 =	vsub.f32 v9, v10;
	v44 =	vmul.f32 v6, v8;
	v0 =	vadd.f32 v1, v0  }
0x4f: {  	v47 =	vld [tilespmem:s28+$0xFFFFFF60];
	v2 =	vadd.f32 v5, v2  }
0x50: {  	v50 =	vld [tilespmem:s12+$0xFFFFFF70];
	v49 =	vsub.f32 v12, v13;
	v48 =	vmul.f32 v45, v11;
	v0 =	vadd.f32 v44, v0  }
0x51: {  	v51 =	vld [tilespmem:s26+$0xFFFFFF70];
	v2 =	vadd.f32 v8, v2  }
0x52: {  	v3 =	vsub.f32 v41, v42;
	v52 =	vmul.f32 v49, v14;
	v0 =	vadd.f32 v48, v0  }
0x53: {  	v53 =	vld [tilespmem:s28+$0xFFFFFF70];
	v2 =	vadd.f32 v11, v2  }
0x54: {  	v55 =	vsub.f32 v15, v46;
	v54 =	vmul.f32 v3, v43;
	v0 =	vadd.f32 v52, v0  }
0x55: {  	v2 =	vadd.f32 v14, v2  }
0x56: {  	v57 =	vsub.f32 v50, v51;
	v56 =	vmul.f32 v55, v47;
	v0 =	vadd.f32 v54, v0  }
0x57: {  	v2 =	vadd.f32 v43, v2  }
0x58: {  	v58 =	vmul.f32 v57, v53;
	v0 =	vadd.f32 v56, v0  }
0x59: {  	v2 =	vadd.f32 v47, v2  }
0x5a: {  	v0 =	vadd.f32 v58, v0  }
0x5b: {  	v59 =	vadd.f32 v53, v2  }
0x5c: {  	[tilespmem:s11+$0xFFFFFFE0] =	vst v0  }
0x5d: {  	[tilespmem:s24+$0xFFFFFFE0] =	vst v59  }
0x5e: {  	v0 =	vld [tilespmem:s12+$0xFFFFFF80]  }
0x5f: {  	v1 =	vld [tilespmem:s26+$0xFFFFFF80]  }
0x60: {  	v60 =	vld [tilespmem:s28+$0xFFFFFF80]  }
0x61: {  	v61 =	vld [tilespmem:s12+$0xFFFFFF90]  }
0x62: {  	v62 =	vld [tilespmem:s26+$0xFFFFFF90]  }
0x63: {  	v63 =	vld [tilespmem:s28+$0xFFFFFF90]  }
0x64: {  	v16 =	vld [tilespmem:s12+$0xFFFFFFA0]  }
0x65: {  	v17 =	vld [tilespmem:s26+$0xFFFFFFA0]  }
0x66: {  	v18 =	vld [tilespmem:s28+$0xFFFFFFA0]  }
0x67: {  	v19 =	vld [tilespmem:s12+$0xFFFFFFB0]  }
0x68: {  	v20 =	vld [tilespmem:s26+$0xFFFFFFB0]  }
0x69: {  	v21 =	vld [tilespmem:s28+$0xFFFFFFB0]  }
0x6a: {  	v22 =	vld [tilespmem:s12+$0xFFFFFFC0]  }
0x6b: {  	v23 =	vld [tilespmem:s26+$0xFFFFFFC0]  }
0x6c: {  	v24 =	vld [tilespmem:s28+$0xFFFFFFC0]  }
0x6d: {  	v26 =	vld [tilespmem:s12+$0xFFFFFFD0];
	v0 =	vsub.f32 v0, v1;
	v25 =	vsub.f32 v61, v62  }
0x6e: {  	v27 =	vld [tilespmem:s26+$0xFFFFFFD0]  }
0x6f: {  	v28 =	vld [tilespmem:s28+$0xFFFFFFD0];
	v6 =	vsub.f32 v16, v17;
	v0 =	vmul.f32 v0, v60;
	v1 =	vmul.f32 v25, v63  }
0x70: {  	v29 =	vld [tilespmem:s12+$0xFFFFFFE0]  }
0x71: {  	v32 =	vld [tilespmem:s26+$0xFFFFFFE0];
	v31 =	vsub.f32 v19, v20;
	v30 =	vmul.f32 v6, v18;
	v0 =	vadd.f32 v1, v0  }
0x72: {  	v33 =	vld [tilespmem:s28+$0xFFFFFFE0];
	v2 =	vadd.f32 v63, v60  }
0x73: {  	v36 =	vld [tilespmem:s12+$0xFFFFFFF0];
	v35 =	vsub.f32 v22, v23;
	v34 =	vmul.f32 v31, v21;
	v0 =	vadd.f32 v30, v0  }
0x74: {  	v37 =	vld [tilespmem:s26+$0xFFFFFFF0];
	v2 =	vadd.f32 v18, v2  }
0x75: {  	v3 =	vsub.f32 v26, v27;
	v38 =	vmul.f32 v35, v24;
	v0 =	vadd.f32 v34, v0  }
0x76: {  	v39 =	vld [tilespmem:s28+$0xFFFFFFF0];
	v2 =	vadd.f32 v21, v2  }
0x77: {  	v41 =	vsub.f32 v29, v32;
	v40 =	vmul.f32 v3, v28;
	v0 =	vadd.f32 v38, v0  }
0x78: {  	v2 =	vadd.f32 v24, v2  }
0x79: {  	v43 =	vsub.f32 v36, v37;
	v42 =	vmul.f32 v41, v33;
	v0 =	vadd.f32 v40, v0  }
0x7a: {  	v2 =	vadd.f32 v28, v2  }
0x7b: {  	v44 =	vmul.f32 v43, v39;
	v0 =	vadd.f32 v42, v0  }
0x7c: {  	v2 =	vadd.f32 v33, v2  }
0x7d: {  	v0 =	vadd.f32 v44, v0  }
0x7e: {  	v45 =	vadd.f32 v39, v2  }
0x7f: {  	[tilespmem:s11+$0xFFFFFFF0] =	vst v0  }
0x80: {  	[tilespmem:s24+$0xFFFFFFF0] =	vst v45  }
0x81: {  	v0 =	vld [tilespmem:s12+$0x0]  }
0x82: {  	v1 =	vld [tilespmem:s26+$0x0]  }
0x83: {  	v46 =	vld [tilespmem:s28+$0x0]  }
0x84: {  	v47 =	vld [tilespmem:s12+$0x10]  }
0x85: {  	v48 =	vld [tilespmem:s26+$0x10]  }
0x86: {  	v49 =	vld [tilespmem:s28+$0x10]  }
0x87: {  	v50 =	vld [tilespmem:s12+$0x20]  }
0x88: {  	v51 =	vld [tilespmem:s26+$0x20]  }
0x89: {  	v52 =	vld [tilespmem:s28+$0x20]  }
0x8a: {  	v53 =	vld [tilespmem:s12+$0x30]  }
0x8b: {  	v54 =	vld [tilespmem:s26+$0x30]  }
0x8c: {  	v55 =	vld [tilespmem:s28+$0x30]  }
0x8d: {  	v56 =	vld [tilespmem:s12+$0x40]  }
0x8e: {  	v57 =	vld [tilespmem:s26+$0x40]  }
0x8f: {  	v58 =	vld [tilespmem:s28+$0x40]  }
0x90: {  	v60 =	vld [tilespmem:s12+$0x50];
	v0 =	vsub.f32 v0, v1;
	v59 =	vsub.f32 v47, v48  }
0x91: {  	v61 =	vld [tilespmem:s26+$0x50]  }
0x92: {  	v62 =	vld [tilespmem:s28+$0x50];
	v6 =	vsub.f32 v50, v51;
	v0 =	vmul.f32 v0, v46;
	v1 =	vmul.f32 v59, v49  }
0x93: {  	v63 =	vld [tilespmem:s12+$0x60]  }
0x94: {  	v18 =	vld [tilespmem:s26+$0x60];
	v17 =	vsub.f32 v53, v54;
	v16 =	vmul.f32 v6, v52;
	v0 =	vadd.f32 v1, v0  }
0x95: {  	v19 =	vld [tilespmem:s28+$0x60];
	v2 =	vadd.f32 v49, v46  }
0x96: {  	v22 =	vld [tilespmem:s12+$0x70];
	v21 =	vsub.f32 v56, v57;
	v20 =	vmul.f32 v17, v55;
	v0 =	vadd.f32 v16, v0  }
0x97: {  	v23 =	vld [tilespmem:s26+$0x70];
	v2 =	vadd.f32 v52, v2  }
0x98: {  	v3 =	vsub.f32 v60, v61;
	v24 =	vmul.f32 v21, v58;
	v0 =	vadd.f32 v20, v0  }
0x99: {  	v25 =	vld [tilespmem:s28+$0x70];
	v2 =	vadd.f32 v55, v2  }
0x9a: {  	v27 =	vsub.f32 v63, v18;
	v26 =	vmul.f32 v3, v62;
	v0 =	vadd.f32 v24, v0  }
0x9b: {  	v2 =	vadd.f32 v58, v2  }
0x9c: {  	v29 =	vsub.f32 v22, v23;
	v28 =	vmul.f32 v27, v19;
	v0 =	vadd.f32 v26, v0  }
0x9d: {  	v2 =	vadd.f32 v62, v2  }
0x9e: {  	v30 =	vmul.f32 v29, v25;
	v0 =	vadd.f32 v28, v0  }
0x9f: {  	v2 =	vadd.f32 v19, v2  }
0xa0: {  	v0 =	vadd.f32 v30, v0  }
0xa1: {  	v31 =	vadd.f32 v25, v2  }
0xa2: {  	[tilespmem:s11+$0x0] =	vst v0  }
0xa3: {  	[tilespmem:s24+$0x0] =	vst v31  }
0xa4: {  	v0 =	vld [tilespmem:s12+$0x80]  }
0xa5: {  	v1 =	vld [tilespmem:s26+$0x80]  }
0xa6: {  	v32 =	vld [tilespmem:s28+$0x80]  }
0xa7: {  	v33 =	vld [tilespmem:s12+$0x90]  }
0xa8: {  	v34 =	vld [tilespmem:s26+$0x90]  }
0xa9: {  	v35 =	vld [tilespmem:s28+$0x90]  }
0xaa: {  	v36 =	vld [tilespmem:s12+$0xA0]  }
0xab: {  	v37 =	vld [tilespmem:s26+$0xA0]  }
0xac: {  	v38 =	vld [tilespmem:s28+$0xA0]  }
0xad: {  	v39 =	vld [tilespmem:s12+$0xB0]  }
0xae: {  	v40 =	vld [tilespmem:s26+$0xB0]  }
0xaf: {  	v41 =	vld [tilespmem:s28+$0xB0]  }
0xb0: {  	v42 =	vld [tilespmem:s12+$0xC0]  }
0xb1: {  	v43 =	vld [tilespmem:s26+$0xC0]  }
0xb2: {  	v44 =	vld [tilespmem:s28+$0xC0]  }
0xb3: {  	v46 =	vld [tilespmem:s12+$0xD0];
	v0 =	vsub.f32 v0, v1;
	v45 =	vsub.f32 v33, v34  }
0xb4: {  	v47 =	vld [tilespmem:s26+$0xD0]  }
0xb5: {  	v48 =	vld [tilespmem:s28+$0xD0];
	v6 =	vsub.f32 v36, v37;
	v0 =	vmul.f32 v0, v32;
	v1 =	vmul.f32 v45, v35  }
0xb6: {  	v49 =	vld [tilespmem:s12+$0xE0]  }
0xb7: {  	v52 =	vld [tilespmem:s26+$0xE0];
	v51 =	vsub.f32 v39, v40;
	v50 =	vmul.f32 v6, v38;
	v0 =	vadd.f32 v1, v0  }
0xb8: {  	v53 =	vld [tilespmem:s28+$0xE0];
	v2 =	vadd.f32 v35, v32  }
0xb9: {  	v56 =	vld [tilespmem:s12+$0xF0];
	v55 =	vsub.f32 v42, v43;
	v54 =	vmul.f32 v51, v41;
	v0 =	vadd.f32 v50, v0  }
0xba: {  	v57 =	vld [tilespmem:s26+$0xF0];
	v2 =	vadd.f32 v38, v2  }
0xbb: {  	v58 =	vsub.f32 v46, v47;
	v59 =	vmul.f32 v55, v44;
	v0 =	vadd.f32 v54, v0  }
0xbc: {  	v60 =	vld [tilespmem:s28+$0xF0];
	v2 =	vadd.f32 v41, v2  }
0xbd: {  	v61 =	vsub.f32 v49, v52;
	v1 =	vmul.f32 v58, v48;
	v0 =	vadd.f32 v59, v0  }
0xbe: {  	v2 =	vadd.f32 v44, v2  }
0xbf: {  	v62 =	vsub.f32 v56, v57;
	v3 =	vmul.f32 v61, v53;
	v0 =	vadd.f32 v1, v0  }
0xc0: {  	s10 =	sadd.s32 $0x4, s10;
	v2 =	vadd.f32 v48, v2  }
0xc1: {  	p0 =	slt.u32 s10, $0x7C;
	v1 =	vmul.f32 v62, v60;
	v0 =	vadd.f32 v3, v0  }
.Ltmp0:
0xc2: {  	v2 =	vadd.f32 v53, v2;
	(pc) =	sbr.rel @p0 .LBB2_2-.Ltmp0, $4  }
0xc3: {  	v0 =	vadd.f32 v1, v0  }
0xc4: {  	v63 =	vadd.f32 v60, v2  }
0xc5: {  	s12 =	sadd.s32 $0x200, s12;
	s26 =	sadd.s32 $0x200, s26;
	[tilespmem:s11+$0x10] =	vst v0  }
0xc6: {  	s28 =	sadd.s32 $0x200, s28;
	s11 =	sadd.s32 $0x40, s11;
	[tilespmem:s24+$0x10] =	vst v63;
	s24 =	sadd.s32 $0x40, s24  }
0xc7: {  	s10 =	rddreg [dreg:$0xb]  }
0xc8: {  	[hbm4b:s10+s1] =	stream.linear.scatter [tilespmem:s5], [sflag:$0x4], $0x800, $0x38;
	[tilespmem:$0x19600] =	vst v63  }
0xc9: {  	_ =	swait.ge [sflag:s22], $0x800  }
0xca: {  	[sflag:s22] =	ssyncset.done $0x0  }
0xcb: {  	s24 =	rddreg [dreg:$0xc];
	[sflag:s22] =	ssyncadd.s32 $0xFFFFF800  }
0xcc: {  	[hbm4b:s24+s1] =	stream.linear.scatter [tilespmem:s6], [sflag:$0x4], $0x800, $0x38;
	[tilespmem:$0x19600] =	vst v63  }
0xcd: {  	_ =	swait.ge [sflag:s22], $0x800  }
0xce: {  	[sflag:s22] =	ssyncset.done $0x0  }
0xcf: {  	s26 =	simm.s32 $0x400;
	s11 =	simm.s32 $0x100;
	[sflag:s22] =	ssyncadd.s32 $0xFFFFF800  }
0xd0: {  	[tilespmem:s26], [sflag:$0x1] =	stream.indirect.gather [hbm4b:s3+s25], $0x80, s11, s25, $0xb8;
	[tilespmem:$0x19600] =	vst v63  }
0xd1: {  	s12 =	simm.s32 $0x4400;
	s24 =	simm.s32 $0x300  }
0xd2: {  	[tilespmem:s12], [sflag:$0x1] =	stream.indirect.gather [hbm4b:s4+s25], $0x80, s24, s25, $0xb8;
	[tilespmem:$0x19600] =	vst v63  }
0xd3: {  	s26 =	rddreg [dreg:$0xd]  }
0xd4: {  	[tilespmem:s29], [sflag:$0x1] =	stream.linear.gather [hbm4b:s26+s1], $0x4000, $0x38;
	[tilespmem:$0x19600] =	vst v63  }
0xd5: {  	_ =	swait.ge [sflag:s7], $0x4000  }
0xd6: {  	[sflag:s7] =	ssyncset.done $0x0  }
0xd7: {  	[sflag:s7] =	ssyncadd.s32 $0xFFFFC000  }
0xd8: {  	_ =	swait.ge [sflag:s7], $0x4000  }
0xd9: {  	[sflag:s7] =	ssyncset.done $0x0  }
0xda: {  	[sflag:s7] =	ssyncadd.s32 $0xFFFFC000  }
0xdb: {  	s28 =	simm.s32 $0x14500;
	s10 =	simm.s32 $0xFFFFFFFC;
	_ =	swait.ge [sflag:s7], $0x4000  }
0xdc: {  	s11 =	simm.s32 $0x18420;
	s24 =	simm.s32 $0x18C20;
	[sflag:s7] =	ssyncset.done $0x0  }
0xdd: {  	s12 =	simm.s32 $0xC500;
	s26 =	simm.s32 $0x10500;
	[sflag:s7] =	ssyncadd.s32 $0xFFFFC000  }
.LBB2_4:
0xde: {  	v0 =	vld [tilespmem:s12+$0xFFFFFF00]  }
0xdf: {  	v1 =	vld [tilespmem:s26+$0xFFFFFF00]  }
0xe0: {  	v2 =	vld [tilespmem:s28+$0xFFFFFF00]  }
0xe1: {  	v3 =	vld [tilespmem:s12+$0xFFFFFF10]  }
0xe2: {  	v4 =	vld [tilespmem:s26+$0xFFFFFF10]  }
0xe3: {  	v5 =	vld [tilespmem:s28+$0xFFFFFF10]  }
0xe4: {  	v6 =	vld [tilespmem:s12+$0xFFFFFF20]  }
0xe5: {  	v7 =	vld [tilespmem:s26+$0xFFFFFF20]  }
0xe6: {  	v8 =	vld [tilespmem:s28+$0xFFFFFF20]  }
0xe7: {  	v9 =	vld [tilespmem:s12+$0xFFFFFF30]  }
0xe8: {  	v10 =	vld [tilespmem:s26+$0xFFFFFF30]  }
0xe9: {  	v11 =	vld [tilespmem:s28+$0xFFFFFF30]  }
0xea: {  	v12 =	vld [tilespmem:s12+$0xFFFFFF40]  }
0xeb: {  	v13 =	vld [tilespmem:s26+$0xFFFFFF40]  }
0xec: {  	v14 =	vld [tilespmem:s28+$0xFFFFFF40]  }
0xed: {  	v41 =	vld [tilespmem:s12+$0xFFFFFF50];
	v0 =	vsub.f32 v0, v1;
	v40 =	vsub.f32 v3, v4  }
0xee: {  	v42 =	vld [tilespmem:s26+$0xFFFFFF50]  }
0xef: {  	v43 =	vld [tilespmem:s28+$0xFFFFFF50];
	v6 =	vsub.f32 v6, v7;
	v0 =	vmul.f32 v0, v2;
	v1 =	vmul.f32 v40, v5  }
0xf0: {  	v15 =	vld [tilespmem:s12+$0xFFFFFF60]  }
0xf1: {  	v46 =	vld [tilespmem:s26+$0xFFFFFF60];
	v45 =	vsub.f32 v9, v10;
	v44 =	vmul.f32 v6, v8;
	v0 =	vadd.f32 v1, v0  }
0xf2: {  	v47 =	vld [tilespmem:s28+$0xFFFFFF60];
	v2 =	vadd.f32 v5, v2  }
0xf3: {  	v50 =	vld [tilespmem:s12+$0xFFFFFF70];
	v49 =	vsub.f32 v12, v13;
	v48 =	vmul.f32 v45, v11;
	v0 =	vadd.f32 v44, v0  }
0xf4: {  	v51 =	vld [tilespmem:s26+$0xFFFFFF70];
	v2 =	vadd.f32 v8, v2  }
0xf5: {  	v3 =	vsub.f32 v41, v42;
	v52 =	vmul.f32 v49, v14;
	v0 =	vadd.f32 v48, v0  }
0xf6: {  	v53 =	vld [tilespmem:s28+$0xFFFFFF70];
	v2 =	vadd.f32 v11, v2  }
0xf7: {  	v55 =	vsub.f32 v15, v46;
	v54 =	vmul.f32 v3, v43;
	v0 =	vadd.f32 v52, v0  }
0xf8: {  	v2 =	vadd.f32 v14, v2  }
0xf9: {  	v57 =	vsub.f32 v50, v51;
	v56 =	vmul.f32 v55, v47;
	v0 =	vadd.f32 v54, v0  }
0xfa: {  	v2 =	vadd.f32 v43, v2  }
0xfb: {  	v58 =	vmul.f32 v57, v53;
	v0 =	vadd.f32 v56, v0  }
0xfc: {  	v2 =	vadd.f32 v47, v2  }
0xfd: {  	v0 =	vadd.f32 v58, v0  }
0xfe: {  	v59 =	vadd.f32 v53, v2  }
0xff: {  	[tilespmem:s11+$0xFFFFFFE0] =	vst v0  }
0x100: {  	[tilespmem:s24+$0xFFFFFFE0] =	vst v59  }
0x101: {  	v0 =	vld [tilespmem:s12+$0xFFFFFF80]  }
0x102: {  	v1 =	vld [tilespmem:s26+$0xFFFFFF80]  }
0x103: {  	v60 =	vld [tilespmem:s28+$0xFFFFFF80]  }
0x104: {  	v61 =	vld [tilespmem:s12+$0xFFFFFF90]  }
0x105: {  	v62 =	vld [tilespmem:s26+$0xFFFFFF90]  }
0x106: {  	v63 =	vld [tilespmem:s28+$0xFFFFFF90]  }
0x107: {  	v16 =	vld [tilespmem:s12+$0xFFFFFFA0]  }
0x108: {  	v17 =	vld [tilespmem:s26+$0xFFFFFFA0]  }
0x109: {  	v18 =	vld [tilespmem:s28+$0xFFFFFFA0]  }
0x10a: {  	v19 =	vld [tilespmem:s12+$0xFFFFFFB0]  }
0x10b: {  	v20 =	vld [tilespmem:s26+$0xFFFFFFB0]  }
0x10c: {  	v21 =	vld [tilespmem:s28+$0xFFFFFFB0]  }
0x10d: {  	v22 =	vld [tilespmem:s12+$0xFFFFFFC0]  }
0x10e: {  	v23 =	vld [tilespmem:s26+$0xFFFFFFC0]  }
0x10f: {  	v24 =	vld [tilespmem:s28+$0xFFFFFFC0]  }
0x110: {  	v26 =	vld [tilespmem:s12+$0xFFFFFFD0];
	v0 =	vsub.f32 v0, v1;
	v25 =	vsub.f32 v61, v62  }
0x111: {  	v27 =	vld [tilespmem:s26+$0xFFFFFFD0]  }
0x112: {  	v28 =	vld [tilespmem:s28+$0xFFFFFFD0];
	v6 =	vsub.f32 v16, v17;
	v0 =	vmul.f32 v0, v60;
	v1 =	vmul.f32 v25, v63  }
0x113: {  	v29 =	vld [tilespmem:s12+$0xFFFFFFE0]  }
0x114: {  	v32 =	vld [tilespmem:s26+$0xFFFFFFE0];
	v31 =	vsub.f32 v19, v20;
	v30 =	vmul.f32 v6, v18;
	v0 =	vadd.f32 v1, v0  }
0x115: {  	v33 =	vld [tilespmem:s28+$0xFFFFFFE0];
	v2 =	vadd.f32 v63, v60  }
0x116: {  	v36 =	vld [tilespmem:s12+$0xFFFFFFF0];
	v35 =	vsub.f32 v22, v23;
	v34 =	vmul.f32 v31, v21;
	v0 =	vadd.f32 v30, v0  }
0x117: {  	v37 =	vld [tilespmem:s26+$0xFFFFFFF0];
	v2 =	vadd.f32 v18, v2  }
0x118: {  	v3 =	vsub.f32 v26, v27;
	v38 =	vmul.f32 v35, v24;
	v0 =	vadd.f32 v34, v0  }
0x119: {  	v39 =	vld [tilespmem:s28+$0xFFFFFFF0];
	v2 =	vadd.f32 v21, v2  }
0x11a: {  	v41 =	vsub.f32 v29, v32;
	v40 =	vmul.f32 v3, v28;
	v0 =	vadd.f32 v38, v0  }
0x11b: {  	v2 =	vadd.f32 v24, v2  }
0x11c: {  	v43 =	vsub.f32 v36, v37;
	v42 =	vmul.f32 v41, v33;
	v0 =	vadd.f32 v40, v0  }
0x11d: {  	v2 =	vadd.f32 v28, v2  }
0x11e: {  	v44 =	vmul.f32 v43, v39;
	v0 =	vadd.f32 v42, v0  }
0x11f: {  	v2 =	vadd.f32 v33, v2  }
0x120: {  	v0 =	vadd.f32 v44, v0  }
0x121: {  	v45 =	vadd.f32 v39, v2  }
0x122: {  	[tilespmem:s11+$0xFFFFFFF0] =	vst v0  }
0x123: {  	[tilespmem:s24+$0xFFFFFFF0] =	vst v45  }
0x124: {  	v0 =	vld [tilespmem:s12+$0x0]  }
0x125: {  	v1 =	vld [tilespmem:s26+$0x0]  }
0x126: {  	v46 =	vld [tilespmem:s28+$0x0]  }
0x127: {  	v47 =	vld [tilespmem:s12+$0x10]  }
0x128: {  	v48 =	vld [tilespmem:s26+$0x10]  }
0x129: {  	v49 =	vld [tilespmem:s28+$0x10]  }
0x12a: {  	v50 =	vld [tilespmem:s12+$0x20]  }
0x12b: {  	v51 =	vld [tilespmem:s26+$0x20]  }
0x12c: {  	v52 =	vld [tilespmem:s28+$0x20]  }
0x12d: {  	v53 =	vld [tilespmem:s12+$0x30]  }
0x12e: {  	v54 =	vld [tilespmem:s26+$0x30]  }
0x12f: {  	v55 =	vld [tilespmem:s28+$0x30]  }
0x130: {  	v56 =	vld [tilespmem:s12+$0x40]  }
0x131: {  	v57 =	vld [tilespmem:s26+$0x40]  }
0x132: {  	v58 =	vld [tilespmem:s28+$0x40]  }
0x133: {  	v60 =	vld [tilespmem:s12+$0x50];
	v0 =	vsub.f32 v0, v1;
	v59 =	vsub.f32 v47, v48  }
0x134: {  	v61 =	vld [tilespmem:s26+$0x50]  }
0x135: {  	v62 =	vld [tilespmem:s28+$0x50];
	v6 =	vsub.f32 v50, v51;
	v0 =	vmul.f32 v0, v46;
	v1 =	vmul.f32 v59, v49  }
0x136: {  	v63 =	vld [tilespmem:s12+$0x60]  }
0x137: {  	v18 =	vld [tilespmem:s26+$0x60];
	v17 =	vsub.f32 v53, v54;
	v16 =	vmul.f32 v6, v52;
	v0 =	vadd.f32 v1, v0  }
0x138: {  	v19 =	vld [tilespmem:s28+$0x60];
	v2 =	vadd.f32 v49, v46  }
0x139: {  	v22 =	vld [tilespmem:s12+$0x70];
	v21 =	vsub.f32 v56, v57;
	v20 =	vmul.f32 v17, v55;
	v0 =	vadd.f32 v16, v0  }
0x13a: {  	v23 =	vld [tilespmem:s26+$0x70];
	v2 =	vadd.f32 v52, v2  }
0x13b: {  	v3 =	vsub.f32 v60, v61;
	v24 =	vmul.f32 v21, v58;
	v0 =	vadd.f32 v20, v0  }
0x13c: {  	v25 =	vld [tilespmem:s28+$0x70];
	v2 =	vadd.f32 v55, v2  }
0x13d: {  	v27 =	vsub.f32 v63, v18;
	v26 =	vmul.f32 v3, v62;
	v0 =	vadd.f32 v24, v0  }
0x13e: {  	v2 =	vadd.f32 v58, v2  }
0x13f: {  	v29 =	vsub.f32 v22, v23;
	v28 =	vmul.f32 v27, v19;
	v0 =	vadd.f32 v26, v0  }
0x140: {  	v2 =	vadd.f32 v62, v2  }
0x141: {  	v30 =	vmul.f32 v29, v25;
	v0 =	vadd.f32 v28, v0  }
0x142: {  	v2 =	vadd.f32 v19, v2  }
0x143: {  	v0 =	vadd.f32 v30, v0  }
0x144: {  	v31 =	vadd.f32 v25, v2  }
0x145: {  	[tilespmem:s11+$0x0] =	vst v0  }
0x146: {  	[tilespmem:s24+$0x0] =	vst v31  }
0x147: {  	v0 =	vld [tilespmem:s12+$0x80]  }
0x148: {  	v1 =	vld [tilespmem:s26+$0x80]  }
0x149: {  	v32 =	vld [tilespmem:s28+$0x80]  }
0x14a: {  	v33 =	vld [tilespmem:s12+$0x90]  }
0x14b: {  	v34 =	vld [tilespmem:s26+$0x90]  }
0x14c: {  	v35 =	vld [tilespmem:s28+$0x90]  }
0x14d: {  	v36 =	vld [tilespmem:s12+$0xA0]  }
0x14e: {  	v37 =	vld [tilespmem:s26+$0xA0]  }
0x14f: {  	v38 =	vld [tilespmem:s28+$0xA0]  }
0x150: {  	v39 =	vld [tilespmem:s12+$0xB0]  }
0x151: {  	v40 =	vld [tilespmem:s26+$0xB0]  }
0x152: {  	v41 =	vld [tilespmem:s28+$0xB0]  }
0x153: {  	v42 =	vld [tilespmem:s12+$0xC0]  }
0x154: {  	v43 =	vld [tilespmem:s26+$0xC0]  }
0x155: {  	v44 =	vld [tilespmem:s28+$0xC0]  }
0x156: {  	v46 =	vld [tilespmem:s12+$0xD0];
	v0 =	vsub.f32 v0, v1;
	v45 =	vsub.f32 v33, v34  }
0x157: {  	v47 =	vld [tilespmem:s26+$0xD0]  }
0x158: {  	v48 =	vld [tilespmem:s28+$0xD0];
	v6 =	vsub.f32 v36, v37;
	v0 =	vmul.f32 v0, v32;
	v1 =	vmul.f32 v45, v35  }
0x159: {  	v49 =	vld [tilespmem:s12+$0xE0]  }
0x15a: {  	v52 =	vld [tilespmem:s26+$0xE0];
	v51 =	vsub.f32 v39, v40;
	v50 =	vmul.f32 v6, v38;
	v0 =	vadd.f32 v1, v0  }
0x15b: {  	v53 =	vld [tilespmem:s28+$0xE0];
	v2 =	vadd.f32 v35, v32  }
0x15c: {  	v56 =	vld [tilespmem:s12+$0xF0];
	v55 =	vsub.f32 v42, v43;
	v54 =	vmul.f32 v51, v41;
	v0 =	vadd.f32 v50, v0  }
0x15d: {  	v57 =	vld [tilespmem:s26+$0xF0];
	v2 =	vadd.f32 v38, v2  }
0x15e: {  	v58 =	vsub.f32 v46, v47;
	v59 =	vmul.f32 v55, v44;
	v0 =	vadd.f32 v54, v0  }
0x15f: {  	v60 =	vld [tilespmem:s28+$0xF0];
	v2 =	vadd.f32 v41, v2  }
0x160: {  	v61 =	vsub.f32 v49, v52;
	v1 =	vmul.f32 v58, v48;
	v0 =	vadd.f32 v59, v0  }
0x161: {  	v2 =	vadd.f32 v44, v2  }
0x162: {  	v62 =	vsub.f32 v56, v57;
	v3 =	vmul.f32 v61, v53;
	v0 =	vadd.f32 v1, v0  }
0x163: {  	s10 =	sadd.s32 $0x4, s10;
	v2 =	vadd.f32 v48, v2  }
0x164: {  	p0 =	slt.u32 s10, $0x7C;
	v1 =	vmul.f32 v62, v60;
	v0 =	vadd.f32 v3, v0  }
.Ltmp1:
0x165: {  	v2 =	vadd.f32 v53, v2;
	(pc) =	sbr.rel @p0 .LBB2_4-.Ltmp1, $4  }
0x166: {  	v0 =	vadd.f32 v1, v0  }
0x167: {  	v63 =	vadd.f32 v60, v2  }
0x168: {  	s12 =	sadd.s32 $0x200, s12;
	s26 =	sadd.s32 $0x200, s26;
	[tilespmem:s11+$0x10] =	vst v0  }
0x169: {  	s28 =	sadd.s32 $0x200, s28;
	s11 =	sadd.s32 $0x40, s11;
	[tilespmem:s24+$0x10] =	vst v63;
	s24 =	sadd.s32 $0x40, s24  }
0x16a: {  	[hbm4b:s13+s1] =	stream.linear.scatter [tilespmem:s5], [sflag:$0x4], $0x800, $0x38;
	[tilespmem:$0x19600] =	vst v63  }
0x16b: {  	_ =	swait.ge [sflag:s22], $0x800  }
0x16c: {  	[sflag:s22] =	ssyncset.done $0x0  }
0x16d: {  	[sflag:s22] =	ssyncadd.s32 $0xFFFFF800  }
0x16e: {  	[hbm4b:s14+s1] =	stream.linear.scatter [tilespmem:s6], [sflag:$0x4], $0x800, $0x38;
	[tilespmem:$0x19600] =	vst v63  }
0x16f: {  	_ =	swait.ge [sflag:s22], $0x800  }
0x170: {  	[sflag:s22] =	ssyncset.done $0x0  }
0x171: {  	s10 =	simm.s32 $0x180;
	[sflag:s22] =	ssyncadd.s32 $0xFFFFF800  }
0x172: {  	[tilespmem:s30], [sflag:$0x2] =	stream.indirect.gather [hbm4b:s3+s25], $0x80, s10, s25, $0xb8;
	[tilespmem:$0x19600] =	vst v63  }
0x173: {  	s26 =	simm.s32 $0x380  }
0x174: {  	[tilespmem:s0], [sflag:$0x2] =	stream.indirect.gather [hbm4b:s4+s25], $0x80, s26, s25, $0xb8;
	[tilespmem:$0x19600] =	vst v63  }
0x175: {  	_ = 	snop  }
0x176: {  	[tilespmem:s2], [sflag:$0x2] =	stream.linear.gather [hbm4b:s15+s1], $0x4000, $0x38;
	[tilespmem:$0x19600] =	vst v63  }
0x177: {  	_ =	swait.ge [sflag:s31], $0x4000  }
0x178: {  	[sflag:s31] =	ssyncset.done $0x0  }
0x179: {  	[sflag:s31] =	ssyncadd.s32 $0xFFFFC000  }
0x17a: {  	_ =	swait.ge [sflag:s31], $0x4000  }
0x17b: {  	[sflag:s31] =	ssyncset.done $0x0  }
0x17c: {  	[sflag:s31] =	ssyncadd.s32 $0xFFFFC000  }
0x17d: {  	s11 =	simm.s32 $0x18420;
	s24 =	simm.s32 $0x18C20;
	_ =	swait.ge [sflag:s31], $0x4000  }
0x17e: {  	s12 =	simm.s32 $0x500;
	s28 =	simm.s32 $0x8500;
	[sflag:s31] =	ssyncset.done $0x0  }
0x17f: {  	s10 =	simm.s32 $0xFFFFFFFC;
	s26 =	simm.s32 $0x4500;
	[sflag:s31] =	ssyncadd.s32 $0xFFFFC000  }
.LBB2_6:
0x180: {  	v0 =	vld [tilespmem:s12+$0xFFFFFF00]  }
0x181: {  	v1 =	vld [tilespmem:s26+$0xFFFFFF00]  }
0x182: {  	v2 =	vld [tilespmem:s28+$0xFFFFFF00]  }
0x183: {  	v3 =	vld [tilespmem:s12+$0xFFFFFF10]  }
0x184: {  	v4 =	vld [tilespmem:s26+$0xFFFFFF10]  }
0x185: {  	v5 =	vld [tilespmem:s28+$0xFFFFFF10]  }
0x186: {  	v6 =	vld [tilespmem:s12+$0xFFFFFF20]  }
0x187: {  	v7 =	vld [tilespmem:s26+$0xFFFFFF20]  }
0x188: {  	v8 =	vld [tilespmem:s28+$0xFFFFFF20]  }
0x189: {  	v9 =	vld [tilespmem:s12+$0xFFFFFF30]  }
0x18a: {  	v10 =	vld [tilespmem:s26+$0xFFFFFF30]  }
0x18b: {  	v11 =	vld [tilespmem:s28+$0xFFFFFF30]  }
0x18c: {  	v12 =	vld [tilespmem:s12+$0xFFFFFF40]  }
0x18d: {  	v13 =	vld [tilespmem:s26+$0xFFFFFF40]  }
0x18e: {  	v14 =	vld [tilespmem:s28+$0xFFFFFF40]  }
0x18f: {  	v41 =	vld [tilespmem:s12+$0xFFFFFF50];
	v0 =	vsub.f32 v0, v1;
	v40 =	vsub.f32 v3, v4  }
0x190: {  	v42 =	vld [tilespmem:s26+$0xFFFFFF50]  }
0x191: {  	v43 =	vld [tilespmem:s28+$0xFFFFFF50];
	v6 =	vsub.f32 v6, v7;
	v0 =	vmul.f32 v0, v2;
	v1 =	vmul.f32 v40, v5  }
0x192: {  	v15 =	vld [tilespmem:s12+$0xFFFFFF60]  }
0x193: {  	v46 =	vld [tilespmem:s26+$0xFFFFFF60];
	v45 =	vsub.f32 v9, v10;
	v44 =	vmul.f32 v6, v8;
	v0 =	vadd.f32 v1, v0  }
0x194: {  	v47 =	vld [tilespmem:s28+$0xFFFFFF60];
	v2 =	vadd.f32 v5, v2  }
0x195: {  	v50 =	vld [tilespmem:s12+$0xFFFFFF70];
	v49 =	vsub.f32 v12, v13;
	v48 =	vmul.f32 v45, v11;
	v0 =	vadd.f32 v44, v0  }
0x196: {  	v51 =	vld [tilespmem:s26+$0xFFFFFF70];
	v2 =	vadd.f32 v8, v2  }
0x197: {  	v3 =	vsub.f32 v41, v42;
	v52 =	vmul.f32 v49, v14;
	v0 =	vadd.f32 v48, v0  }
0x198: {  	v53 =	vld [tilespmem:s28+$0xFFFFFF70];
	v2 =	vadd.f32 v11, v2  }
0x199: {  	v55 =	vsub.f32 v15, v46;
	v54 =	vmul.f32 v3, v43;
	v0 =	vadd.f32 v52, v0  }
0x19a: {  	v2 =	vadd.f32 v14, v2  }
0x19b: {  	v57 =	vsub.f32 v50, v51;
	v56 =	vmul.f32 v55, v47;
	v0 =	vadd.f32 v54, v0  }
0x19c: {  	v2 =	vadd.f32 v43, v2  }
0x19d: {  	v58 =	vmul.f32 v57, v53;
	v0 =	vadd.f32 v56, v0  }
0x19e: {  	v2 =	vadd.f32 v47, v2  }
0x19f: {  	v0 =	vadd.f32 v58, v0  }
0x1a0: {  	v59 =	vadd.f32 v53, v2  }
0x1a1: {  	[tilespmem:s11+$0xFFFFFFE0] =	vst v0  }
0x1a2: {  	[tilespmem:s24+$0xFFFFFFE0] =	vst v59  }
0x1a3: {  	v0 =	vld [tilespmem:s12+$0xFFFFFF80]  }
0x1a4: {  	v1 =	vld [tilespmem:s26+$0xFFFFFF80]  }
0x1a5: {  	v60 =	vld [tilespmem:s28+$0xFFFFFF80]  }
0x1a6: {  	v61 =	vld [tilespmem:s12+$0xFFFFFF90]  }
0x1a7: {  	v62 =	vld [tilespmem:s26+$0xFFFFFF90]  }
0x1a8: {  	v63 =	vld [tilespmem:s28+$0xFFFFFF90]  }
0x1a9: {  	v16 =	vld [tilespmem:s12+$0xFFFFFFA0]  }
0x1aa: {  	v17 =	vld [tilespmem:s26+$0xFFFFFFA0]  }
0x1ab: {  	v18 =	vld [tilespmem:s28+$0xFFFFFFA0]  }
0x1ac: {  	v19 =	vld [tilespmem:s12+$0xFFFFFFB0]  }
0x1ad: {  	v20 =	vld [tilespmem:s26+$0xFFFFFFB0]  }
0x1ae: {  	v21 =	vld [tilespmem:s28+$0xFFFFFFB0]  }
0x1af: {  	v22 =	vld [tilespmem:s12+$0xFFFFFFC0]  }
0x1b0: {  	v23 =	vld [tilespmem:s26+$0xFFFFFFC0]  }
0x1b1: {  	v24 =	vld [tilespmem:s28+$0xFFFFFFC0]  }
0x1b2: {  	v26 =	vld [tilespmem:s12+$0xFFFFFFD0];
	v0 =	vsub.f32 v0, v1;
	v25 =	vsub.f32 v61, v62  }
0x1b3: {  	v27 =	vld [tilespmem:s26+$0xFFFFFFD0]  }
0x1b4: {  	v28 =	vld [tilespmem:s28+$0xFFFFFFD0];
	v6 =	vsub.f32 v16, v17;
	v0 =	vmul.f32 v0, v60;
	v1 =	vmul.f32 v25, v63  }
0x1b5: {  	v29 =	vld [tilespmem:s12+$0xFFFFFFE0]  }
0x1b6: {  	v32 =	vld [tilespmem:s26+$0xFFFFFFE0];
	v31 =	vsub.f32 v19, v20;
	v30 =	vmul.f32 v6, v18;
	v0 =	vadd.f32 v1, v0  }
0x1b7: {  	v33 =	vld [tilespmem:s28+$0xFFFFFFE0];
	v2 =	vadd.f32 v63, v60  }
0x1b8: {  	v36 =	vld [tilespmem:s12+$0xFFFFFFF0];
	v35 =	vsub.f32 v22, v23;
	v34 =	vmul.f32 v31, v21;
	v0 =	vadd.f32 v30, v0  }
0x1b9: {  	v37 =	vld [tilespmem:s26+$0xFFFFFFF0];
	v2 =	vadd.f32 v18, v2  }
0x1ba: {  	v3 =	vsub.f32 v26, v27;
	v38 =	vmul.f32 v35, v24;
	v0 =	vadd.f32 v34, v0  }
0x1bb: {  	v39 =	vld [tilespmem:s28+$0xFFFFFFF0];
	v2 =	vadd.f32 v21, v2  }
0x1bc: {  	v41 =	vsub.f32 v29, v32;
	v40 =	vmul.f32 v3, v28;
	v0 =	vadd.f32 v38, v0  }
0x1bd: {  	v2 =	vadd.f32 v24, v2  }
0x1be: {  	v43 =	vsub.f32 v36, v37;
	v42 =	vmul.f32 v41, v33;
	v0 =	vadd.f32 v40, v0  }
0x1bf: {  	v2 =	vadd.f32 v28, v2  }
0x1c0: {  	v44 =	vmul.f32 v43, v39;
	v0 =	vadd.f32 v42, v0  }
0x1c1: {  	v2 =	vadd.f32 v33, v2  }
0x1c2: {  	v0 =	vadd.f32 v44, v0  }
0x1c3: {  	v45 =	vadd.f32 v39, v2  }
0x1c4: {  	[tilespmem:s11+$0xFFFFFFF0] =	vst v0  }
0x1c5: {  	[tilespmem:s24+$0xFFFFFFF0] =	vst v45  }
0x1c6: {  	v0 =	vld [tilespmem:s12+$0x0]  }
0x1c7: {  	v1 =	vld [tilespmem:s26+$0x0]  }
0x1c8: {  	v46 =	vld [tilespmem:s28+$0x0]  }
0x1c9: {  	v47 =	vld [tilespmem:s12+$0x10]  }
0x1ca: {  	v48 =	vld [tilespmem:s26+$0x10]  }
0x1cb: {  	v49 =	vld [tilespmem:s28+$0x10]  }
0x1cc: {  	v50 =	vld [tilespmem:s12+$0x20]  }
0x1cd: {  	v51 =	vld [tilespmem:s26+$0x20]  }
0x1ce: {  	v52 =	vld [tilespmem:s28+$0x20]  }
0x1cf: {  	v53 =	vld [tilespmem:s12+$0x30]  }
0x1d0: {  	v54 =	vld [tilespmem:s26+$0x30]  }
0x1d1: {  	v55 =	vld [tilespmem:s28+$0x30]  }
0x1d2: {  	v56 =	vld [tilespmem:s12+$0x40]  }
0x1d3: {  	v57 =	vld [tilespmem:s26+$0x40]  }
0x1d4: {  	v58 =	vld [tilespmem:s28+$0x40]  }
0x1d5: {  	v60 =	vld [tilespmem:s12+$0x50];
	v0 =	vsub.f32 v0, v1;
	v59 =	vsub.f32 v47, v48  }
0x1d6: {  	v61 =	vld [tilespmem:s26+$0x50]  }
0x1d7: {  	v62 =	vld [tilespmem:s28+$0x50];
	v6 =	vsub.f32 v50, v51;
	v0 =	vmul.f32 v0, v46;
	v1 =	vmul.f32 v59, v49  }
0x1d8: {  	v63 =	vld [tilespmem:s12+$0x60]  }
0x1d9: {  	v18 =	vld [tilespmem:s26+$0x60];
	v17 =	vsub.f32 v53, v54;
	v16 =	vmul.f32 v6, v52;
	v0 =	vadd.f32 v1, v0  }
0x1da: {  	v19 =	vld [tilespmem:s28+$0x60];
	v2 =	vadd.f32 v49, v46  }
0x1db: {  	v22 =	vld [tilespmem:s12+$0x70];
	v21 =	vsub.f32 v56, v57;
	v20 =	vmul.f32 v17, v55;
	v0 =	vadd.f32 v16, v0  }
0x1dc: {  	v23 =	vld [tilespmem:s26+$0x70];
	v2 =	vadd.f32 v52, v2  }
0x1dd: {  	v3 =	vsub.f32 v60, v61;
	v24 =	vmul.f32 v21, v58;
	v0 =	vadd.f32 v20, v0  }
0x1de: {  	v25 =	vld [tilespmem:s28+$0x70];
	v2 =	vadd.f32 v55, v2  }
0x1df: {  	v27 =	vsub.f32 v63, v18;
	v26 =	vmul.f32 v3, v62;
	v0 =	vadd.f32 v24, v0  }
0x1e0: {  	v2 =	vadd.f32 v58, v2  }
0x1e1: {  	v29 =	vsub.f32 v22, v23;
	v28 =	vmul.f32 v27, v19;
	v0 =	vadd.f32 v26, v0  }
0x1e2: {  	v2 =	vadd.f32 v62, v2  }
0x1e3: {  	v30 =	vmul.f32 v29, v25;
	v0 =	vadd.f32 v28, v0  }
0x1e4: {  	v2 =	vadd.f32 v19, v2  }
0x1e5: {  	v0 =	vadd.f32 v30, v0  }
0x1e6: {  	v31 =	vadd.f32 v25, v2  }
0x1e7: {  	[tilespmem:s11+$0x0] =	vst v0  }
0x1e8: {  	[tilespmem:s24+$0x0] =	vst v31  }
0x1e9: {  	v0 =	vld [tilespmem:s12+$0x80]  }
0x1ea: {  	v1 =	vld [tilespmem:s26+$0x80]  }
0x1eb: {  	v32 =	vld [tilespmem:s28+$0x80]  }
0x1ec: {  	v33 =	vld [tilespmem:s12+$0x90]  }
0x1ed: {  	v34 =	vld [tilespmem:s26+$0x90]  }
0x1ee: {  	v35 =	vld [tilespmem:s28+$0x90]  }
0x1ef: {  	v36 =	vld [tilespmem:s12+$0xA0]  }
0x1f0: {  	v37 =	vld [tilespmem:s26+$0xA0]  }
0x1f1: {  	v38 =	vld [tilespmem:s28+$0xA0]  }
0x1f2: {  	v39 =	vld [tilespmem:s12+$0xB0]  }
0x1f3: {  	v40 =	vld [tilespmem:s26+$0xB0]  }
0x1f4: {  	v41 =	vld [tilespmem:s28+$0xB0]  }
0x1f5: {  	v42 =	vld [tilespmem:s12+$0xC0]  }
0x1f6: {  	v43 =	vld [tilespmem:s26+$0xC0]  }
0x1f7: {  	v44 =	vld [tilespmem:s28+$0xC0]  }
0x1f8: {  	v46 =	vld [tilespmem:s12+$0xD0];
	v0 =	vsub.f32 v0, v1;
	v45 =	vsub.f32 v33, v34  }
0x1f9: {  	v47 =	vld [tilespmem:s26+$0xD0]  }
0x1fa: {  	v48 =	vld [tilespmem:s28+$0xD0];
	v6 =	vsub.f32 v36, v37;
	v0 =	vmul.f32 v0, v32;
	v1 =	vmul.f32 v45, v35  }
0x1fb: {  	v49 =	vld [tilespmem:s12+$0xE0]  }
0x1fc: {  	v52 =	vld [tilespmem:s26+$0xE0];
	v51 =	vsub.f32 v39, v40;
	v50 =	vmul.f32 v6, v38;
	v0 =	vadd.f32 v1, v0  }
0x1fd: {  	v53 =	vld [tilespmem:s28+$0xE0];
	v2 =	vadd.f32 v35, v32  }
0x1fe: {  	v56 =	vld [tilespmem:s12+$0xF0];
	v55 =	vsub.f32 v42, v43;
	v54 =	vmul.f32 v51, v41;
	v0 =	vadd.f32 v50, v0  }
0x1ff: {  	v57 =	vld [tilespmem:s26+$0xF0];
	v2 =	vadd.f32 v38, v2  }
0x200: {  	v58 =	vsub.f32 v46, v47;
	v59 =	vmul.f32 v55, v44;
	v0 =	vadd.f32 v54, v0  }
0x201: {  	v60 =	vld [tilespmem:s28+$0xF0];
	v2 =	vadd.f32 v41, v2  }
0x202: {  	v61 =	vsub.f32 v49, v52;
	v1 =	vmul.f32 v58, v48;
	v0 =	vadd.f32 v59, v0  }
0x203: {  	v2 =	vadd.f32 v44, v2  }
0x204: {  	v62 =	vsub.f32 v56, v57;
	v3 =	vmul.f32 v61, v53;
	v0 =	vadd.f32 v1, v0  }
0x205: {  	s10 =	sadd.s32 $0x4, s10;
	v2 =	vadd.f32 v48, v2  }
0x206: {  	p0 =	slt.u32 s10, $0x7C;
	v1 =	vmul.f32 v62, v60;
	v0 =	vadd.f32 v3, v0  }
.Ltmp2:
0x207: {  	v2 =	vadd.f32 v53, v2;
	(pc) =	sbr.rel @p0 .LBB2_6-.Ltmp2, $4  }
0x208: {  	v0 =	vadd.f32 v1, v0  }
0x209: {  	v63 =	vadd.f32 v60, v2  }
0x20a: {  	s12 =	sadd.s32 $0x200, s12;
	s26 =	sadd.s32 $0x200, s26;
	[tilespmem:s11+$0x10] =	vst v0  }
0x20b: {  	s28 =	sadd.s32 $0x200, s28;
	s11 =	sadd.s32 $0x40, s11;
	[tilespmem:s24+$0x10] =	vst v63;
	s24 =	sadd.s32 $0x40, s24  }
0x20c: {  	[hbm4b:s16+s1] =	stream.linear.scatter [tilespmem:s5], [sflag:$0x4], $0x800, $0x38;
	[tilespmem:$0x19600] =	vst v63  }
0x20d: {  	_ =	swait.ge [sflag:s22], $0x800  }
0x20e: {  	[sflag:s22] =	ssyncset.done $0x0  }
0x20f: {  	[sflag:s22] =	ssyncadd.s32 $0xFFFFF800  }
0x210: {  	[hbm4b:s17+s1] =	stream.linear.scatter [tilespmem:s6], [sflag:$0x4], $0x800, $0x38;
	[tilespmem:$0x19600] =	vst v63  }
0x211: {  	_ =	swait.ge [sflag:s22], $0x800  }
0x212: {  	[sflag:s22] =	ssyncset.done $0x0  }
0x213: {  	[sflag:s22] =	ssyncadd.s32 $0xFFFFF800  }
0x214: {  	_ =	swait.ge [sflag:s7], $0x4000  }
0x215: {  	[sflag:s7] =	ssyncset.done $0x0  }
0x216: {  	[sflag:s7] =	ssyncadd.s32 $0xFFFFC000  }
0x217: {  	_ =	swait.ge [sflag:s7], $0x4000  }
0x218: {  	[sflag:s7] =	ssyncset.done $0x0  }
0x219: {  	[sflag:s7] =	ssyncadd.s32 $0xFFFFC000  }
0x21a: {  	s10 =	simm.s32 $0xFFFFFFFC;
	s11 =	simm.s32 $0x18420;
	_ =	swait.ge [sflag:s7], $0x4000  }
0x21b: {  	s24 =	simm.s32 $0x18C20;
	s12 =	simm.s32 $0xC500;
	[sflag:s7] =	ssyncset.done $0x0  }
0x21c: {  	s26 =	simm.s32 $0x10500;
	s28 =	simm.s32 $0x14500;
	[sflag:s7] =	ssyncadd.s32 $0xFFFFC000  }
.LBB2_8:
0x21d: {  	v0 =	vld [tilespmem:s12+$0xFFFFFF00]  }
0x21e: {  	v1 =	vld [tilespmem:s26+$0xFFFFFF00]  }
0x21f: {  	v2 =	vld [tilespmem:s28+$0xFFFFFF00]  }
0x220: {  	v3 =	vld [tilespmem:s12+$0xFFFFFF10]  }
0x221: {  	v4 =	vld [tilespmem:s26+$0xFFFFFF10]  }
0x222: {  	v5 =	vld [tilespmem:s28+$0xFFFFFF10]  }
0x223: {  	v6 =	vld [tilespmem:s12+$0xFFFFFF20]  }
0x224: {  	v7 =	vld [tilespmem:s26+$0xFFFFFF20]  }
0x225: {  	v8 =	vld [tilespmem:s28+$0xFFFFFF20]  }
0x226: {  	v9 =	vld [tilespmem:s12+$0xFFFFFF30]  }
0x227: {  	v10 =	vld [tilespmem:s26+$0xFFFFFF30]  }
0x228: {  	v11 =	vld [tilespmem:s28+$0xFFFFFF30]  }
0x229: {  	v12 =	vld [tilespmem:s12+$0xFFFFFF40]  }
0x22a: {  	v13 =	vld [tilespmem:s26+$0xFFFFFF40]  }
0x22b: {  	v14 =	vld [tilespmem:s28+$0xFFFFFF40]  }
0x22c: {  	v41 =	vld [tilespmem:s12+$0xFFFFFF50];
	v0 =	vsub.f32 v0, v1;
	v40 =	vsub.f32 v3, v4  }
0x22d: {  	v42 =	vld [tilespmem:s26+$0xFFFFFF50]  }
0x22e: {  	v43 =	vld [tilespmem:s28+$0xFFFFFF50];
	v6 =	vsub.f32 v6, v7;
	v0 =	vmul.f32 v0, v2;
	v1 =	vmul.f32 v40, v5  }
0x22f: {  	v15 =	vld [tilespmem:s12+$0xFFFFFF60]  }
0x230: {  	v46 =	vld [tilespmem:s26+$0xFFFFFF60];
	v45 =	vsub.f32 v9, v10;
	v44 =	vmul.f32 v6, v8;
	v0 =	vadd.f32 v1, v0  }
0x231: {  	v47 =	vld [tilespmem:s28+$0xFFFFFF60];
	v2 =	vadd.f32 v5, v2  }
0x232: {  	v50 =	vld [tilespmem:s12+$0xFFFFFF70];
	v49 =	vsub.f32 v12, v13;
	v48 =	vmul.f32 v45, v11;
	v0 =	vadd.f32 v44, v0  }
0x233: {  	v51 =	vld [tilespmem:s26+$0xFFFFFF70];
	v2 =	vadd.f32 v8, v2  }
0x234: {  	v3 =	vsub.f32 v41, v42;
	v52 =	vmul.f32 v49, v14;
	v0 =	vadd.f32 v48, v0  }
0x235: {  	v53 =	vld [tilespmem:s28+$0xFFFFFF70];
	v2 =	vadd.f32 v11, v2  }
0x236: {  	v55 =	vsub.f32 v15, v46;
	v54 =	vmul.f32 v3, v43;
	v0 =	vadd.f32 v52, v0  }
0x237: {  	v2 =	vadd.f32 v14, v2  }
0x238: {  	v57 =	vsub.f32 v50, v51;
	v56 =	vmul.f32 v55, v47;
	v0 =	vadd.f32 v54, v0  }
0x239: {  	v2 =	vadd.f32 v43, v2  }
0x23a: {  	v58 =	vmul.f32 v57, v53;
	v0 =	vadd.f32 v56, v0  }
0x23b: {  	v2 =	vadd.f32 v47, v2  }
0x23c: {  	v0 =	vadd.f32 v58, v0  }
0x23d: {  	v59 =	vadd.f32 v53, v2  }
0x23e: {  	[tilespmem:s11+$0xFFFFFFE0] =	vst v0  }
0x23f: {  	[tilespmem:s24+$0xFFFFFFE0] =	vst v59  }
0x240: {  	v0 =	vld [tilespmem:s12+$0xFFFFFF80]  }
0x241: {  	v1 =	vld [tilespmem:s26+$0xFFFFFF80]  }
0x242: {  	v60 =	vld [tilespmem:s28+$0xFFFFFF80]  }
0x243: {  	v61 =	vld [tilespmem:s12+$0xFFFFFF90]  }
0x244: {  	v62 =	vld [tilespmem:s26+$0xFFFFFF90]  }
0x245: {  	v63 =	vld [tilespmem:s28+$0xFFFFFF90]  }
0x246: {  	v16 =	vld [tilespmem:s12+$0xFFFFFFA0]  }
0x247: {  	v17 =	vld [tilespmem:s26+$0xFFFFFFA0]  }
0x248: {  	v18 =	vld [tilespmem:s28+$0xFFFFFFA0]  }
0x249: {  	v19 =	vld [tilespmem:s12+$0xFFFFFFB0]  }
0x24a: {  	v20 =	vld [tilespmem:s26+$0xFFFFFFB0]  }
0x24b: {  	v21 =	vld [tilespmem:s28+$0xFFFFFFB0]  }
0x24c: {  	v22 =	vld [tilespmem:s12+$0xFFFFFFC0]  }
0x24d: {  	v23 =	vld [tilespmem:s26+$0xFFFFFFC0]  }
0x24e: {  	v24 =	vld [tilespmem:s28+$0xFFFFFFC0]  }
0x24f: {  	v26 =	vld [tilespmem:s12+$0xFFFFFFD0];
	v0 =	vsub.f32 v0, v1;
	v25 =	vsub.f32 v61, v62  }
0x250: {  	v27 =	vld [tilespmem:s26+$0xFFFFFFD0]  }
0x251: {  	v28 =	vld [tilespmem:s28+$0xFFFFFFD0];
	v6 =	vsub.f32 v16, v17;
	v0 =	vmul.f32 v0, v60;
	v1 =	vmul.f32 v25, v63  }
0x252: {  	v29 =	vld [tilespmem:s12+$0xFFFFFFE0]  }
0x253: {  	v32 =	vld [tilespmem:s26+$0xFFFFFFE0];
	v31 =	vsub.f32 v19, v20;
	v30 =	vmul.f32 v6, v18;
	v0 =	vadd.f32 v1, v0  }
0x254: {  	v33 =	vld [tilespmem:s28+$0xFFFFFFE0];
	v2 =	vadd.f32 v63, v60  }
0x255: {  	v36 =	vld [tilespmem:s12+$0xFFFFFFF0];
	v35 =	vsub.f32 v22, v23;
	v34 =	vmul.f32 v31, v21;
	v0 =	vadd.f32 v30, v0  }
0x256: {  	v37 =	vld [tilespmem:s26+$0xFFFFFFF0];
	v2 =	vadd.f32 v18, v2  }
0x257: {  	v3 =	vsub.f32 v26, v27;
	v38 =	vmul.f32 v35, v24;
	v0 =	vadd.f32 v34, v0  }
0x258: {  	v39 =	vld [tilespmem:s28+$0xFFFFFFF0];
	v2 =	vadd.f32 v21, v2  }
0x259: {  	v41 =	vsub.f32 v29, v32;
	v40 =	vmul.f32 v3, v28;
	v0 =	vadd.f32 v38, v0  }
0x25a: {  	v2 =	vadd.f32 v24, v2  }
0x25b: {  	v43 =	vsub.f32 v36, v37;
	v42 =	vmul.f32 v41, v33;
	v0 =	vadd.f32 v40, v0  }
0x25c: {  	v2 =	vadd.f32 v28, v2  }
0x25d: {  	v44 =	vmul.f32 v43, v39;
	v0 =	vadd.f32 v42, v0  }
0x25e: {  	v2 =	vadd.f32 v33, v2  }
0x25f: {  	v0 =	vadd.f32 v44, v0  }
0x260: {  	v45 =	vadd.f32 v39, v2  }
0x261: {  	[tilespmem:s11+$0xFFFFFFF0] =	vst v0  }
0x262: {  	[tilespmem:s24+$0xFFFFFFF0] =	vst v45  }
0x263: {  	v0 =	vld [tilespmem:s12+$0x0]  }
0x264: {  	v1 =	vld [tilespmem:s26+$0x0]  }
0x265: {  	v46 =	vld [tilespmem:s28+$0x0]  }
0x266: {  	v47 =	vld [tilespmem:s12+$0x10]  }
0x267: {  	v48 =	vld [tilespmem:s26+$0x10]  }
0x268: {  	v49 =	vld [tilespmem:s28+$0x10]  }
0x269: {  	v50 =	vld [tilespmem:s12+$0x20]  }
0x26a: {  	v51 =	vld [tilespmem:s26+$0x20]  }
0x26b: {  	v52 =	vld [tilespmem:s28+$0x20]  }
0x26c: {  	v53 =	vld [tilespmem:s12+$0x30]  }
0x26d: {  	v54 =	vld [tilespmem:s26+$0x30]  }
0x26e: {  	v55 =	vld [tilespmem:s28+$0x30]  }
0x26f: {  	v56 =	vld [tilespmem:s12+$0x40]  }
0x270: {  	v57 =	vld [tilespmem:s26+$0x40]  }
0x271: {  	v58 =	vld [tilespmem:s28+$0x40]  }
0x272: {  	v60 =	vld [tilespmem:s12+$0x50];
	v0 =	vsub.f32 v0, v1;
	v59 =	vsub.f32 v47, v48  }
0x273: {  	v61 =	vld [tilespmem:s26+$0x50]  }
0x274: {  	v62 =	vld [tilespmem:s28+$0x50];
	v6 =	vsub.f32 v50, v51;
	v0 =	vmul.f32 v0, v46;
	v1 =	vmul.f32 v59, v49  }
0x275: {  	v63 =	vld [tilespmem:s12+$0x60]  }
0x276: {  	v18 =	vld [tilespmem:s26+$0x60];
	v17 =	vsub.f32 v53, v54;
	v16 =	vmul.f32 v6, v52;
	v0 =	vadd.f32 v1, v0  }
0x277: {  	v19 =	vld [tilespmem:s28+$0x60];
	v2 =	vadd.f32 v49, v46  }
0x278: {  	v22 =	vld [tilespmem:s12+$0x70];
	v21 =	vsub.f32 v56, v57;
	v20 =	vmul.f32 v17, v55;
	v0 =	vadd.f32 v16, v0  }
0x279: {  	v23 =	vld [tilespmem:s26+$0x70];
	v2 =	vadd.f32 v52, v2  }
0x27a: {  	v3 =	vsub.f32 v60, v61;
	v24 =	vmul.f32 v21, v58;
	v0 =	vadd.f32 v20, v0  }
0x27b: {  	v25 =	vld [tilespmem:s28+$0x70];
	v2 =	vadd.f32 v55, v2  }
0x27c: {  	v27 =	vsub.f32 v63, v18;
	v26 =	vmul.f32 v3, v62;
	v0 =	vadd.f32 v24, v0  }
0x27d: {  	v2 =	vadd.f32 v58, v2  }
0x27e: {  	v29 =	vsub.f32 v22, v23;
	v28 =	vmul.f32 v27, v19;
	v0 =	vadd.f32 v26, v0  }
0x27f: {  	v2 =	vadd.f32 v62, v2  }
0x280: {  	v30 =	vmul.f32 v29, v25;
	v0 =	vadd.f32 v28, v0  }
0x281: {  	v2 =	vadd.f32 v19, v2  }
0x282: {  	v0 =	vadd.f32 v30, v0  }
0x283: {  	v31 =	vadd.f32 v25, v2  }
0x284: {  	[tilespmem:s11+$0x0] =	vst v0  }
0x285: {  	[tilespmem:s24+$0x0] =	vst v31  }
0x286: {  	v0 =	vld [tilespmem:s12+$0x80]  }
0x287: {  	v1 =	vld [tilespmem:s26+$0x80]  }
0x288: {  	v32 =	vld [tilespmem:s28+$0x80]  }
0x289: {  	v33 =	vld [tilespmem:s12+$0x90]  }
0x28a: {  	v34 =	vld [tilespmem:s26+$0x90]  }
0x28b: {  	v35 =	vld [tilespmem:s28+$0x90]  }
0x28c: {  	v36 =	vld [tilespmem:s12+$0xA0]  }
0x28d: {  	v37 =	vld [tilespmem:s26+$0xA0]  }
0x28e: {  	v38 =	vld [tilespmem:s28+$0xA0]  }
0x28f: {  	v39 =	vld [tilespmem:s12+$0xB0]  }
0x290: {  	v40 =	vld [tilespmem:s26+$0xB0]  }
0x291: {  	v41 =	vld [tilespmem:s28+$0xB0]  }
0x292: {  	v42 =	vld [tilespmem:s12+$0xC0]  }
0x293: {  	v43 =	vld [tilespmem:s26+$0xC0]  }
0x294: {  	v44 =	vld [tilespmem:s28+$0xC0]  }
0x295: {  	v46 =	vld [tilespmem:s12+$0xD0];
	v0 =	vsub.f32 v0, v1;
	v45 =	vsub.f32 v33, v34  }
0x296: {  	v47 =	vld [tilespmem:s26+$0xD0]  }
0x297: {  	v48 =	vld [tilespmem:s28+$0xD0];
	v6 =	vsub.f32 v36, v37;
	v0 =	vmul.f32 v0, v32;
	v1 =	vmul.f32 v45, v35  }
0x298: {  	v49 =	vld [tilespmem:s12+$0xE0]  }
0x299: {  	v52 =	vld [tilespmem:s26+$0xE0];
	v51 =	vsub.f32 v39, v40;
	v50 =	vmul.f32 v6, v38;
	v0 =	vadd.f32 v1, v0  }
0x29a: {  	v53 =	vld [tilespmem:s28+$0xE0];
	v2 =	vadd.f32 v35, v32  }
0x29b: {  	v56 =	vld [tilespmem:s12+$0xF0];
	v55 =	vsub.f32 v42, v43;
	v54 =	vmul.f32 v51, v41;
	v0 =	vadd.f32 v50, v0  }
0x29c: {  	v57 =	vld [tilespmem:s26+$0xF0];
	v2 =	vadd.f32 v38, v2  }
0x29d: {  	v58 =	vsub.f32 v46, v47;
	v59 =	vmul.f32 v55, v44;
	v0 =	vadd.f32 v54, v0  }
0x29e: {  	v60 =	vld [tilespmem:s28+$0xF0];
	v2 =	vadd.f32 v41, v2  }
0x29f: {  	v61 =	vsub.f32 v49, v52;
	v1 =	vmul.f32 v58, v48;
	v0 =	vadd.f32 v59, v0  }
0x2a0: {  	v2 =	vadd.f32 v44, v2  }
0x2a1: {  	v62 =	vsub.f32 v56, v57;
	v3 =	vmul.f32 v61, v53;
	v0 =	vadd.f32 v1, v0  }
0x2a2: {  	s10 =	sadd.s32 $0x4, s10;
	v2 =	vadd.f32 v48, v2  }
0x2a3: {  	p0 =	slt.u32 s10, $0x7C;
	v1 =	vmul.f32 v62, v60;
	v0 =	vadd.f32 v3, v0  }
.Ltmp3:
0x2a4: {  	v2 =	vadd.f32 v53, v2;
	(pc) =	sbr.rel @p0 .LBB2_8-.Ltmp3, $4  }
0x2a5: {  	v0 =	vadd.f32 v1, v0  }
0x2a6: {  	v63 =	vadd.f32 v60, v2  }
0x2a7: {  	s12 =	sadd.s32 $0x200, s12;
	s26 =	sadd.s32 $0x200, s26;
	[tilespmem:s11+$0x10] =	vst v0  }
0x2a8: {  	s28 =	sadd.s32 $0x200, s28;
	s11 =	sadd.s32 $0x40, s11;
	[tilespmem:s24+$0x10] =	vst v63;
	s24 =	sadd.s32 $0x40, s24  }
0x2a9: {  	[hbm4b:s18+s1] =	stream.linear.scatter [tilespmem:s5], [sflag:$0x4], $0x800, $0x38;
	[tilespmem:$0x19600] =	vst v63  }
0x2aa: {  	_ =	swait.ge [sflag:s22], $0x800  }
0x2ab: {  	[sflag:s22] =	ssyncset.done $0x0  }
0x2ac: {  	[sflag:s22] =	ssyncadd.s32 $0xFFFFF800  }
0x2ad: {  	[hbm4b:s19+s1] =	stream.linear.scatter [tilespmem:s6], [sflag:$0x4], $0x800, $0x38;
	[tilespmem:$0x19600] =	vst v63  }
0x2ae: {  	_ =	swait.ge [sflag:s22], $0x800  }
0x2af: {  	[sflag:s22] =	ssyncset.done $0x0  }
0x2b0: {  	[sflag:s22] =	ssyncadd.s32 $0xFFFFF800  }
0x2b1: {  	s9 =	sadd.s32 $0x1, s9;
	_ =	swait.ge [sflag:s8], $0x200  }
0x2b2: {  	p0 =	sne.s32 s9, s21;
	[sflag:s8] =	ssyncset.done $0x0  }
.Ltmp4:
0x2b3: {  	s11 =	simm.s32 $0x19400;
	[sflag:s8] =	ssyncadd.s32 $0xFFFFFE00;
	(pc) =	sbr.rel @p0 .LBB2_1-.Ltmp4, $4  }
0x2b4: {  	[hbm4b:s20+s1] =	stream.linear.scatter [tilespmem:s11], [sflag:$0x4], $0x200, $0x38;
	[tilespmem:$0x19600] =	vst v63  }
0x2b5: {  	_ =	swait.ge [sflag:s22], $0x200  }
0x2b6: {  	[sflag:s22] =	ssyncset.done $0x0  }
0x2b7: {  	[sflag:s22] =	ssyncadd.s32 $0xFFFFFE00  }
0x2b8: {  	_ =	sfence.sel $0x180000  }
0x2b9: {  	[bflag:$0x0] =	sbarrier.arrive $0xFFFF  }
0x2ba: {  	_ =	strace $0x90000047  }
0x2bb: {  	s0 =	stileid.u32;
	[bflag:$0x2] =	sbarrier.arrive $0xFFFF  }
0x2bc: {  	p0 =	sne.s32 s0, $0x0;
	s0 =	rddreg [dreg:$0x5]  }
0x2bd: {  	s0 =	sadd.s32 @!p0 $0x100000, s0  }
0x2be: {  	[sflag:s0] =	ssyncadd.tile.s32 @!p0 $0x1;
	_ =	shalt  }
.Lfunc_end2:
_tile_overlayer_lowered:
.L_overlay_start_2:
0x2bf: {  	(tag) =	ssettag $0x2  }
0x2c0: {  	s0 =	rddreg [dreg:$0x0];
	s2 =	stileid.u32  }
0x2c1: {  	s1 =	rddreg [dreg:$0x1];
	p0 =	sne.s32 s2, $0x0  }
0x2c2: {  	s3 =	rddreg [dreg:$0x2];
	[bflag:$0x3] =	sbarrier.arrive $0xFFFF;
	s2 =	simm.s32 @!p0 $0x1C04  }
0x2c3: {  	[timem:s3], [sflag:s2] =	dma.local @!p0 [hbm:s0], s1  }
0x2c4: {  	s0 =	simm.s32 @!p0 $0x4  }
0x2c5: {  	_ =	swait.ge @!p0 [sflag:s0], s1  }
0x2c6: {  	s1 =	ssub.s32 @!p0 $0x0, s1;
	[sflag:s0] =	ssyncset.done @!p0 $0x0  }
0x2c7: {  	[sflag:s0] =	ssyncadd.s32 @!p0 s1  }
0x2c8: {  	[bflag:$0x3] =	sbarrier.arrive $0xFFFF  }
0x2c9: {  	_ =	shalt  }

</sc_bundles>
